<compile_context>
chip_gen: v7x
topology: tpu7x:2x2x1
jax: 0.10.2.dev20260603
libtpu: 0.0.44.dev20260713+nightly
codegen_flags: <defaults>
</compile_context>

<pallas_src>
import jax
import jax.numpy as jnp
from jax import lax
from jax.experimental import pallas as pl
from jax.experimental.pallas import tpu as pltpu
from jax.experimental.pallas import tpu_sc as plsc

B = 16384
D = 64
NW = 32
PPW = B // NW
CT_TOTAL = 7813
CT_PER_W = 245
BOXCAP = 128
NSLOT = 2 * B
_PARAMS = pltpu.CompilerParams(
    needs_layout_passes=False, use_tc_tiling_on_sc=True)


def _wid():
    return lax.axis_index("s") * 2 + lax.axis_index("c")


def _extract(vec, j):
    return vec[jnp.full((16,), j, jnp.int32)][0]


def _bin_body(src_hbm, tgt_hbm, boxes_hbm, counts_hbm, idxv, outbox, cntv,
              sem):
    w = _wid()
    pltpu.sync_copy(src_hbm.at[pl.ds(w * PPW, PPW)], idxv.at[pl.ds(0, PPW)])
    pltpu.sync_copy(tgt_hbm.at[pl.ds(w * PPW, PPW)],
                    idxv.at[pl.ds(PPW, PPW)])

    lanes = lax.iota(jnp.int32, 16)
    for k in range(NW):
        def scan_body(i, cnt, k=k):
            v = idxv[pl.ds(i * 16, 16)]
            ct = lax.shift_right_logical(v, 7)
            m = jnp.bitwise_and(ct, NW - 1) == k
            local = i * 16 + lanes
            slot = jnp.where(local < PPW, w * PPW + local,
                             B + w * PPW + (local - PPW))
            comb = (lax.shift_right_logical(ct, 5) << 22) | \
                   (jnp.bitwise_and(v, 127) << 15) | slot
            plsc.store_compressed(
                outbox.at[pl.ds(k * BOXCAP + cnt, 16)], comb, mask=m)
            return cnt + plsc.all_reduce_population_count(m)[0]

        cnt_k = lax.fori_loop(0, (2 * PPW) // 16, scan_body, 0)
        half = k // 16
        cntv[pl.ds(half * 16, 16)] = jnp.where(
            lanes == (k % 16), cnt_k, cntv[pl.ds(half * 16, 16)])

    pltpu.sync_copy(outbox, boxes_hbm.at[pl.ds(w * NW * BOXCAP, NW * BOXCAP)])
    pltpu.sync_copy(cntv, counts_hbm.at[pl.ds(w * NW, NW)])


@jax.jit
def _bin_call(sources, targets):
    f = pl.kernel(
        _bin_body,
        mesh=plsc.VectorSubcoreMesh(core_axis_name="c", subcore_axis_name="s"),
        out_type=(jax.ShapeDtypeStruct((NW * NW * BOXCAP,), jnp.int32),
                  jax.ShapeDtypeStruct((NW * NW,), jnp.int32)),
        scratch_types=[
            pltpu.VMEM((2 * PPW,), jnp.int32),
            pltpu.VMEM((NW * BOXCAP,), jnp.int32),
            pltpu.VMEM((NW,), jnp.int32),
            pltpu.SemaphoreType.DMA,
        ],
        compiler_params=_PARAMS,
    )
    return f(sources, targets)


WLCAP = 2048
NBKT = 16
BKTCAP = 128
FBCAP = 48


def _sweep_body(table_hbm, boxes_hbm, counts_hbm, stage_hbm,
                wl, cntv, bkt, bktcnt, fbkt, fbcnt, piece, col, sem, csem):
    k = _wid()
    lanes = lax.iota(jnp.int32, 16)

    pltpu.sync_copy(counts_hbm, cntv)
    for w in range(NW):
        pltpu.sync_copy(
            boxes_hbm.at[pl.ds((w * NW + k) * BOXCAP, BOXCAP)],
            wl.at[pl.ds(w * BOXCAP, BOXCAP)])

    def bucket_pass(b):
        def inner(w, cnt, b=b):
            mycnt = _extract(cntv[pl.ds((w * NW + k) // 16 * 16, 16)],
                             (w * NW + k) % 16)
            def vreg_body(q, cnt2):
                v = wl[pl.ds(w * BOXCAP + q * 16, 16)]
                valid = (q * 16 + lanes) < mycnt
                m = jnp.logical_and(
                    valid,
                    lax.shift_right_logical(v, 22 + 4) == b)
                plsc.store_compressed(
                    bkt.at[pl.ds(b * BKTCAP + cnt2, 16)], v, mask=m)
                return cnt2 + plsc.all_reduce_population_count(m)[0]
            return lax.fori_loop(0, BOXCAP // 16, vreg_body, cnt)
        return lax.fori_loop(0, NW, inner, 0)

    for b in range(NBKT):
        nb = bucket_pass(b)
        half = b // 16
        bktcnt[pl.ds(0, 16)] = jnp.where(lanes == b, nb, bktcnt[pl.ds(0, 16)])

    for b in range(NBKT):
        nbv = _extract(bktcnt[pl.ds(0, 16)], b)
        for sub in range(4):
            def sub_pass(q, cnt2, b=b, sub=sub, nbv=nbv):
                v = bkt[pl.ds(b * BKTCAP + q * 16, 16)]
                valid = (q * 16 + lanes) < nbv
                m = jnp.logical_and(
                    valid,
                    jnp.bitwise_and(lax.shift_right_logical(v, 24), 3) == sub)
                plsc.store_compressed(
                    fbkt.at[pl.ds((b * 4 + sub) * FBCAP + cnt2, 16)],
                    v, mask=m)
                return cnt2 + plsc.all_reduce_population_count(m)[0]
            nf = lax.fori_loop(0, BKTCAP // 16, sub_pass, 0)
            fb = b * 4 + sub
            half2 = fb // 16
            fbcnt[pl.ds(half2 * 16, 16)] = jnp.where(
                lanes == (fb % 16), nf, fbcnt[pl.ds(half2 * 16, 16)])

    def fire(ct_i, which):
        ct = ct_i * NW + k
        @pl.when(ct < CT_TOTAL - 1)
        def _():
            for bb in range(8):
                pltpu.async_copy(
                    table_hbm.at[pl.ds(bb * 8, 8), pl.ds(ct * 128, 128)],
                    piece.at[which, pl.ds(bb * 8, 8), :], sem.at[which])
        @pl.when(ct == CT_TOTAL - 1)
        def _():
            for bb in range(8):
                pltpu.async_copy(
                    table_hbm.at[pl.ds(bb * 8, 8), pl.ds(ct * 128, 64)],
                    piece.at[which, pl.ds(bb * 8, 8), pl.ds(0, 64)],
                    sem.at[which])

    for pf in range(7):
        fire(pf, pf)

    def ct_body(ct_i, hitcount):
        which = lax.rem(ct_i, 8)
        ct = ct_i * NW + k

        @pl.when(ct_i + 7 < CT_PER_W)
        def _():
            fire(ct_i + 7, lax.rem(ct_i + 7, 8))

        @pl.when(ct < CT_TOTAL - 1)
        def _():
            for bb in range(8):
                pltpu.make_async_copy(
                    table_hbm.at[pl.ds(0, 8), pl.ds(0, 128)],
                    piece.at[0].at[pl.ds(bb * 8, 8), :],
                    sem.at[which]).wait()

        @pl.when(ct == CT_TOTAL - 1)
        def _():
            for bb in range(8):
                pltpu.make_async_copy(
                    table_hbm.at[pl.ds(0, 8), pl.ds(0, 64)],
                    piece.at[0].at[pl.ds(bb * 8, 8), pl.ds(0, 64)],
                    sem.at[which]).wait()

        def handle_hits(hc):
            b = lax.shift_right_logical(ct_i, 2)
            nb = _extract(
                fbcnt[pl.ds(lax.shift_right_logical(b, 4) * 16, 16)],
                jnp.bitwise_and(b, 15))

            def vreg_hits(q, hc2):
                v = fbkt[pl.ds(b * FBCAP + q * 16, 16)]
                valid = (q * 16 + lanes) < nb
                m = jnp.logical_and(valid,
                                    lax.shift_right_logical(v, 22) ==
                                    lax.shift_right_logical(ct, 5))

                def while_cond(carry):
                    mm, _ = carry
                    return jnp.any(mm)

                def while_body(carry):
                    mm, h = carry
                    j = plsc.all_reduce_ffs(mm)[0]
                    comb = _extract(v, j)
                    cc = jnp.bitwise_and(
                        lax.shift_right_logical(comb, 15), 127)
                    slot = jnp.bitwise_and(comb, NSLOT - 1)
                    ring = lax.rem(h, 16)
                    ccv = jnp.full((16,), cc, jnp.int32)
                    for q4 in range(4):
                        g = plsc.load_gather(
                            piece.at[which],
                            [lanes + q4 * 16, ccv])
                        col[ring, pl.ds(q4 * 16, 16)] = g
                    pltpu.async_copy(
                        col.at[ring],
                        stage_hbm.at[pl.ds(slot * D, D)], csem)
                    @pl.when(h >= 16)
                    def _():
                        pltpu.make_async_copy(
                            stage_hbm.at[pl.ds(0, D)], col.at[0],
                            csem).wait()
                    return (jnp.logical_and(mm, lanes != j), h + 1)

                mm, h2 = lax.while_loop(while_cond, while_body, (m, hc2))
                return h2

            return lax.fori_loop(0, FBCAP // 16, vreg_hits, hc)

        return handle_hits(hitcount)

    total_hits = lax.fori_loop(0, CT_PER_W, ct_body, 0)

    def drain(i, c):
        @pl.when(i < jnp.minimum(total_hits, 16))
        def _():
            pltpu.make_async_copy(
                stage_hbm.at[pl.ds(0, D)], col.at[0], csem).wait()
        return c

    lax.fori_loop(0, 16, drain, 0)


@jax.jit
def _sweep_call(table_t, boxes, counts):
    f = pl.kernel(
        _sweep_body,
        mesh=plsc.VectorSubcoreMesh(core_axis_name="c", subcore_axis_name="s"),
        out_type=jax.ShapeDtypeStruct((NSLOT * D,), jnp.float32),
        scratch_types=[
            pltpu.VMEM((NW * BOXCAP,), jnp.int32),
            pltpu.VMEM((NW * NW,), jnp.int32),
            pltpu.VMEM((NBKT * BKTCAP,), jnp.int32),
            pltpu.VMEM((16,), jnp.int32),
            pltpu.VMEM((64 * FBCAP,), jnp.int32),
            pltpu.VMEM((64,), jnp.int32),
            pltpu.VMEM((8, D, 128), jnp.float32),
            pltpu.VMEM((16, D), jnp.float32),
            pltpu.SemaphoreType.DMA((8,)),
            pltpu.SemaphoreType.DMA,
        ],
        compiler_params=_PARAMS,
    )
    return f(table_t, boxes, counts)


def _dot_body(stage_hbm, wb_hbm, out_hbm, srows, trows, outv, wbv, sem):
    w = _wid()
    base = w * PPW
    pltpu.sync_copy(stage_hbm.at[pl.ds(base * D, PPW * D)], srows)
    pltpu.sync_copy(stage_hbm.at[pl.ds((B + base) * D, PPW * D)], trows)
    pltpu.sync_copy(wb_hbm, wbv)
    wv = wbv[...]
    wgt = wv[0]
    bb = wv[1]
    lanes = lax.iota(jnp.int32, 16)

    def group_body(g, carry):
        acc = jnp.zeros((16,), jnp.float32)
        for r in range(16):
            i = (g * 16 + r) * D
            a0 = srows[pl.ds(i, 16)] * trows[pl.ds(i, 16)]
            a1 = srows[pl.ds(i + 16, 16)] * trows[pl.ds(i + 16, 16)]
            a2 = srows[pl.ds(i + 32, 16)] * trows[pl.ds(i + 32, 16)]
            a3 = srows[pl.ds(i + 48, 16)] * trows[pl.ds(i + 48, 16)]
            s = jnp.sum((a0 + a1) + (a2 + a3))
            acc = jnp.where(lanes == r, s, acc)
        outv[pl.ds(g * 16, 16)] = acc * wgt + bb
        return carry

    lax.fori_loop(0, PPW // 16, group_body, 0)
    pltpu.sync_copy(outv, out_hbm.at[pl.ds(base, PPW)])


@jax.jit
def _dot_call(stage, wb):
    f = pl.kernel(
        _dot_body,
        mesh=plsc.VectorSubcoreMesh(core_axis_name="c", subcore_axis_name="s"),
        out_type=jax.ShapeDtypeStruct((B,), jnp.float32),
        scratch_types=[
            pltpu.VMEM((PPW * D,), jnp.float32),
            pltpu.VMEM((PPW * D,), jnp.float32),
            pltpu.VMEM((PPW,), jnp.float32),
            pltpu.VMEM((16,), jnp.float32),
            pltpu.SemaphoreType.DMA,
        ],
        compiler_params=_PARAMS,
    )
    return f(stage, wb)


def kernel(sources, targets, table, W, b):
    wb = jnp.zeros((16,), jnp.float32)
    wb = wb.at[0].set(W.reshape(())).at[1].set(b.reshape(()))
    boxes, counts = _bin_call(sources, targets)
    stage = _sweep_call(table.T, boxes, counts)
    out = _dot_call(stage, wb)
    return out.reshape(B, 1)

# --- scband reference (transcript-rebuilt; emitter-appended) ---
"""Pipeline reference for scband-negative-sampling-model-7756710937115 (READ-ONLY COPY).

The authoritative reference and input builder live on the scoring server;
editing this copy changes nothing except your own understanding.
"""

import jax, jax.numpy as jnp
import numpy as np

B = 16384
V = 1000000
D = 64

def setup_inputs(seed: int = 0) -> dict:
    key = jax.random.key(seed)
    k1, k2, k3, k4, k5 = jax.random.split(key, 5)
    sources = jax.random.randint(k1, (B,), 0, V, dtype=jnp.int32)
    targets = jax.random.randint(k2, (B,), 0, V, dtype=jnp.int32)
    table = jax.random.normal(k3, (V, D), dtype=jnp.float32)
    W = jax.random.normal(k4, (1, 1), dtype=jnp.float32)
    b = jax.random.normal(k5, (1,), dtype=jnp.float32)
    return {"sources": sources, "targets": targets, "table": table, "W": W, "b": b}

def reference(sources, targets, table, W, b):
    # graph_model(as_node_seq, G) -> node embeddings for the (deduplicated) node set.
    # The original builds a unique-node mapping and then re-gathers by source/target
    # position; composing the two gathers is exactly table[sources] / table[targets].
    sources_tensor = jnp.take(table, sources, axis=0)   # [B, D] gather
    targets_tensor = jnp.take(table, targets, axis=0)   # [B, D] gather
    product_tensor = (sources_tensor * targets_tensor).sum(axis=1)  # [B]
    # nn.Linear(1, 1) applied to the per-pair dot product
    out = product_tensor.reshape(-1, 1) @ W.T + b       # [B, 1]
    return out

if __name__ == "__main__":
    import jax
    _d = setup_inputs()
    print(jax.jit(kernel)(*tuple(_d.values())))

</pallas_src>

<mosaic_0001>
#map = affine_map<(d0, d1) -> (0)>
module attributes {stable_mosaic.version = 14 : i64} {
  func.func @_bin_body(%arg0: i32, %arg1: i32, %arg2: memref<16384xi32, #tpu.memory_space<hbm>>, %arg3: memref<16384xi32, #tpu.memory_space<hbm>>, %arg4: memref<131072xi32, #tpu.memory_space<hbm>>, %arg5: memref<1024xi32, #tpu.memory_space<hbm>>, %arg6: memref<1024xi32, #tpu.memory_space<vmem>>, %arg7: memref<4096xi32, #tpu.memory_space<vmem>>, %arg8: memref<32xi32, #tpu.memory_space<vmem>>, %arg9: memref<!tpu.dma_semaphore, #tpu.memory_space<semaphore_mem>>) attributes {dimension_semantics = [#tpu.dimension_semantics<core_parallel>, #tpu.dimension_semantics<subcore_parallel>], iteration_bounds = array<i64: 2, 16>, scalar_prefetch = 0 : i64, scratch_operands = 4 : i64, tpu.core_type = #tpu.core_type<sc_vector_subcore>, window_params = [{transform_indices = #map}, {transform_indices = #map}, {transform_indices = #map}, {transform_indices = #map}]} {
    %mul3A = arith.constant 2 : i32
    %mul3A_0 = arith.muli %arg1, %mul3A : i32
    %add3A = arith.addi %mul3A_0, %arg0 : i32
    %mul3A_1 = arith.constant 512 : i32
    %mul3A_2 = arith.muli %add3A, %mul3A_1 : i32
    "tpu.region"() ({
      %run_scoped3A = tpu.sem_alloc : memref<!tpu.dma_semaphore, #tpu.memory_space<semaphore_mem>>
      %dma_start3A = arith.constant 0 : i32
      %dma_start3A_517 = tpu.memref_slice %arg6[%dma_start3A] : memref<1024xi32, #tpu.memory_space<vmem>> -> memref<512xi32, #tpu.memory_space<vmem>>
      %dma_start3A_518 = tpu.memref_slice %arg2[%mul3A_2] : memref<16384xi32, #tpu.memory_space<hbm>> -> memref<512xi32, #tpu.memory_space<hbm>>
      %dma_start3A_519 = arith.constant 0 : i32
      %dma_start3A_520 = tpu.memref_slice %arg6[%dma_start3A_519] : memref<1024xi32, #tpu.memory_space<vmem>> -> memref<512xi32, #tpu.memory_space<vmem>>
      %dma_start3A_521 = tpu.memref_slice %arg2[%mul3A_2] : memref<16384xi32, #tpu.memory_space<hbm>> -> memref<512xi32, #tpu.memory_space<hbm>>
      tpu.enqueue_dma source(%dma_start3A_521 : memref<512xi32, #tpu.memory_space<hbm>>) target(%dma_start3A_520 : memref<512xi32, #tpu.memory_space<vmem>>) target_semaphore(%run_scoped3A : memref<!tpu.dma_semaphore, #tpu.memory_space<semaphore_mem>>)
      %dma_wait3A = arith.constant 0 : i32
      %dma_wait3A_522 = tpu.memref_slice %arg6[%dma_wait3A] : memref<1024xi32, #tpu.memory_space<vmem>> -> memref<512xi32, #tpu.memory_space<vmem>>
      %dma_wait3A_523 = tpu.memref_slice %arg2[%mul3A_2] : memref<16384xi32, #tpu.memory_space<hbm>> -> memref<512xi32, #tpu.memory_space<hbm>>
      %dma_wait3A_524 = arith.constant 0 : i32
      %dma_wait3A_525 = tpu.memref_slice %arg6[%dma_wait3A_524] : memref<1024xi32, #tpu.memory_space<vmem>> -> memref<512xi32, #tpu.memory_space<vmem>>
      %dma_wait3A_526 = tpu.memref_slice %arg2[%mul3A_2] : memref<16384xi32, #tpu.memory_space<hbm>> -> memref<512xi32, #tpu.memory_space<hbm>>
      tpu.wait_dma2 semaphore(%run_scoped3A : memref<!tpu.dma_semaphore, #tpu.memory_space<semaphore_mem>>) src(%dma_wait3A_526 : memref<512xi32, #tpu.memory_space<hbm>>) dst(%dma_wait3A_525 : memref<512xi32, #tpu.memory_space<vmem>>)
      tpu.yield
    }) : () -> ()
    %mul3A_3 = arith.constant 512 : i32
    %mul3A_4 = arith.muli %add3A, %mul3A_3 : i32
    "tpu.region"() ({
      %run_scoped3A = tpu.sem_alloc : memref<!tpu.dma_semaphore, #tpu.memory_space<semaphore_mem>>
      %dma_start3A = arith.constant 512 : i32
      %dma_start3A_517 = tpu.memref_slice %arg6[%dma_start3A] : memref<1024xi32, #tpu.memory_space<vmem>> -> memref<512xi32, #tpu.memory_space<vmem>>
      %dma_start3A_518 = tpu.memref_slice %arg3[%mul3A_4] : memref<16384xi32, #tpu.memory_space<hbm>> -> memref<512xi32, #tpu.memory_space<hbm>>
      %dma_start3A_519 = arith.constant 512 : i32
      %dma_start3A_520 = tpu.memref_slice %arg6[%dma_start3A_519] : memref<1024xi32, #tpu.memory_space<vmem>> -> memref<512xi32, #tpu.memory_space<vmem>>
      %dma_start3A_521 = tpu.memref_slice %arg3[%mul3A_4] : memref<16384xi32, #tpu.memory_space<hbm>> -> memref<512xi32, #tpu.memory_space<hbm>>
      tpu.enqueue_dma source(%dma_start3A_521 : memref<512xi32, #tpu.memory_space<hbm>>) target(%dma_start3A_520 : memref<512xi32, #tpu.memory_space<vmem>>) target_semaphore(%run_scoped3A : memref<!tpu.dma_semaphore, #tpu.memory_space<semaphore_mem>>)
      %dma_wait3A = arith.constant 512 : i32
      %dma_wait3A_522 = tpu.memref_slice %arg6[%dma_wait3A] : memref<1024xi32, #tpu.memory_space<vmem>> -> memref<512xi32, #tpu.memory_space<vmem>>
      %dma_wait3A_523 = tpu.memref_slice %arg3[%mul3A_4] : memref<16384xi32, #tpu.memory_space<hbm>> -> memref<512xi32, #tpu.memory_space<hbm>>
      %dma_wait3A_524 = arith.constant 512 : i32
      %dma_wait3A_525 = tpu.memref_slice %arg6[%dma_wait3A_524] : memref<1024xi32, #tpu.memory_space<vmem>> -> memref<512xi32, #tpu.memory_space<vmem>>
      %dma_wait3A_526 = tpu.memref_slice %arg3[%mul3A_4] : memref<16384xi32, #tpu.memory_space<hbm>> -> memref<512xi32, #tpu.memory_space<hbm>>
      tpu.wait_dma2 semaphore(%run_scoped3A : memref<!tpu.dma_semaphore, #tpu.memory_space<semaphore_mem>>) src(%dma_wait3A_526 : memref<512xi32, #tpu.memory_space<hbm>>) dst(%dma_wait3A_525 : memref<512xi32, #tpu.memory_space<vmem>>)
      tpu.yield
    }) : () -> ()
    %iota3A = tpu.iota {dimensions = array<i32: 0>} : vector<16xi32>
    %scan3A = arith.constant 0 : i32
    %scan3A_5 = arith.constant 0 : i32
    %scan3A_6 = arith.constant 64 : i32
    %scan3A_7 = arith.addi %scan3A_5, %scan3A_6 : i32
    %scan3A_8 = arith.constant 1 : i32
    %scan3A_9 = scf.for %scan3A_517 = %scan3A_5 to %scan3A_7 step %scan3A_8 iter_args(%scan3A_518 = %scan3A) -> (i32)  : i32 {
      %mul3A_519 = arith.constant 16 : i32
      %mul3A_520 = arith.muli %scan3A_517, %mul3A_519 : i32
      %get3A_521 = arith.index_cast %mul3A_520 : i32 to index
      %get3A_522 = tpu.vector_load %arg6[%get3A_521] {strides = array<i32>} : memref<1024xi32, #tpu.memory_space<vmem>>, vector<16xi32>,
      %shift_right_logical3A = arith.constant 7 : i32
      %shift_right_logical3A_523 = vector.broadcast %shift_right_logical3A : i32 to vector<16xi32>
      %shift_right_logical3A_524 = arith.shrui %get3A_522, %shift_right_logical3A_523 : vector<16xi32>
      %and3A = arith.constant 31 : i32
      %and3A_525 = vector.broadcast %and3A : i32 to vector<16xi32>
      %and3A_526 = arith.andi %shift_right_logical3A_524, %and3A_525 : vector<16xi32>
      %eq3A_527 = arith.constant 0 : i32
      %eq3A_528 = vector.broadcast %eq3A_527 : i32 to vector<16xi32>
      %eq3A_529 = arith.cmpi eq, %and3A_526, %eq3A_528 : vector<16xi32>
      %mul3A_530 = arith.constant 16 : i32
      %mul3A_531 = arith.muli %scan3A_517, %mul3A_530 : i32
      %add3A_532 = vector.broadcast %mul3A_531 : i32 to vector<16xi32>
      %add3A_533 = arith.addi %add3A_532, %iota3A : vector<16xi32>
      %lt3A = arith.constant 512 : i32
      %lt3A_534 = vector.broadcast %lt3A : i32 to vector<16xi32>
      %lt3A_535 = arith.cmpi slt, %add3A_533, %lt3A_534 : vector<16xi32>
      %mul3A_536 = arith.constant 512 : i32
      %mul3A_537 = arith.muli %add3A, %mul3A_536 : i32
      %add3A_538 = vector.broadcast %mul3A_537 : i32 to vector<16xi32>
      %add3A_539 = arith.addi %add3A_538, %add3A_533 : vector<16xi32>
      %mul3A_540 = arith.constant 512 : i32
      %mul3A_541 = arith.muli %add3A, %mul3A_540 : i32
      %add3A_542 = arith.constant 16384 : i32
      %add3A_543 = arith.addi %add3A_542, %mul3A_541 : i32
      %sub3A = arith.constant 512 : i32
      %sub3A_544 = vector.broadcast %sub3A : i32 to vector<16xi32>
      %sub3A_545 = arith.subi %add3A_533, %sub3A_544 : vector<16xi32>
      %add3A_546 = vector.broadcast %add3A_543 : i32 to vector<16xi32>
      %add3A_547 = arith.addi %add3A_546, %sub3A_545 : vector<16xi32>
      %select_n3A_548 = arith.select %lt3A_535, %add3A_539, %add3A_547 : vector<16xi1>, vector<16xi32>
      %shift_right_logical3A_549 = arith.constant 5 : i32
      %shift_right_logical3A_550 = vector.broadcast %shift_right_logical3A_549 : i32 to vector<16xi32>
      %shift_right_logical3A_551 = arith.shrui %shift_right_logical3A_524, %shift_right_logical3A_550 : vector<16xi32>
      %shift_left3A = arith.constant 22 : i32
      %shift_left3A_552 = vector.broadcast %shift_left3A : i32 to vector<16xi32>
      %shift_left3A_553 = arith.shli %shift_right_logical3A_551, %shift_left3A_552 : vector<16xi32>
      %and3A_554 = arith.constant 127 : i32
      %and3A_555 = vector.broadcast %and3A_554 : i32 to vector<16xi32>
      %and3A_556 = arith.andi %get3A_522, %and3A_555 : vector<16xi32>
      %shift_left3A_557 = arith.constant 15 : i32
      %shift_left3A_558 = vector.broadcast %shift_left3A_557 : i32 to vector<16xi32>
      %shift_left3A_559 = arith.shli %and3A_556, %shift_left3A_558 : vector<16xi32>
      %or3A = arith.ori %shift_left3A_553, %shift_left3A_559 : vector<16xi32>
      %or3A_560 = arith.ori %or3A, %select_n3A_548 : vector<16xi32>
      %add3A_561 = arith.constant 0 : i32
      %add3A_562 = arith.addi %add3A_561, %scan3A_518 : i32
      %swap3A_563 = arith.index_cast %add3A_562 : i32 to index
      %swap3A_564 = tpu.vector_load %arg7[%swap3A_563] masked %eq3A_529 {strides = array<i32>} : memref<4096xi32, #tpu.memory_space<vmem>>, vector<16xi32>, vector<16xi1>
      tpu.vector_store %arg7[%swap3A_563], %or3A_560 masked %eq3A_529 {strides = array<i32>} : memref<4096xi32, #tpu.memory_space<vmem>>, vector<16xi32>, vector<16xi1>
      %all_reduce_population_count3A = tpu.all_reduce %eq3A_529 {dim = 0 : i64, kind = #tpu.reduction_kind<sum>} : vector<16xi1> -> vector<16xi32>
      %slice3A = vector.extract_strided_slice %all_reduce_population_count3A {offsets = [0], sizes = [1], strides = [1]} : vector<16xi32> to vector<1xi32>
      %squeeze3A = vector.extract %slice3A[0] : i32 from vector<1xi32>
      %add3A_565 = arith.addi %scan3A_518, %squeeze3A : i32
      scf.yield %add3A_565 : i32
    }
    %scan3A_10 = arith.constant 64 : i32
    %eq3A = arith.constant 0 : i32
    %eq3A_11 = vector.broadcast %eq3A : i32 to vector<16xi32>
    %eq3A_12 = arith.cmpi eq, %iota3A, %eq3A_11 : vector<16xi32>
    %get3A = arith.constant 0 : index
    %get3A_13 = tpu.vector_load %arg8[%get3A] {strides = array<i32>} : memref<32xi32, #tpu.memory_space<vmem>>, vector<16xi32>,
    %broadcast_in_dim3A = vector.broadcast %scan3A_9 : i32 to vector<16xi32>
    %select_n3A = arith.select %eq3A_12, %broadcast_in_dim3A, %get3A_13 : vector<16xi1>, vector<16xi32>
    %swap3A = arith.constant 0 : index
    %swap3A_14 = tpu.vector_load %arg8[%swap3A] {strides = array<i32>} : memref<32xi32, #tpu.memory_space<vmem>>, vector<16xi32>,
    tpu.vector_store %arg8[%swap3A], %select_n3A {strides = array<i32>} : memref<32xi32, #tpu.memory_space<vmem>>, vector<16xi32>,
    %scan3A_15 = arith.constant 0 : i32
    %scan3A_16 = arith.constant 0 : i32
    %scan3A_17 = arith.constant 64 : i32
    %scan3A_18 = arith.addi %scan3A_16, %scan3A_17 : i32
    %scan3A_19 = arith.constant 1 : i32
    %scan3A_20 = scf.for %scan3A_517 = %scan3A_16 to %scan3A_18 step %scan3A_19 iter_args(%scan3A_518 = %scan3A_15) -> (i32)  : i32 {
      %mul3A_519 = arith.constant 16 : i32
      %mul3A_520 = arith.muli %scan3A_517, %mul3A_519 : i32
      %get3A_521 = arith.index_cast %mul3A_520 : i32 to index
      %get3A_522 = tpu.vector_load %arg6[%get3A_521] {strides = array<i32>} : memref<1024xi32, #tpu.memory_space<vmem>>, vector<16xi32>,
      %shift_right_logical3A = arith.constant 7 : i32
      %shift_right_logical3A_523 = vector.broadcast %shift_right_logical3A : i32 to vector<16xi32>
      %shift_right_logical3A_524 = arith.shrui %get3A_522, %shift_right_logical3A_523 : vector<16xi32>
      %and3A = arith.constant 31 : i32
      %and3A_525 = vector.broadcast %and3A : i32 to vector<16xi32>
      %and3A_526 = arith.andi %shift_right_logical3A_524, %and3A_525 : vector<16xi32>
      %eq3A_527 = arith.constant 1 : i32
      %eq3A_528 = vector.broadcast %eq3A_527 : i32 to vector<16xi32>
      %eq3A_529 = arith.cmpi eq, %and3A_526, %eq3A_528 : vector<16xi32>
      %mul3A_530 = arith.constant 16 : i32
      %mul3A_531 = arith.muli %scan3A_517, %mul3A_530 : i32
      %add3A_532 = vector.broadcast %mul3A_531 : i32 to vector<16xi32>
      %add3A_533 = arith.addi %add3A_532, %iota3A : vector<16xi32>
      %lt3A = arith.constant 512 : i32
      %lt3A_534 = vector.broadcast %lt3A : i32 to vector<16xi32>
      %lt3A_535 = arith.cmpi slt, %add3A_533, %lt3A_534 : vector<16xi32>
      %mul3A_536 = arith.constant 512 : i32
      %mul3A_537 = arith.muli %add3A, %mul3A_536 : i32
      %add3A_538 = vector.broadcast %mul3A_537 : i32 to vector<16xi32>
      %add3A_539 = arith.addi %add3A_538, %add3A_533 : vector<16xi32>
      %mul3A_540 = arith.constant 512 : i32
      %mul3A_541 = arith.muli %add3A, %mul3A_540 : i32
      %add3A_542 = arith.constant 16384 : i32
      %add3A_543 = arith.addi %add3A_542, %mul3A_541 : i32
      %sub3A = arith.constant 512 : i32
      %sub3A_544 = vector.broadcast %sub3A : i32 to vector<16xi32>
      %sub3A_545 = arith.subi %add3A_533, %sub3A_544 : vector<16xi32>
      %add3A_546 = vector.broadcast %add3A_543 : i32 to vector<16xi32>
      %add3A_547 = arith.addi %add3A_546, %sub3A_545 : vector<16xi32>
      %select_n3A_548 = arith.select %lt3A_535, %add3A_539, %add3A_547 : vector<16xi1>, vector<16xi32>
      %shift_right_logical3A_549 = arith.constant 5 : i32
      %shift_right_logical3A_550 = vector.broadcast %shift_right_logical3A_549 : i32 to vector<16xi32>
      %shift_right_logical3A_551 = arith.shrui %shift_right_logical3A_524, %shift_right_logical3A_550 : vector<16xi32>
      %shift_left3A = arith.constant 22 : i32
      %shift_left3A_552 = vector.broadcast %shift_left3A : i32 to vector<16xi32>
      %shift_left3A_553 = arith.shli %shift_right_logical3A_551, %shift_left3A_552 : vector<16xi32>
      %and3A_554 = arith.constant 127 : i32
      %and3A_555 = vector.broadcast %and3A_554 : i32 to vector<16xi32>
      %and3A_556 = arith.andi %get3A_522, %and3A_555 : vector<16xi32>
      %shift_left3A_557 = arith.constant 15 : i32
      %shift_left3A_558 = vector.broadcast %shift_left3A_557 : i32 to vector<16xi32>
      %shift_left3A_559 = arith.shli %and3A_556, %shift_left3A_558 : vector<16xi32>
      %or3A = arith.ori %shift_left3A_553, %shift_left3A_559 : vector<16xi32>
      %or3A_560 = arith.ori %or3A, %select_n3A_548 : vector<16xi32>
      %add3A_561 = arith.constant 128 : i32
      %add3A_562 = arith.addi %add3A_561, %scan3A_518 : i32
      %swap3A_563 = arith.index_cast %add3A_562 : i32 to index
      %swap3A_564 = tpu.vector_load %arg7[%swap3A_563] masked %eq3A_529 {strides = array<i32>} : memref<4096xi32, #tpu.memory_space<vmem>>, vector<16xi32>, vector<16xi1>
      tpu.vector_store %arg7[%swap3A_563], %or3A_560 masked %eq3A_529 {strides = array<i32>} : memref<4096xi32, #tpu.memory_space<vmem>>, vector<16xi32>, vector<16xi1>
      %all_reduce_population_count3A = tpu.all_reduce %eq3A_529 {dim = 0 : i64, kind = #tpu.reduction_kind<sum>} : vector<16xi1> -> vector<16xi32>
      %slice3A = vector.extract_strided_slice %all_reduce_population_count3A {offsets = [0], sizes = [1], strides = [1]} : vector<16xi32> to vector<1xi32>
      %squeeze3A = vector.extract %slice3A[0] : i32 from vector<1xi32>
      %add3A_565 = arith.addi %scan3A_518, %squeeze3A : i32
      scf.yield %add3A_565 : i32
    }
    %scan3A_21 = arith.constant 64 : i32
    %eq3A_22 = arith.constant 1 : i32
    %eq3A_23 = vector.broadcast %eq3A_22 : i32 to vector<16xi32>
    %eq3A_24 = arith.cmpi eq, %iota3A, %eq3A_23 : vector<16xi32>
    %get3A_25 = arith.constant 0 : index
    %get3A_26 = tpu.vector_load %arg8[%get3A_25] {strides = array<i32>} : memref<32xi32, #tpu.memory_space<vmem>>, vector<16xi32>,
    %broadcast_in_dim3A_27 = vector.broadcast %scan3A_20 : i32 to vector<16xi32>
    %select_n3A_28 = arith.select %eq3A_24, %broadcast_in_dim3A_27, %get3A_26 : vector<16xi1>, vector<16xi32>
    %swap3A_29 = arith.constant 0 : index
    %swap3A_30 = tpu.vector_load %arg8[%swap3A_29] {strides = array<i32>} : memref<32xi32, #tpu.memory_space<vmem>>, vector<16xi32>,
    tpu.vector_store %arg8[%swap3A_29], %select_n3A_28 {strides = array<i32>} : memref<32xi32, #tpu.memory_space<vmem>>, vector<16xi32>,
    %scan3A_31 = arith.constant 0 : i32
    %scan3A_32 = arith.constant 0 : i32
    %scan3A_33 = arith.constant 64 : i32
    %scan3A_34 = arith.addi %scan3A_32, %scan3A_33 : i32
    %scan3A_35 = arith.constant 1 : i32
    %scan3A_36 = scf.for %scan3A_517 = %scan3A_32 to %scan3A_34 step %scan3A_35 iter_args(%scan3A_518 = %scan3A_31) -> (i32)  : i32 {
      %mul3A_519 = arith.constant 16 : i32
      %mul3A_520 = arith.muli %scan3A_517, %mul3A_519 : i32
      %get3A_521 = arith.index_cast %mul3A_520 : i32 to index
      %get3A_522 = tpu.vector_load %arg6[%get3A_521] {strides = array<i32>} : memref<1024xi32, #tpu.memory_space<vmem>>, vector<16xi32>,
      %shift_right_logical3A = arith.constant 7 : i32
      %shift_right_logical3A_523 = vector.broadcast %shift_right_logical3A : i32 to vector<16xi32>
      %shift_right_logical3A_524 = arith.shrui %get3A_522, %shift_right_logical3A_523 : vector<16xi32>
      %and3A = arith.constant 31 : i32
      %and3A_525 = vector.broadcast %and3A : i32 to vector<16xi32>
      %and3A_526 = arith.andi %shift_right_logical3A_524, %and3A_525 : vector<16xi32>
      %eq3A_527 = arith.constant 2 : i32
      %eq3A_528 = vector.broadcast %eq3A_527 : i32 to vector<16xi32>
      %eq3A_529 = arith.cmpi eq, %and3A_526, %eq3A_528 : vector<16xi32>
      %mul3A_530 = arith.constant 16 : i32
      %mul3A_531 = arith.muli %scan3A_517, %mul3A_530 : i32
      %add3A_532 = vector.broadcast %mul3A_531 : i32 to vector<16xi32>
      %add3A_533 = arith.addi %add3A_532, %iota3A : vector<16xi32>
      %lt3A = arith.constant 512 : i32
      %lt3A_534 = vector.broadcast %lt3A : i32 to vector<16xi32>
      %lt3A_535 = arith.cmpi slt, %add3A_533, %lt3A_534 : vector<16xi32>
      %mul3A_536 = arith.constant 512 : i32
      %mul3A_537 = arith.muli %add3A, %mul3A_536 : i32
      %add3A_538 = vector.broadcast %mul3A_537 : i32 to vector<16xi32>
      %add3A_539 = arith.addi %add3A_538, %add3A_533 : vector<16xi32>
      %mul3A_540 = arith.constant 512 : i32
      %mul3A_541 = arith.muli %add3A, %mul3A_540 : i32
      %add3A_542 = arith.constant 16384 : i32
      %add3A_543 = arith.addi %add3A_542, %mul3A_541 : i32
      %sub3A = arith.constant 512 : i32
      %sub3A_544 = vector.broadcast %sub3A : i32 to vector<16xi32>
      %sub3A_545 = arith.subi %add3A_533, %sub3A_544 : vector<16xi32>
      %add3A_546 = vector.broadcast %add3A_543 : i32 to vector<16xi32>
      %add3A_547 = arith.addi %add3A_546, %sub3A_545 : vector<16xi32>
      %select_n3A_548 = arith.select %lt3A_535, %add3A_539, %add3A_547 : vector<16xi1>, vector<16xi32>
      %shift_right_logical3A_549 = arith.constant 5 : i32
      %shift_right_logical3A_550 = vector.broadcast %shift_right_logical3A_549 : i32 to vector<16xi32>
      %shift_right_logical3A_551 = arith.shrui %shift_right_logical3A_524, %shift_right_logical3A_550 : vector<16xi32>
      %shift_left3A = arith.constant 22 : i32
      %shift_left3A_552 = vector.broadcast %shift_left3A : i32 to vector<16xi32>
      %shift_left3A_553 = arith.shli %shift_right_logical3A_551, %shift_left3A_552 : vector<16xi32>
      %and3A_554 = arith.constant 127 : i32
      %and3A_555 = vector.broadcast %and3A_554 : i32 to vector<16xi32>
      %and3A_556 = arith.andi %get3A_522, %and3A_555 : vector<16xi32>
      %shift_left3A_557 = arith.constant 15 : i32
      %shift_left3A_558 = vector.broadcast %shift_left3A_557 : i32 to vector<16xi32>
      %shift_left3A_559 = arith.shli %and3A_556, %shift_left3A_558 : vector<16xi32>
      %or3A = arith.ori %shift_left3A_553, %shift_left3A_559 : vector<16xi32>
      %or3A_560 = arith.ori %or3A, %select_n3A_548 : vector<16xi32>
      %add3A_561 = arith.constant 256 : i32
      %add3A_562 = arith.addi %add3A_561, %scan3A_518 : i32
      %swap3A_563 = arith.index_cast %add3A_562 : i32 to index
      %swap3A_564 = tpu.vector_load %arg7[%swap3A_563] masked %eq3A_529 {strides = array<i32>} : memref<4096xi32, #tpu.memory_space<vmem>>, vector<16xi32>, vector<16xi1>
      tpu.vector_store %arg7[%swap3A_563], %or3A_560 masked %eq3A_529 {strides = array<i32>} : memref<4096xi32, #tpu.memory_space<vmem>>, vector<16xi32>, vector<16xi1>
      %all_reduce_population_count3A = tpu.all_reduce %eq3A_529 {dim = 0 : i64, kind = #tpu.reduction_kind<sum>} : vector<16xi1> -> vector<16xi32>
      %slice3A = vector.extract_strided_slice %all_reduce_population_count3A {offsets = [0], sizes = [1], strides = [1]} : vector<16xi32> to vector<1xi32>
      %squeeze3A = vector.extract %slice3A[0] : i32 from vector<1xi32>
      %add3A_565 = arith.addi %scan3A_518, %squeeze3A : i32
      scf.yield %add3A_565 : i32
    }
    %scan3A_37 = arith.constant 64 : i32
    %eq3A_38 = arith.constant 2 : i32
    %eq3A_39 = vector.broadcast %eq3A_38 : i32 to vector<16xi32>
    %eq3A_40 = arith.cmpi eq, %iota3A, %eq3A_39 : vector<16xi32>
    %get3A_41 = arith.constant 0 : index
    %get3A_42 = tpu.vector_load %arg8[%get3A_41] {strides = array<i32>} : memref<32xi32, #tpu.memory_space<vmem>>, vector<16xi32>,
    %broadcast_in_dim3A_43 = vector.broadcast %scan3A_36 : i32 to vector<16xi32>
    %select_n3A_44 = arith.select %eq3A_40, %broadcast_in_dim3A_43, %get3A_42 : vector<16xi1>, vector<16xi32>
    %swap3A_45 = arith.constant 0 : index
    %swap3A_46 = tpu.vector_load %arg8[%swap3A_45] {strides = array<i32>} : memref<32xi32, #tpu.memory_space<vmem>>, vector<16xi32>,
    tpu.vector_store %arg8[%swap3A_45], %select_n3A_44 {strides = array<i32>} : memref<32xi32, #tpu.memory_space<vmem>>, vector<16xi32>,
    %scan3A_47 = arith.constant 0 : i32
    %scan3A_48 = arith.constant 0 : i32
    %scan3A_49 = arith.constant 64 : i32
    %scan3A_50 = arith.addi %scan3A_48, %scan3A_49 : i32
    %scan3A_51 = arith.constant 1 : i32
    %scan3A_52 = scf.for %scan3A_517 = %scan3A_48 to %scan3A_50 step %scan3A_51 iter_args(%scan3A_518 = %scan3A_47) -> (i32)  : i32 {
      %mul3A_519 = arith.constant 16 : i32
      %mul3A_520 = arith.muli %scan3A_517, %mul3A_519 : i32
      %get3A_521 = arith.index_cast %mul3A_520 : i32 to index
      %get3A_522 = tpu.vector_load %arg6[%get3A_521] {strides = array<i32>} : memref<1024xi32, #tpu.memory_space<vmem>>, vector<16xi32>,
      %shift_right_logical3A = arith.constant 7 : i32
      %shift_right_logical3A_523 = vector.broadcast %shift_right_logical3A : i32 to vector<16xi32>
      %shift_right_logical3A_524 = arith.shrui %get3A_522, %shift_right_logical3A_523 : vector<16xi32>
      %and3A = arith.constant 31 : i32
      %and3A_525 = vector.broadcast %and3A : i32 to vector<16xi32>
      %and3A_526 = arith.andi %shift_right_logical3A_524, %and3A_525 : vector<16xi32>
      %eq3A_527 = arith.constant 3 : i32
      %eq3A_528 = vector.broadcast %eq3A_527 : i32 to vector<16xi32>
      %eq3A_529 = arith.cmpi eq, %and3A_526, %eq3A_528 : vector<16xi32>
      %mul3A_530 = arith.constant 16 : i32
      %mul3A_531 = arith.muli %scan3A_517, %mul3A_530 : i32
      %add3A_532 = vector.broadcast %mul3A_531 : i32 to vector<16xi32>
      %add3A_533 = arith.addi %add3A_532, %iota3A : vector<16xi32>
      %lt3A = arith.constant 512 : i32
      %lt3A_534 = vector.broadcast %lt3A : i32 to vector<16xi32>
      %lt3A_535 = arith.cmpi slt, %add3A_533, %lt3A_534 : vector<16xi32>
      %mul3A_536 = arith.constant 512 : i32
      %mul3A_537 = arith.muli %add3A, %mul3A_536 : i32
      %add3A_538 = vector.broadcast %mul3A_537 : i32 to vector<16xi32>
      %add3A_539 = arith.addi %add3A_538, %add3A_533 : vector<16xi32>
      %mul3A_540 = arith.constant 512 : i32
      %mul3A_541 = arith.muli %add3A, %mul3A_540 : i32
      %add3A_542 = arith.constant 16384 : i32
      %add3A_543 = arith.addi %add3A_542, %mul3A_541 : i32
      %sub3A = arith.constant 512 : i32
      %sub3A_544 = vector.broadcast %sub3A : i32 to vector<16xi32>
      %sub3A_545 = arith.subi %add3A_533, %sub3A_544 : vector<16xi32>
      %add3A_546 = vector.broadcast %add3A_543 : i32 to vector<16xi32>
      %add3A_547 = arith.addi %add3A_546, %sub3A_545 : vector<16xi32>
      %select_n3A_548 = arith.select %lt3A_535, %add3A_539, %add3A_547 : vector<16xi1>, vector<16xi32>
      %shift_right_logical3A_549 = arith.constant 5 : i32
      %shift_right_logical3A_550 = vector.broadcast %shift_right_logical3A_549 : i32 to vector<16xi32>
      %shift_right_logical3A_551 = arith.shrui %shift_right_logical3A_524, %shift_right_logical3A_550 : vector<16xi32>
      %shift_left3A = arith.constant 22 : i32
      %shift_left3A_552 = vector.broadcast %shift_left3A : i32 to vector<16xi32>
      %shift_left3A_553 = arith.shli %shift_right_logical3A_551, %shift_left3A_552 : vector<16xi32>
      %and3A_554 = arith.constant 127 : i32
      %and3A_555 = vector.broadcast %and3A_554 : i32 to vector<16xi32>
      %and3A_556 = arith.andi %get3A_522, %and3A_555 : vector<16xi32>
      %shift_left3A_557 = arith.constant 15 : i32
      %shift_left3A_558 = vector.broadcast %shift_left3A_557 : i32 to vector<16xi32>
      %shift_left3A_559 = arith.shli %and3A_556, %shift_left3A_558 : vector<16xi32>
      %or3A = arith.ori %shift_left3A_553, %shift_left3A_559 : vector<16xi32>
      %or3A_560 = arith.ori %or3A, %select_n3A_548 : vector<16xi32>
      %add3A_561 = arith.constant 384 : i32
      %add3A_562 = arith.addi %add3A_561, %scan3A_518 : i32
      %swap3A_563 = arith.index_cast %add3A_562 : i32 to index
      %swap3A_564 = tpu.vector_load %arg7[%swap3A_563] masked %eq3A_529 {strides = array<i32>} : memref<4096xi32, #tpu.memory_space<vmem>>, vector<16xi32>, vector<16xi1>
      tpu.vector_store %arg7[%swap3A_563], %or3A_560 masked %eq3A_529 {strides = array<i32>} : memref<4096xi32, #tpu.memory_space<vmem>>, vector<16xi32>, vector<16xi1>
      %all_reduce_population_count3A = tpu.all_reduce %eq3A_529 {dim = 0 : i64, kind = #tpu.reduction_kind<sum>} : vector<16xi1> -> vector<16xi32>
      %slice3A = vector.extract_strided_slice %all_reduce_population_count3A {offsets = [0], sizes = [1], strides = [1]} : vector<16xi32> to vector<1xi32>
      %squeeze3A = vector.extract %slice3A[0] : i32 from vector<1xi32>
      %add3A_565 = arith.addi %scan3A_518, %squeeze3A : i32
      scf.yield %add3A_565 : i32
    }
    %scan3A_53 = arith.constant 64 : i32
    %eq3A_54 = arith.constant 3 : i32
    %eq3A_55 = vector.broadcast %eq3A_54 : i32 to vector<16xi32>
    %eq3A_56 = arith.cmpi eq, %iota3A, %eq3A_55 : vector<16xi32>
    %get3A_57 = arith.constant 0 : index
    %get3A_58 = tpu.vector_load %arg8[%get3A_57] {strides = array<i32>} : memref<32xi32, #tpu.memory_space<vmem>>, vector<16xi32>,
    %broadcast_in_dim3A_59 = vector.broadcast %scan3A_52 : i32 to vector<16xi32>
    %select_n3A_60 = arith.select %eq3A_56, %broadcast_in_dim3A_59, %get3A_58 : vector<16xi1>, vector<16xi32>
    %swap3A_61 = arith.constant 0 : index
    %swap3A_62 = tpu.vector_load %arg8[%swap3A_61] {strides = array<i32>} : memref<32xi32, #tpu.memory_space<vmem>>, vector<16xi32>,
    tpu.vector_store %arg8[%swap3A_61], %select_n3A_60 {strides = array<i32>} : memref<32xi32, #tpu.memory_space<vmem>>, vector<16xi32>,
    %scan3A_63 = arith.constant 0 : i32
    %scan3A_64 = arith.constant 0 : i32
    %scan3A_65 = arith.constant 64 : i32
    %scan3A_66 = arith.addi %scan3A_64, %scan3A_65 : i32
    %scan3A_67 = arith.constant 1 : i32
    %scan3A_68 = scf.for %scan3A_517 = %scan3A_64 to %scan3A_66 step %scan3A_67 iter_args(%scan3A_518 = %scan3A_63) -> (i32)  : i32 {
      %mul3A_519 = arith.constant 16 : i32
      %mul3A_520 = arith.muli %scan3A_517, %mul3A_519 : i32
      %get3A_521 = arith.index_cast %mul3A_520 : i32 to index
      %get3A_522 = tpu.vector_load %arg6[%get3A_521] {strides = array<i32>} : memref<1024xi32, #tpu.memory_space<vmem>>, vector<16xi32>,
      %shift_right_logical3A = arith.constant 7 : i32
      %shift_right_logical3A_523 = vector.broadcast %shift_right_logical3A : i32 to vector<16xi32>
      %shift_right_logical3A_524 = arith.shrui %get3A_522, %shift_right_logical3A_523 : vector<16xi32>
      %and3A = arith.constant 31 : i32
      %and3A_525 = vector.broadcast %and3A : i32 to vector<16xi32>
      %and3A_526 = arith.andi %shift_right_logical3A_524, %and3A_525 : vector<16xi32>
      %eq3A_527 = arith.constant 4 : i32
      %eq3A_528 = vector.broadcast %eq3A_527 : i32 to vector<16xi32>
      %eq3A_529 = arith.cmpi eq, %and3A_526, %eq3A_528 : vector<16xi32>
      %mul3A_530 = arith.constant 16 : i32
      %mul3A_531 = arith.muli %scan3A_517, %mul3A_530 : i32
      %add3A_532 = vector.broadcast %mul3A_531 : i32 to vector<16xi32>
      %add3A_533 = arith.addi %add3A_532, %iota3A : vector<16xi32>
      %lt3A = arith.constant 512 : i32
      %lt3A_534 = vector.broadcast %lt3A : i32 to vector<16xi32>
      %lt3A_535 = arith.cmpi slt, %add3A_533, %lt3A_534 : vector<16xi32>
      %mul3A_536 = arith.constant 512 : i32
      %mul3A_537 = arith.muli %add3A, %mul3A_536 : i32
      %add3A_538 = vector.broadcast %mul3A_537 : i32 to vector<16xi32>
      %add3A_539 = arith.addi %add3A_538, %add3A_533 : vector<16xi32>
      %mul3A_540 = arith.constant 512 : i32
      %mul3A_541 = arith.muli %add3A, %mul3A_540 : i32
      %add3A_542 = arith.constant 16384 : i32
      %add3A_543 = arith.addi %add3A_542, %mul3A_541 : i32
      %sub3A = arith.constant 512 : i32
      %sub3A_544 = vector.broadcast %sub3A : i32 to vector<16xi32>
      %sub3A_545 = arith.subi %add3A_533, %sub3A_544 : vector<16xi32>
      %add3A_546 = vector.broadcast %add3A_543 : i32 to vector<16xi32>
      %add3A_547 = arith.addi %add3A_546, %sub3A_545 : vector<16xi32>
      %select_n3A_548 = arith.select %lt3A_535, %add3A_539, %add3A_547 : vector<16xi1>, vector<16xi32>
      %shift_right_logical3A_549 = arith.constant 5 : i32
      %shift_right_logical3A_550 = vector.broadcast %shift_right_logical3A_549 : i32 to vector<16xi32>
      %shift_right_logical3A_551 = arith.shrui %shift_right_logical3A_524, %shift_right_logical3A_550 : vector<16xi32>
      %shift_left3A = arith.constant 22 : i32
      %shift_left3A_552 = vector.broadcast %shift_left3A : i32 to vector<16xi32>
      %shift_left3A_553 = arith.shli %shift_right_logical3A_551, %shift_left3A_552 : vector<16xi32>
      %and3A_554 = arith.constant 127 : i32
      %and3A_555 = vector.broadcast %and3A_554 : i32 to vector<16xi32>
      %and3A_556 = arith.andi %get3A_522, %and3A_555 : vector<16xi32>
      %shift_left3A_557 = arith.constant 15 : i32
      %shift_left3A_558 = vector.broadcast %shift_left3A_557 : i32 to vector<16xi32>
      %shift_left3A_559 = arith.shli %and3A_556, %shift_left3A_558 : vector<16xi32>
      %or3A = arith.ori %shift_left3A_553, %shift_left3A_559 : vector<16xi32>
      %or3A_560 = arith.ori %or3A, %select_n3A_548 : vector<16xi32>
      %add3A_561 = arith.constant 512 : i32
      %add3A_562 = arith.addi %add3A_561, %scan3A_518 : i32
      %swap3A_563 = arith.index_cast %add3A_562 : i32 to index
      %swap3A_564 = tpu.vector_load %arg7[%swap3A_563] masked %eq3A_529 {strides = array<i32>} : memref<4096xi32, #tpu.memory_space<vmem>>, vector<16xi32>, vector<16xi1>
      tpu.vector_store %arg7[%swap3A_563], %or3A_560 masked %eq3A_529 {strides = array<i32>} : memref<4096xi32, #tpu.memory_space<vmem>>, vector<16xi32>, vector<16xi1>
      %all_reduce_population_count3A = tpu.all_reduce %eq3A_529 {dim = 0 : i64, kind = #tpu.reduction_kind<sum>} : vector<16xi1> -> vector<16xi32>
      %slice3A = vector.extract_strided_slice %all_reduce_population_count3A {offsets = [0], sizes = [1], strides = [1]} : vector<16xi32> to vector<1xi32>
      %squeeze3A = vector.extract %slice3A[0] : i32 from vector<1xi32>
      %add3A_565 = arith.addi %scan3A_518, %squeeze3A : i32
      scf.yield %add3A_565 : i32
    }
    %scan3A_69 = arith.constant 64 : i32
    %eq3A_70 = arith.constant 4 : i32
    %eq3A_71 = vector.broadcast %eq3A_70 : i32 to vector<16xi32>
    %eq3A_72 = arith.cmpi eq, %iota3A, %eq3A_71 : vector<16xi32>
    %get3A_73 = arith.constant 0 : index
    %get3A_74 = tpu.vector_load %arg8[%get3A_73] {strides = array<i32>} : memref<32xi32, #tpu.memory_space<vmem>>, vector<16xi32>,
    %broadcast_in_dim3A_75 = vector.broadcast %scan3A_68 : i32 to vector<16xi32>
    %select_n3A_76 = arith.select %eq3A_72, %broadcast_in_dim3A_75, %get3A_74 : vector<16xi1>, vector<16xi32>
    %swap3A_77 = arith.constant 0 : index
    %swap3A_78 = tpu.vector_load %arg8[%swap3A_77] {strides = array<i32>} : memref<32xi32, #tpu.memory_space<vmem>>, vector<16xi32>,
    tpu.vector_store %arg8[%swap3A_77], %select_n3A_76 {strides = array<i32>} : memref<32xi32, #tpu.memory_space<vmem>>, vector<16xi32>,
    %scan3A_79 = arith.constant 0 : i32
    %scan3A_80 = arith.constant 0 : i32
    %scan3A_81 = arith.constant 64 : i32
    %scan3A_82 = arith.addi %scan3A_80, %scan3A_81 : i32
    %scan3A_83 = arith.constant 1 : i32
    %scan3A_84 = scf.for %scan3A_517 = %scan3A_80 to %scan3A_82 step %scan3A_83 iter_args(%scan3A_518 = %scan3A_79) -> (i32)  : i32 {
      %mul3A_519 = arith.constant 16 : i32
      %mul3A_520 = arith.muli %scan3A_517, %mul3A_519 : i32
      %get3A_521 = arith.index_cast %mul3A_520 : i32 to index
      %get3A_522 = tpu.vector_load %arg6[%get3A_521] {strides = array<i32>} : memref<1024xi32, #tpu.memory_space<vmem>>, vector<16xi32>,
      %shift_right_logical3A = arith.constant 7 : i32
      %shift_right_logical3A_523 = vector.broadcast %shift_right_logical3A : i32 to vector<16xi32>
      %shift_right_logical3A_524 = arith.shrui %get3A_522, %shift_right_logical3A_523 : vector<16xi32>
      %and3A = arith.constant 31 : i32
      %and3A_525 = vector.broadcast %and3A : i32 to vector<16xi32>
      %and3A_526 = arith.andi %shift_right_logical3A_524, %and3A_525 : vector<16xi32>
      %eq3A_527 = arith.constant 5 : i32
      %eq3A_528 = vector.broadcast %eq3A_527 : i32 to vector<16xi32>
      %eq3A_529 = arith.cmpi eq, %and3A_526, %eq3A_528 : vector<16xi32>
      %mul3A_530 = arith.constant 16 : i32
      %mul3A_531 = arith.muli %scan3A_517, %mul3A_530 : i32
      %add3A_532 = vector.broadcast %mul3A_531 : i32 to vector<16xi32>
      %add3A_533 = arith.addi %add3A_532, %iota3A : vector<16xi32>
      %lt3A = arith.constant 512 : i32
      %lt3A_534 = vector.broadcast %lt3A : i32 to vector<16xi32>
      %lt3A_535 = arith.cmpi slt, %add3A_533, %lt3A_534 : vector<16xi32>
      %mul3A_536 = arith.constant 512 : i32
      %mul3A_537 = arith.muli %add3A, %mul3A_536 : i32
      %add3A_538 = vector.broadcast %mul3A_537 : i32 to vector<16xi32>
      %add3A_539 = arith.addi %add3A_538, %add3A_533 : vector<16xi32>
      %mul3A_540 = arith.constant 512 : i32
      %mul3A_541 = arith.muli %add3A, %mul3A_540 : i32
      %add3A_542 = arith.constant 16384 : i32
      %add3A_543 = arith.addi %add3A_542, %mul3A_541 : i32
      %sub3A = arith.constant 512 : i32
      %sub3A_544 = vector.broadcast %sub3A : i32 to vector<16xi32>
      %sub3A_545 = arith.subi %add3A_533, %sub3A_544 : vector<16xi32>
      %add3A_546 = vector.broadcast %add3A_543 : i32 to vector<16xi32>
      %add3A_547 = arith.addi %add3A_546, %sub3A_545 : vector<16xi32>
      %select_n3A_548 = arith.select %lt3A_535, %add3A_539, %add3A_547 : vector<16xi1>, vector<16xi32>
      %shift_right_logical3A_549 = arith.constant 5 : i32
      %shift_right_logical3A_550 = vector.broadcast %shift_right_logical3A_549 : i32 to vector<16xi32>
      %shift_right_logical3A_551 = arith.shrui %shift_right_logical3A_524, %shift_right_logical3A_550 : vector<16xi32>
      %shift_left3A = arith.constant 22 : i32
      %shift_left3A_552 = vector.broadcast %shift_left3A : i32 to vector<16xi32>
      %shift_left3A_553 = arith.shli %shift_right_logical3A_551, %shift_left3A_552 : vector<16xi32>
      %and3A_554 = arith.constant 127 : i32
      %and3A_555 = vector.broadcast %and3A_554 : i32 to vector<16xi32>
      %and3A_556 = arith.andi %get3A_522, %and3A_555 : vector<16xi32>
      %shift_left3A_557 = arith.constant 15 : i32
      %shift_left3A_558 = vector.broadcast %shift_left3A_557 : i32 to vector<16xi32>
      %shift_left3A_559 = arith.shli %and3A_556, %shift_left3A_558 : vector<16xi32>
      %or3A = arith.ori %shift_left3A_553, %shift_left3A_559 : vector<16xi32>
      %or3A_560 = arith.ori %or3A, %select_n3A_548 : vector<16xi32>
      %add3A_561 = arith.constant 640 : i32
      %add3A_562 = arith.addi %add3A_561, %scan3A_518 : i32
      %swap3A_563 = arith.index_cast %add3A_562 : i32 to index
      %swap3A_564 = tpu.vector_load %arg7[%swap3A_563] masked %eq3A_529 {strides = array<i32>} : memref<4096xi32, #tpu.memory_space<vmem>>, vector<16xi32>, vector<16xi1>
      tpu.vector_store %arg7[%swap3A_563], %or3A_560 masked %eq3A_529 {strides = array<i32>} : memref<4096xi32, #tpu.memory_space<vmem>>, vector<16xi32>, vector<16xi1>
      %all_reduce_population_count3A = tpu.all_reduce %eq3A_529 {dim = 0 : i64, kind = #tpu.reduction_kind<sum>} : vector<16xi1> -> vector<16xi32>
      %slice3A = vector.extract_strided_slice %all_reduce_population_count3A {offsets = [0], sizes = [1], strides = [1]} : vector<16xi32> to vector<1xi32>
      %squeeze3A = vector.extract %slice3A[0] : i32 from vector<1xi32>
      %add3A_565 = arith.addi %scan3A_518, %squeeze3A : i32
      scf.yield %add3A_565 : i32
    }
    %scan3A_85 = arith.constant 64 : i32
    %eq3A_86 = arith.constant 5 : i32
    %eq3A_87 = vector.broadcast %eq3A_86 : i32 to vector<16xi32>
    %eq3A_88 = arith.cmpi eq, %iota3A, %eq3A_87 : vector<16xi32>
    %get3A_89 = arith.constant 0 : index
    %get3A_90 = tpu.vector_load %arg8[%get3A_89] {strides = array<i32>} : memref<32xi32, #tpu.memory_space<vmem>>, vector<16xi32>,
    %broadcast_in_dim3A_91 = vector.broadcast %scan3A_84 : i32 to vector<16xi32>
    %select_n3A_92 = arith.select %eq3A_88, %broadcast_in_dim3A_91, %get3A_90 : vector<16xi1>, vector<16xi32>
    %swap3A_93 = arith.constant 0 : index
    %swap3A_94 = tpu.vector_load %arg8[%swap3A_93] {strides = array<i32>} : memref<32xi32, #tpu.memory_space<vmem>>, vector<16xi32>,
    tpu.vector_store %arg8[%swap3A_93], %select_n3A_92 {strides = array<i32>} : memref<32xi32, #tpu.memory_space<vmem>>, vector<16xi32>,
    %scan3A_95 = arith.constant 0 : i32
    %scan3A_96 = arith.constant 0 : i32
    %scan3A_97 = arith.constant 64 : i32
    %scan3A_98 = arith.addi %scan3A_96, %scan3A_97 : i32
    %scan3A_99 = arith.constant 1 : i32
    %scan3A_100 = scf.for %scan3A_517 = %scan3A_96 to %scan3A_98 step %scan3A_99 iter_args(%scan3A_518 = %scan3A_95) -> (i32)  : i32 {
      %mul3A_519 = arith.constant 16 : i32
      %mul3A_520 = arith.muli %scan3A_517, %mul3A_519 : i32
      %get3A_521 = arith.index_cast %mul3A_520 : i32 to index
      %get3A_522 = tpu.vector_load %arg6[%get3A_521] {strides = array<i32>} : memref<1024xi32, #tpu.memory_space<vmem>>, vector<16xi32>,
      %shift_right_logical3A = arith.constant 7 : i32
      %shift_right_logical3A_523 = vector.broadcast %shift_right_logical3A : i32 to vector<16xi32>
      %shift_right_logical3A_524 = arith.shrui %get3A_522, %shift_right_logical3A_523 : vector<16xi32>
      %and3A = arith.constant 31 : i32
      %and3A_525 = vector.broadcast %and3A : i32 to vector<16xi32>
      %and3A_526 = arith.andi %shift_right_logical3A_524, %and3A_525 : vector<16xi32>
      %eq3A_527 = arith.constant 6 : i32
      %eq3A_528 = vector.broadcast %eq3A_527 : i32 to vector<16xi32>
      %eq3A_529 = arith.cmpi eq, %and3A_526, %eq3A_528 : vector<16xi32>
      %mul3A_530 = arith.constant 16 : i32
      %mul3A_531 = arith.muli %scan3A_517, %mul3A_530 : i32
      %add3A_532 = vector.broadcast %mul3A_531 : i32 to vector<16xi32>
      %add3A_533 = arith.addi %add3A_532, %iota3A : vector<16xi32>
      %lt3A = arith.constant 512 : i32
      %lt3A_534 = vector.broadcast %lt3A : i32 to vector<16xi32>
      %lt3A_535 = arith.cmpi slt, %add3A_533, %lt3A_534 : vector<16xi32>
      %mul3A_536 = arith.constant 512 : i32
      %mul3A_537 = arith.muli %add3A, %mul3A_536 : i32
      %add3A_538 = vector.broadcast %mul3A_537 : i32 to vector<16xi32>
      %add3A_539 = arith.addi %add3A_538, %add3A_533 : vector<16xi32>
      %mul3A_540 = arith.constant 512 : i32
      %mul3A_541 = arith.muli %add3A, %mul3A_540 : i32
      %add3A_542 = arith.constant 16384 : i32
      %add3A_543 = arith.addi %add3A_542, %mul3A_541 : i32
      %sub3A = arith.constant 512 : i32
      %sub3A_544 = vector.broadcast %sub3A : i32 to vector<16xi32>
      %sub3A_545 = arith.subi %add3A_533, %sub3A_544 : vector<16xi32>
      %add3A_546 = vector.broadcast %add3A_543 : i32 to vector<16xi32>
      %add3A_547 = arith.addi %add3A_546, %sub3A_545 : vector<16xi32>
      %select_n3A_548 = arith.select %lt3A_535, %add3A_539, %add3A_547 : vector<16xi1>, vector<16xi32>
      %shift_right_logical3A_549 = arith.constant 5 : i32
      %shift_right_logical3A_550 = vector.broadcast %shift_right_logical3A_549 : i32 to vector<16xi32>
      %shift_right_logical3A_551 = arith.shrui %shift_right_logical3A_524, %shift_right_logical3A_550 : vector<16xi32>
      %shift_left3A = arith.constant 22 : i32
      %shift_left3A_552 = vector.broadcast %shift_left3A : i32 to vector<16xi32>
      %shift_left3A_553 = arith.shli %shift_right_logical3A_551, %shift_left3A_552 : vector<16xi32>
      %and3A_554 = arith.constant 127 : i32
      %and3A_555 = vector.broadcast %and3A_554 : i32 to vector<16xi32>
      %and3A_556 = arith.andi %get3A_522, %and3A_555 : vector<16xi32>
      %shift_left3A_557 = arith.constant 15 : i32
      %shift_left3A_558 = vector.broadcast %shift_left3A_557 : i32 to vector<16xi32>
      %shift_left3A_559 = arith.shli %and3A_556, %shift_left3A_558 : vector<16xi32>
      %or3A = arith.ori %shift_left3A_553, %shift_left3A_559 : vector<16xi32>
      %or3A_560 = arith.ori %or3A, %select_n3A_548 : vector<16xi32>
      %add3A_561 = arith.constant 768 : i32
      %add3A_562 = arith.addi %add3A_561, %scan3A_518 : i32
      %swap3A_563 = arith.index_cast %add3A_562 : i32 to index
      %swap3A_564 = tpu.vector_load %arg7[%swap3A_563] masked %eq3A_529 {strides = array<i32>} : memref<4096xi32, #tpu.memory_space<vmem>>, vector<16xi32>, vector<16xi1>
      tpu.vector_store %arg7[%swap3A_563], %or3A_560 masked %eq3A_529 {strides = array<i32>} : memref<4096xi32, #tpu.memory_space<vmem>>, vector<16xi32>, vector<16xi1>
      %all_reduce_population_count3A = tpu.all_reduce %eq3A_529 {dim = 0 : i64, kind = #tpu.reduction_kind<sum>} : vector<16xi1> -> vector<16xi32>
      %slice3A = vector.extract_strided_slice %all_reduce_population_count3A {offsets = [0], sizes = [1], strides = [1]} : vector<16xi32> to vector<1xi32>
      %squeeze3A = vector.extract %slice3A[0] : i32 from vector<1xi32>
      %add3A_565 = arith.addi %scan3A_518, %squeeze3A : i32
      scf.yield %add3A_565 : i32
    }
    %scan3A_101 = arith.constant 64 : i32
    %eq3A_102 = arith.constant 6 : i32
    %eq3A_103 = vector.broadcast %eq3A_102 : i32 to vector<16xi32>
    %eq3A_104 = arith.cmpi eq, %iota3A, %eq3A_103 : vector<16xi32>
    %get3A_105 = arith.constant 0 : index
    %get3A_106 = tpu.vector_load %arg8[%get3A_105] {strides = array<i32>} : memref<32xi32, #tpu.memory_space<vmem>>, vector<16xi32>,
    %broadcast_in_dim3A_107 = vector.broadcast %scan3A_100 : i32 to vector<16xi32>
    %select_n3A_108 = arith.select %eq3A_104, %broadcast_in_dim3A_107, %get3A_106 : vector<16xi1>, vector<16xi32>
    %swap3A_109 = arith.constant 0 : index
    %swap3A_110 = tpu.vector_load %arg8[%swap3A_109] {strides = array<i32>} : memref<32xi32, #tpu.memory_space<vmem>>, vector<16xi32>,
    tpu.vector_store %arg8[%swap3A_109], %select_n3A_108 {strides = array<i32>} : memref<32xi32, #tpu.memory_space<vmem>>, vector<16xi32>,
    %scan3A_111 = arith.constant 0 : i32
    %scan3A_112 = arith.constant 0 : i32
    %scan3A_113 = arith.constant 64 : i32
    %scan3A_114 = arith.addi %scan3A_112, %scan3A_113 : i32
    %scan3A_115 = arith.constant 1 : i32
    %scan3A_116 = scf.for %scan3A_517 = %scan3A_112 to %scan3A_114 step %scan3A_115 iter_args(%scan3A_518 = %scan3A_111) -> (i32)  : i32 {
      %mul3A_519 = arith.constant 16 : i32
      %mul3A_520 = arith.muli %scan3A_517, %mul3A_519 : i32
      %get3A_521 = arith.index_cast %mul3A_520 : i32 to index
      %get3A_522 = tpu.vector_load %arg6[%get3A_521] {strides = array<i32>} : memref<1024xi32, #tpu.memory_space<vmem>>, vector<16xi32>,
      %shift_right_logical3A = arith.constant 7 : i32
      %shift_right_logical3A_523 = vector.broadcast %shift_right_logical3A : i32 to vector<16xi32>
      %shift_right_logical3A_524 = arith.shrui %get3A_522, %shift_right_logical3A_523 : vector<16xi32>
      %and3A = arith.constant 31 : i32
      %and3A_525 = vector.broadcast %and3A : i32 to vector<16xi32>
      %and3A_526 = arith.andi %shift_right_logical3A_524, %and3A_525 : vector<16xi32>
      %eq3A_527 = arith.constant 7 : i32
      %eq3A_528 = vector.broadcast %eq3A_527 : i32 to vector<16xi32>
      %eq3A_529 = arith.cmpi eq, %and3A_526, %eq3A_528 : vector<16xi32>
      %mul3A_530 = arith.constant 16 : i32
      %mul3A_531 = arith.muli %scan3A_517, %mul3A_530 : i32
      %add3A_532 = vector.broadcast %mul3A_531 : i32 to vector<16xi32>
      %add3A_533 = arith.addi %add3A_532, %iota3A : vector<16xi32>
      %lt3A = arith.constant 512 : i32
      %lt3A_534 = vector.broadcast %lt3A : i32 to vector<16xi32>
      %lt3A_535 = arith.cmpi slt, %add3A_533, %lt3A_534 : vector<16xi32>
      %mul3A_536 = arith.constant 512 : i32
      %mul3A_537 = arith.muli %add3A, %mul3A_536 : i32
      %add3A_538 = vector.broadcast %mul3A_537 : i32 to vector<16xi32>
      %add3A_539 = arith.addi %add3A_538, %add3A_533 : vector<16xi32>
      %mul3A_540 = arith.constant 512 : i32
      %mul3A_541 = arith.muli %add3A, %mul3A_540 : i32
      %add3A_542 = arith.constant 16384 : i32
      %add3A_543 = arith.addi %add3A_542, %mul3A_541 : i32
      %sub3A = arith.constant 512 : i32
      %sub3A_544 = vector.broadcast %sub3A : i32 to vector<16xi32>
      %sub3A_545 = arith.subi %add3A_533, %sub3A_544 : vector<16xi32>
      %add3A_546 = vector.broadcast %add3A_543 : i32 to vector<16xi32>
      %add3A_547 = arith.addi %add3A_546, %sub3A_545 : vector<16xi32>
      %select_n3A_548 = arith.select %lt3A_535, %add3A_539, %add3A_547 : vector<16xi1>, vector<16xi32>
      %shift_right_logical3A_549 = arith.constant 5 : i32
      %shift_right_logical3A_550 = vector.broadcast %shift_right_logical3A_549 : i32 to vector<16xi32>
      %shift_right_logical3A_551 = arith.shrui %shift_right_logical3A_524, %shift_right_logical3A_550 : vector<16xi32>
      %shift_left3A = arith.constant 22 : i32
      %shift_left3A_552 = vector.broadcast %shift_left3A : i32 to vector<16xi32>
      %shift_left3A_553 = arith.shli %shift_right_logical3A_551, %shift_left3A_552 : vector<16xi32>
      %and3A_554 = arith.constant 127 : i32
      %and3A_555 = vector.broadcast %and3A_554 : i32 to vector<16xi32>
      %and3A_556 = arith.andi %get3A_522, %and3A_555 : vector<16xi32>
      %shift_left3A_557 = arith.constant 15 : i32
      %shift_left3A_558 = vector.broadcast %shift_left3A_557 : i32 to vector<16xi32>
      %shift_left3A_559 = arith.shli %and3A_556, %shift_left3A_558 : vector<16xi32>
      %or3A = arith.ori %shift_left3A_553, %shift_left3A_559 : vector<16xi32>
      %or3A_560 = arith.ori %or3A, %select_n3A_548 : vector<16xi32>
      %add3A_561 = arith.constant 896 : i32
      %add3A_562 = arith.addi %add3A_561, %scan3A_518 : i32
      %swap3A_563 = arith.index_cast %add3A_562 : i32 to index
      %swap3A_564 = tpu.vector_load %arg7[%swap3A_563] masked %eq3A_529 {strides = array<i32>} : memref<4096xi32, #tpu.memory_space<vmem>>, vector<16xi32>, vector<16xi1>
      tpu.vector_store %arg7[%swap3A_563], %or3A_560 masked %eq3A_529 {strides = array<i32>} : memref<4096xi32, #tpu.memory_space<vmem>>, vector<16xi32>, vector<16xi1>
      %all_reduce_population_count3A = tpu.all_reduce %eq3A_529 {dim = 0 : i64, kind = #tpu.reduction_kind<sum>} : vector<16xi1> -> vector<16xi32>
      %slice3A = vector.extract_strided_slice %all_reduce_population_count3A {offsets = [0], sizes = [1], strides = [1]} : vector<16xi32> to vector<1xi32>
      %squeeze3A = vector.extract %slice3A[0] : i32 from vector<1xi32>
      %add3A_565 = arith.addi %scan3A_518, %squeeze3A : i32
      scf.yield %add3A_565 : i32
    }
    %scan3A_117 = arith.constant 64 : i32
    %eq3A_118 = arith.constant 7 : i32
    %eq3A_119 = vector.broadcast %eq3A_118 : i32 to vector<16xi32>
    %eq3A_120 = arith.cmpi eq, %iota3A, %eq3A_119 : vector<16xi32>
    %get3A_121 = arith.constant 0 : index
    %get3A_122 = tpu.vector_load %arg8[%get3A_121] {strides = array<i32>} : memref<32xi32, #tpu.memory_space<vmem>>, vector<16xi32>,
    %broadcast_in_dim3A_123 = vector.broadcast %scan3A_116 : i32 to vector<16xi32>
    %select_n3A_124 = arith.select %eq3A_120, %broadcast_in_dim3A_123, %get3A_122 : vector<16xi1>, vector<16xi32>
    %swap3A_125 = arith.constant 0 : index
    %swap3A_126 = tpu.vector_load %arg8[%swap3A_125] {strides = array<i32>} : memref<32xi32, #tpu.memory_space<vmem>>, vector<16xi32>,
    tpu.vector_store %arg8[%swap3A_125], %select_n3A_124 {strides = array<i32>} : memref<32xi32, #tpu.memory_space<vmem>>, vector<16xi32>,
    %scan3A_127 = arith.constant 0 : i32
    %scan3A_128 = arith.constant 0 : i32
    %scan3A_129 = arith.constant 64 : i32
    %scan3A_130 = arith.addi %scan3A_128, %scan3A_129 : i32
    %scan3A_131 = arith.constant 1 : i32
    %scan3A_132 = scf.for %scan3A_517 = %scan3A_128 to %scan3A_130 step %scan3A_131 iter_args(%scan3A_518 = %scan3A_127) -> (i32)  : i32 {
      %mul3A_519 = arith.constant 16 : i32
      %mul3A_520 = arith.muli %scan3A_517, %mul3A_519 : i32
      %get3A_521 = arith.index_cast %mul3A_520 : i32 to index
      %get3A_522 = tpu.vector_load %arg6[%get3A_521] {strides = array<i32>} : memref<1024xi32, #tpu.memory_space<vmem>>, vector<16xi32>,
      %shift_right_logical3A = arith.constant 7 : i32
      %shift_right_logical3A_523 = vector.broadcast %shift_right_logical3A : i32 to vector<16xi32>
      %shift_right_logical3A_524 = arith.shrui %get3A_522, %shift_right_logical3A_523 : vector<16xi32>
      %and3A = arith.constant 31 : i32
      %and3A_525 = vector.broadcast %and3A : i32 to vector<16xi32>
      %and3A_526 = arith.andi %shift_right_logical3A_524, %and3A_525 : vector<16xi32>
      %eq3A_527 = arith.constant 8 : i32
      %eq3A_528 = vector.broadcast %eq3A_527 : i32 to vector<16xi32>
      %eq3A_529 = arith.cmpi eq, %and3A_526, %eq3A_528 : vector<16xi32>
      %mul3A_530 = arith.constant 16 : i32
      %mul3A_531 = arith.muli %scan3A_517, %mul3A_530 : i32
      %add3A_532 = vector.broadcast %mul3A_531 : i32 to vector<16xi32>
      %add3A_533 = arith.addi %add3A_532, %iota3A : vector<16xi32>
      %lt3A = arith.constant 512 : i32
      %lt3A_534 = vector.broadcast %lt3A : i32 to vector<16xi32>
      %lt3A_535 = arith.cmpi slt, %add3A_533, %lt3A_534 : vector<16xi32>
      %mul3A_536 = arith.constant 512 : i32
      %mul3A_537 = arith.muli %add3A, %mul3A_536 : i32
      %add3A_538 = vector.broadcast %mul3A_537 : i32 to vector<16xi32>
      %add3A_539 = arith.addi %add3A_538, %add3A_533 : vector<16xi32>
      %mul3A_540 = arith.constant 512 : i32
      %mul3A_541 = arith.muli %add3A, %mul3A_540 : i32
      %add3A_542 = arith.constant 16384 : i32
      %add3A_543 = arith.addi %add3A_542, %mul3A_541 : i32
      %sub3A = arith.constant 512 : i32
      %sub3A_544 = vector.broadcast %sub3A : i32 to vector<16xi32>
      %sub3A_545 = arith.subi %add3A_533, %sub3A_544 : vector<16xi32>
      %add3A_546 = vector.broadcast %add3A_543 : i32 to vector<16xi32>
      %add3A_547 = arith.addi %add3A_546, %sub3A_545 : vector<16xi32>
      %select_n3A_548 = arith.select %lt3A_535, %add3A_539, %add3A_547 : vector<16xi1>, vector<16xi32>
      %shift_right_logical3A_549 = arith.constant 5 : i32
      %shift_right_logical3A_550 = vector.broadcast %shift_right_logical3A_549 : i32 to vector<16xi32>
      %shift_right_logical3A_551 = arith.shrui %shift_right_logical3A_524, %shift_right_logical3A_550 : vector<16xi32>
      %shift_left3A = arith.constant 22 : i32
      %shift_left3A_552 = vector.broadcast %shift_left3A : i32 to vector<16xi32>
      %shift_left3A_553 = arith.shli %shift_right_logical3A_551, %shift_left3A_552 : vector<16xi32>
      %and3A_554 = arith.constant 127 : i32
      %and3A_555 = vector.broadcast %and3A_554 : i32 to vector<16xi32>
      %and3A_556 = arith.andi %get3A_522, %and3A_555 : vector<16xi32>
      %shift_left3A_557 = arith.constant 15 : i32
      %shift_left3A_558 = vector.broadcast %shift_left3A_557 : i32 to vector<16xi32>
      %shift_left3A_559 = arith.shli %and3A_556, %shift_left3A_558 : vector<16xi32>
      %or3A = arith.ori %shift_left3A_553, %shift_left3A_559 : vector<16xi32>
      %or3A_560 = arith.ori %or3A, %select_n3A_548 : vector<16xi32>
      %add3A_561 = arith.constant 1024 : i32
      %add3A_562 = arith.addi %add3A_561, %scan3A_518 : i32
      %swap3A_563 = arith.index_cast %add3A_562 : i32 to index
      %swap3A_564 = tpu.vector_load %arg7[%swap3A_563] masked %eq3A_529 {strides = array<i32>} : memref<4096xi32, #tpu.memory_space<vmem>>, vector<16xi32>, vector<16xi1>
      tpu.vector_store %arg7[%swap3A_563], %or3A_560 masked %eq3A_529 {strides = array<i32>} : memref<4096xi32, #tpu.memory_space<vmem>>, vector<16xi32>, vector<16xi1>
      %all_reduce_population_count3A = tpu.all_reduce %eq3A_529 {dim = 0 : i64, kind = #tpu.reduction_kind<sum>} : vector<16xi1> -> vector<16xi32>
      %slice3A = vector.extract_strided_slice %all_reduce_population_count3A {offsets = [0], sizes = [1], strides = [1]} : vector<16xi32> to vector<1xi32>
      %squeeze3A = vector.extract %slice3A[0] : i32 from vector<1xi32>
      %add3A_565 = arith.addi %scan3A_518, %squeeze3A : i32
      scf.yield %add3A_565 : i32
    }
    %scan3A_133 = arith.constant 64 : i32
    %eq3A_134 = arith.constant 8 : i32
    %eq3A_135 = vector.broadcast %eq3A_134 : i32 to vector<16xi32>
    %eq3A_136 = arith.cmpi eq, %iota3A, %eq3A_135 : vector<16xi32>
    %get3A_137 = arith.constant 0 : index
    %get3A_138 = tpu.vector_load %arg8[%get3A_137] {strides = array<i32>} : memref<32xi32, #tpu.memory_space<vmem>>, vector<16xi32>,
    %broadcast_in_dim3A_139 = vector.broadcast %scan3A_132 : i32 to vector<16xi32>
    %select_n3A_140 = arith.select %eq3A_136, %broadcast_in_dim3A_139, %get3A_138 : vector<16xi1>, vector<16xi32>
    %swap3A_141 = arith.constant 0 : index
    %swap3A_142 = tpu.vector_load %arg8[%swap3A_141] {strides = array<i32>} : memref<32xi32, #tpu.memory_space<vmem>>, vector<16xi32>,
    tpu.vector_store %arg8[%swap3A_141], %select_n3A_140 {strides = array<i32>} : memref<32xi32, #tpu.memory_space<vmem>>, vector<16xi32>,
    %scan3A_143 = arith.constant 0 : i32
    %scan3A_144 = arith.constant 0 : i32
    %scan3A_145 = arith.constant 64 : i32
    %scan3A_146 = arith.addi %scan3A_144, %scan3A_145 : i32
    %scan3A_147 = arith.constant 1 : i32
    %scan3A_148 = scf.for %scan3A_517 = %scan3A_144 to %scan3A_146 step %scan3A_147 iter_args(%scan3A_518 = %scan3A_143) -> (i32)  : i32 {
      %mul3A_519 = arith.constant 16 : i32
      %mul3A_520 = arith.muli %scan3A_517, %mul3A_519 : i32
      %get3A_521 = arith.index_cast %mul3A_520 : i32 to index
      %get3A_522 = tpu.vector_load %arg6[%get3A_521] {strides = array<i32>} : memref<1024xi32, #tpu.memory_space<vmem>>, vector<16xi32>,
      %shift_right_logical3A = arith.constant 7 : i32
      %shift_right_logical3A_523 = vector.broadcast %shift_right_logical3A : i32 to vector<16xi32>
      %shift_right_logical3A_524 = arith.shrui %get3A_522, %shift_right_logical3A_523 : vector<16xi32>
      %and3A = arith.constant 31 : i32
      %and3A_525 = vector.broadcast %and3A : i32 to vector<16xi32>
      %and3A_526 = arith.andi %shift_right_logical3A_524, %and3A_525 : vector<16xi32>
      %eq3A_527 = arith.constant 9 : i32
      %eq3A_528 = vector.broadcast %eq3A_527 : i32 to vector<16xi32>
      %eq3A_529 = arith.cmpi eq, %and3A_526, %eq3A_528 : vector<16xi32>
      %mul3A_530 = arith.constant 16 : i32
      %mul3A_531 = arith.muli %scan3A_517, %mul3A_530 : i32
      %add3A_532 = vector.broadcast %mul3A_531 : i32 to vector<16xi32>
      %add3A_533 = arith.addi %add3A_532, %iota3A : vector<16xi32>
      %lt3A = arith.constant 512 : i32
      %lt3A_534 = vector.broadcast %lt3A : i32 to vector<16xi32>
      %lt3A_535 = arith.cmpi slt, %add3A_533, %lt3A_534 : vector<16xi32>
      %mul3A_536 = arith.constant 512 : i32
      %mul3A_537 = arith.muli %add3A, %mul3A_536 : i32
      %add3A_538 = vector.broadcast %mul3A_537 : i32 to vector<16xi32>
      %add3A_539 = arith.addi %add3A_538, %add3A_533 : vector<16xi32>
      %mul3A_540 = arith.constant 512 : i32
      %mul3A_541 = arith.muli %add3A, %mul3A_540 : i32
      %add3A_542 = arith.constant 16384 : i32
      %add3A_543 = arith.addi %add3A_542, %mul3A_541 : i32
      %sub3A = arith.constant 512 : i32
      %sub3A_544 = vector.broadcast %sub3A : i32 to vector<16xi32>
      %sub3A_545 = arith.subi %add3A_533, %sub3A_544 : vector<16xi32>
      %add3A_546 = vector.broadcast %add3A_543 : i32 to vector<16xi32>
      %add3A_547 = arith.addi %add3A_546, %sub3A_545 : vector<16xi32>
      %select_n3A_548 = arith.select %lt3A_535, %add3A_539, %add3A_547 : vector<16xi1>, vector<16xi32>
      %shift_right_logical3A_549 = arith.constant 5 : i32
      %shift_right_logical3A_550 = vector.broadcast %shift_right_logical3A_549 : i32 to vector<16xi32>
      %shift_right_logical3A_551 = arith.shrui %shift_right_logical3A_524, %shift_right_logical3A_550 : vector<16xi32>
      %shift_left3A = arith.constant 22 : i32
      %shift_left3A_552 = vector.broadcast %shift_left3A : i32 to vector<16xi32>
      %shift_left3A_553 = arith.shli %shift_right_logical3A_551, %shift_left3A_552 : vector<16xi32>
      %and3A_554 = arith.constant 127 : i32
      %and3A_555 = vector.broadcast %and3A_554 : i32 to vector<16xi32>
      %and3A_556 = arith.andi %get3A_522, %and3A_555 : vector<16xi32>
      %shift_left3A_557 = arith.constant 15 : i32
      %shift_left3A_558 = vector.broadcast %shift_left3A_557 : i32 to vector<16xi32>
      %shift_left3A_559 = arith.shli %and3A_556, %shift_left3A_558 : vector<16xi32>
      %or3A = arith.ori %shift_left3A_553, %shift_left3A_559 : vector<16xi32>
      %or3A_560 = arith.ori %or3A, %select_n3A_548 : vector<16xi32>
      %add3A_561 = arith.constant 1152 : i32
      %add3A_562 = arith.addi %add3A_561, %scan3A_518 : i32
      %swap3A_563 = arith.index_cast %add3A_562 : i32 to index
      %swap3A_564 = tpu.vector_load %arg7[%swap3A_563] masked %eq3A_529 {strides = array<i32>} : memref<4096xi32, #tpu.memory_space<vmem>>, vector<16xi32>, vector<16xi1>
      tpu.vector_store %arg7[%swap3A_563], %or3A_560 masked %eq3A_529 {strides = array<i32>} : memref<4096xi32, #tpu.memory_space<vmem>>, vector<16xi32>, vector<16xi1>
      %all_reduce_population_count3A = tpu.all_reduce %eq3A_529 {dim = 0 : i64, kind = #tpu.reduction_kind<sum>} : vector<16xi1> -> vector<16xi32>
      %slice3A = vector.extract_strided_slice %all_reduce_population_count3A {offsets = [0], sizes = [1], strides = [1]} : vector<16xi32> to vector<1xi32>
      %squeeze3A = vector.extract %slice3A[0] : i32 from vector<1xi32>
      %add3A_565 = arith.addi %scan3A_518, %squeeze3A : i32
      scf.yield %add3A_565 : i32
    }
    %scan3A_149 = arith.constant 64 : i32
    %eq3A_150 = arith.constant 9 : i32
    %eq3A_151 = vector.broadcast %eq3A_150 : i32 to vector<16xi32>
    %eq3A_152 = arith.cmpi eq, %iota3A, %eq3A_151 : vector<16xi32>
    %get3A_153 = arith.constant 0 : index
    %get3A_154 = tpu.vector_load %arg8[%get3A_153] {strides = array<i32>} : memref<32xi32, #tpu.memory_space<vmem>>, vector<16xi32>,
    %broadcast_in_dim3A_155 = vector.broadcast %scan3A_148 : i32 to vector<16xi32>
    %select_n3A_156 = arith.select %eq3A_152, %broadcast_in_dim3A_155, %get3A_154 : vector<16xi1>, vector<16xi32>
    %swap3A_157 = arith.constant 0 : index
    %swap3A_158 = tpu.vector_load %arg8[%swap3A_157] {strides = array<i32>} : memref<32xi32, #tpu.memory_space<vmem>>, vector<16xi32>,
    tpu.vector_store %arg8[%swap3A_157], %select_n3A_156 {strides = array<i32>} : memref<32xi32, #tpu.memory_space<vmem>>, vector<16xi32>,
    %scan3A_159 = arith.constant 0 : i32
    %scan3A_160 = arith.constant 0 : i32
    %scan3A_161 = arith.constant 64 : i32
    %scan3A_162 = arith.addi %scan3A_160, %scan3A_161 : i32
    %scan3A_163 = arith.constant 1 : i32
    %scan3A_164 = scf.for %scan3A_517 = %scan3A_160 to %scan3A_162 step %scan3A_163 iter_args(%scan3A_518 = %scan3A_159) -> (i32)  : i32 {
      %mul3A_519 = arith.constant 16 : i32
      %mul3A_520 = arith.muli %scan3A_517, %mul3A_519 : i32
      %get3A_521 = arith.index_cast %mul3A_520 : i32 to index
      %get3A_522 = tpu.vector_load %arg6[%get3A_521] {strides = array<i32>} : memref<1024xi32, #tpu.memory_space<vmem>>, vector<16xi32>,
      %shift_right_logical3A = arith.constant 7 : i32
      %shift_right_logical3A_523 = vector.broadcast %shift_right_logical3A : i32 to vector<16xi32>
      %shift_right_logical3A_524 = arith.shrui %get3A_522, %shift_right_logical3A_523 : vector<16xi32>
      %and3A = arith.constant 31 : i32
      %and3A_525 = vector.broadcast %and3A : i32 to vector<16xi32>
      %and3A_526 = arith.andi %shift_right_logical3A_524, %and3A_525 : vector<16xi32>
      %eq3A_527 = arith.constant 10 : i32
      %eq3A_528 = vector.broadcast %eq3A_527 : i32 to vector<16xi32>
      %eq3A_529 = arith.cmpi eq, %and3A_526, %eq3A_528 : vector<16xi32>
      %mul3A_530 = arith.constant 16 : i32
      %mul3A_531 = arith.muli %scan3A_517, %mul3A_530 : i32
      %add3A_532 = vector.broadcast %mul3A_531 : i32 to vector<16xi32>
      %add3A_533 = arith.addi %add3A_532, %iota3A : vector<16xi32>
      %lt3A = arith.constant 512 : i32
      %lt3A_534 = vector.broadcast %lt3A : i32 to vector<16xi32>
      %lt3A_535 = arith.cmpi slt, %add3A_533, %lt3A_534 : vector<16xi32>
      %mul3A_536 = arith.constant 512 : i32
      %mul3A_537 = arith.muli %add3A, %mul3A_536 : i32
      %add3A_538 = vector.broadcast %mul3A_537 : i32 to vector<16xi32>
      %add3A_539 = arith.addi %add3A_538, %add3A_533 : vector<16xi32>
      %mul3A_540 = arith.constant 512 : i32
      %mul3A_541 = arith.muli %add3A, %mul3A_540 : i32
      %add3A_542 = arith.constant 16384 : i32
      %add3A_543 = arith.addi %add3A_542, %mul3A_541 : i32
      %sub3A = arith.constant 512 : i32
      %sub3A_544 = vector.broadcast %sub3A : i32 to vector<16xi32>
      %sub3A_545 = arith.subi %add3A_533, %sub3A_544 : vector<16xi32>
      %add3A_546 = vector.broadcast %add3A_543 : i32 to vector<16xi32>
      %add3A_547 = arith.addi %add3A_546, %sub3A_545 : vector<16xi32>
      %select_n3A_548 = arith.select %lt3A_535, %add3A_539, %add3A_547 : vector<16xi1>, vector<16xi32>
      %shift_right_logical3A_549 = arith.constant 5 : i32
      %shift_right_logical3A_550 = vector.broadcast %shift_right_logical3A_549 : i32 to vector<16xi32>
      %shift_right_logical3A_551 = arith.shrui %shift_right_logical3A_524, %shift_right_logical3A_550 : vector<16xi32>
      %shift_left3A = arith.constant 22 : i32
      %shift_left3A_552 = vector.broadcast %shift_left3A : i32 to vector<16xi32>
      %shift_left3A_553 = arith.shli %shift_right_logical3A_551, %shift_left3A_552 : vector<16xi32>
      %and3A_554 = arith.constant 127 : i32
      %and3A_555 = vector.broadcast %and3A_554 : i32 to vector<16xi32>
      %and3A_556 = arith.andi %get3A_522, %and3A_555 : vector<16xi32>
      %shift_left3A_557 = arith.constant 15 : i32
      %shift_left3A_558 = vector.broadcast %shift_left3A_557 : i32 to vector<16xi32>
      %shift_left3A_559 = arith.shli %and3A_556, %shift_left3A_558 : vector<16xi32>
      %or3A = arith.ori %shift_left3A_553, %shift_left3A_559 : vector<16xi32>
      %or3A_560 = arith.ori %or3A, %select_n3A_548 : vector<16xi32>
      %add3A_561 = arith.constant 1280 : i32
      %add3A_562 = arith.addi %add3A_561, %scan3A_518 : i32
      %swap3A_563 = arith.index_cast %add3A_562 : i32 to index
      %swap3A_564 = tpu.vector_load %arg7[%swap3A_563] masked %eq3A_529 {strides = array<i32>} : memref<4096xi32, #tpu.memory_space<vmem>>, vector<16xi32>, vector<16xi1>
      tpu.vector_store %arg7[%swap3A_563], %or3A_560 masked %eq3A_529 {strides = array<i32>} : memref<4096xi32, #tpu.memory_space<vmem>>, vector<16xi32>, vector<16xi1>
      %all_reduce_population_count3A = tpu.all_reduce %eq3A_529 {dim = 0 : i64, kind = #tpu.reduction_kind<sum>} : vector<16xi1> -> vector<16xi32>
      %slice3A = vector.extract_strided_slice %all_reduce_population_count3A {offsets = [0], sizes = [1], strides = [1]} : vector<16xi32> to vector<1xi32>
      %squeeze3A = vector.extract %slice3A[0] : i32 from vector<1xi32>
      %add3A_565 = arith.addi %scan3A_518, %squeeze3A : i32
      scf.yield %add3A_565 : i32
    }
    %scan3A_165 = arith.constant 64 : i32
    %eq3A_166 = arith.constant 10 : i32
    %eq3A_167 = vector.broadcast %eq3A_166 : i32 to vector<16xi32>
    %eq3A_168 = arith.cmpi eq, %iota3A, %eq3A_167 : vector<16xi32>
    %get3A_169 = arith.constant 0 : index
    %get3A_170 = tpu.vector_load %arg8[%get3A_169] {strides = array<i32>} : memref<32xi32, #tpu.memory_space<vmem>>, vector<16xi32>,
    %broadcast_in_dim3A_171 = vector.broadcast %scan3A_164 : i32 to vector<16xi32>
    %select_n3A_172 = arith.select %eq3A_168, %broadcast_in_dim3A_171, %get3A_170 : vector<16xi1>, vector<16xi32>
    %swap3A_173 = arith.constant 0 : index
    %swap3A_174 = tpu.vector_load %arg8[%swap3A_173] {strides = array<i32>} : memref<32xi32, #tpu.memory_space<vmem>>, vector<16xi32>,
    tpu.vector_store %arg8[%swap3A_173], %select_n3A_172 {strides = array<i32>} : memref<32xi32, #tpu.memory_space<vmem>>, vector<16xi32>,
    %scan3A_175 = arith.constant 0 : i32
    %scan3A_176 = arith.constant 0 : i32
    %scan3A_177 = arith.constant 64 : i32
    %scan3A_178 = arith.addi %scan3A_176, %scan3A_177 : i32
    %scan3A_179 = arith.constant 1 : i32
    %scan3A_180 = scf.for %scan3A_517 = %scan3A_176 to %scan3A_178 step %scan3A_179 iter_args(%scan3A_518 = %scan3A_175) -> (i32)  : i32 {
      %mul3A_519 = arith.constant 16 : i32
      %mul3A_520 = arith.muli %scan3A_517, %mul3A_519 : i32
      %get3A_521 = arith.index_cast %mul3A_520 : i32 to index
      %get3A_522 = tpu.vector_load %arg6[%get3A_521] {strides = array<i32>} : memref<1024xi32, #tpu.memory_space<vmem>>, vector<16xi32>,
      %shift_right_logical3A = arith.constant 7 : i32
      %shift_right_logical3A_523 = vector.broadcast %shift_right_logical3A : i32 to vector<16xi32>
      %shift_right_logical3A_524 = arith.shrui %get3A_522, %shift_right_logical3A_523 : vector<16xi32>
      %and3A = arith.constant 31 : i32
      %and3A_525 = vector.broadcast %and3A : i32 to vector<16xi32>
      %and3A_526 = arith.andi %shift_right_logical3A_524, %and3A_525 : vector<16xi32>
      %eq3A_527 = arith.constant 11 : i32
      %eq3A_528 = vector.broadcast %eq3A_527 : i32 to vector<16xi32>
      %eq3A_529 = arith.cmpi eq, %and3A_526, %eq3A_528 : vector<16xi32>
      %mul3A_530 = arith.constant 16 : i32
      %mul3A_531 = arith.muli %scan3A_517, %mul3A_530 : i32
      %add3A_532 = vector.broadcast %mul3A_531 : i32 to vector<16xi32>
      %add3A_533 = arith.addi %add3A_532, %iota3A : vector<16xi32>
      %lt3A = arith.constant 512 : i32
      %lt3A_534 = vector.broadcast %lt3A : i32 to vector<16xi32>
      %lt3A_535 = arith.cmpi slt, %add3A_533, %lt3A_534 : vector<16xi32>
      %mul3A_536 = arith.constant 512 : i32
      %mul3A_537 = arith.muli %add3A, %mul3A_536 : i32
      %add3A_538 = vector.broadcast %mul3A_537 : i32 to vector<16xi32>
      %add3A_539 = arith.addi %add3A_538, %add3A_533 : vector<16xi32>
      %mul3A_540 = arith.constant 512 : i32
      %mul3A_541 = arith.muli %add3A, %mul3A_540 : i32
      %add3A_542 = arith.constant 16384 : i32
      %add3A_543 = arith.addi %add3A_542, %mul3A_541 : i32
      %sub3A = arith.constant 512 : i32
      %sub3A_544 = vector.broadcast %sub3A : i32 to vector<16xi32>
      %sub3A_545 = arith.subi %add3A_533, %sub3A_544 : vector<16xi32>
      %add3A_546 = vector.broadcast %add3A_543 : i32 to vector<16xi32>
      %add3A_547 = arith.addi %add3A_546, %sub3A_545 : vector<16xi32>
      %select_n3A_548 = arith.select %lt3A_535, %add3A_539, %add3A_547 : vector<16xi1>, vector<16xi32>
      %shift_right_logical3A_549 = arith.constant 5 : i32
      %shift_right_logical3A_550 = vector.broadcast %shift_right_logical3A_549 : i32 to vector<16xi32>
      %shift_right_logical3A_551 = arith.shrui %shift_right_logical3A_524, %shift_right_logical3A_550 : vector<16xi32>
      %shift_left3A = arith.constant 22 : i32
      %shift_left3A_552 = vector.broadcast %shift_left3A : i32 to vector<16xi32>
      %shift_left3A_553 = arith.shli %shift_right_logical3A_551, %shift_left3A_552 : vector<16xi32>
      %and3A_554 = arith.constant 127 : i32
      %and3A_555 = vector.broadcast %and3A_554 : i32 to vector<16xi32>
      %and3A_556 = arith.andi %get3A_522, %and3A_555 : vector<16xi32>
      %shift_left3A_557 = arith.constant 15 : i32
      %shift_left3A_558 = vector.broadcast %shift_left3A_557 : i32 to vector<16xi32>
      %shift_left3A_559 = arith.shli %and3A_556, %shift_left3A_558 : vector<16xi32>
      %or3A = arith.ori %shift_left3A_553, %shift_left3A_559 : vector<16xi32>
      %or3A_560 = arith.ori %or3A, %select_n3A_548 : vector<16xi32>
      %add3A_561 = arith.constant 1408 : i32
      %add3A_562 = arith.addi %add3A_561, %scan3A_518 : i32
      %swap3A_563 = arith.index_cast %add3A_562 : i32 to index
      %swap3A_564 = tpu.vector_load %arg7[%swap3A_563] masked %eq3A_529 {strides = array<i32>} : memref<4096xi32, #tpu.memory_space<vmem>>, vector<16xi32>, vector<16xi1>
      tpu.vector_store %arg7[%swap3A_563], %or3A_560 masked %eq3A_529 {strides = array<i32>} : memref<4096xi32, #tpu.memory_space<vmem>>, vector<16xi32>, vector<16xi1>
      %all_reduce_population_count3A = tpu.all_reduce %eq3A_529 {dim = 0 : i64, kind = #tpu.reduction_kind<sum>} : vector<16xi1> -> vector<16xi32>
      %slice3A = vector.extract_strided_slice %all_reduce_population_count3A {offsets = [0], sizes = [1], strides = [1]} : vector<16xi32> to vector<1xi32>
      %squeeze3A = vector.extract %slice3A[0] : i32 from vector<1xi32>
      %add3A_565 = arith.addi %scan3A_518, %squeeze3A : i32
      scf.yield %add3A_565 : i32
    }
    %scan3A_181 = arith.constant 64 : i32
    %eq3A_182 = arith.constant 11 : i32
    %eq3A_183 = vector.broadcast %eq3A_182 : i32 to vector<16xi32>
    %eq3A_184 = arith.cmpi eq, %iota3A, %eq3A_183 : vector<16xi32>
    %get3A_185 = arith.constant 0 : index
    %get3A_186 = tpu.vector_load %arg8[%get3A_185] {strides = array<i32>} : memref<32xi32, #tpu.memory_space<vmem>>, vector<16xi32>,
    %broadcast_in_dim3A_187 = vector.broadcast %scan3A_180 : i32 to vector<16xi32>
    %select_n3A_188 = arith.select %eq3A_184, %broadcast_in_dim3A_187, %get3A_186 : vector<16xi1>, vector<16xi32>
    %swap3A_189 = arith.constant 0 : index
    %swap3A_190 = tpu.vector_load %arg8[%swap3A_189] {strides = array<i32>} : memref<32xi32, #tpu.memory_space<vmem>>, vector<16xi32>,
    tpu.vector_store %arg8[%swap3A_189], %select_n3A_188 {strides = array<i32>} : memref<32xi32, #tpu.memory_space<vmem>>, vector<16xi32>,
    %scan3A_191 = arith.constant 0 : i32
    %scan3A_192 = arith.constant 0 : i32
    %scan3A_193 = arith.constant 64 : i32
    %scan3A_194 = arith.addi %scan3A_192, %scan3A_193 : i32
    %scan3A_195 = arith.constant 1 : i32
    %scan3A_196 = scf.for %scan3A_517 = %scan3A_192 to %scan3A_194 step %scan3A_195 iter_args(%scan3A_518 = %scan3A_191) -> (i32)  : i32 {
      %mul3A_519 = arith.constant 16 : i32
      %mul3A_520 = arith.muli %scan3A_517, %mul3A_519 : i32
      %get3A_521 = arith.index_cast %mul3A_520 : i32 to index
      %get3A_522 = tpu.vector_load %arg6[%get3A_521] {strides = array<i32>} : memref<1024xi32, #tpu.memory_space<vmem>>, vector<16xi32>,
      %shift_right_logical3A = arith.constant 7 : i32
      %shift_right_logical3A_523 = vector.broadcast %shift_right_logical3A : i32 to vector<16xi32>
      %shift_right_logical3A_524 = arith.shrui %get3A_522, %shift_right_logical3A_523 : vector<16xi32>
      %and3A = arith.constant 31 : i32
      %and3A_525 = vector.broadcast %and3A : i32 to vector<16xi32>
      %and3A_526 = arith.andi %shift_right_logical3A_524, %and3A_525 : vector<16xi32>
      %eq3A_527 = arith.constant 12 : i32
      %eq3A_528 = vector.broadcast %eq3A_527 : i32 to vector<16xi32>
      %eq3A_529 = arith.cmpi eq, %and3A_526, %eq3A_528 : vector<16xi32>
      %mul3A_530 = arith.constant 16 : i32
      %mul3A_531 = arith.muli %scan3A_517, %mul3A_530 : i32
      %add3A_532 = vector.broadcast %mul3A_531 : i32 to vector<16xi32>
      %add3A_533 = arith.addi %add3A_532, %iota3A : vector<16xi32>
      %lt3A = arith.constant 512 : i32
      %lt3A_534 = vector.broadcast %lt3A : i32 to vector<16xi32>
      %lt3A_535 = arith.cmpi slt, %add3A_533, %lt3A_534 : vector<16xi32>
      %mul3A_536 = arith.constant 512 : i32
      %mul3A_537 = arith.muli %add3A, %mul3A_536 : i32
      %add3A_538 = vector.broadcast %mul3A_537 : i32 to vector<16xi32>
      %add3A_539 = arith.addi %add3A_538, %add3A_533 : vector<16xi32>
      %mul3A_540 = arith.constant 512 : i32
      %mul3A_541 = arith.muli %add3A, %mul3A_540 : i32
      %add3A_542 = arith.constant 16384 : i32
      %add3A_543 = arith.addi %add3A_542, %mul3A_541 : i32
      %sub3A = arith.constant 512 : i32
      %sub3A_544 = vector.broadcast %sub3A : i32 to vector<16xi32>
      %sub3A_545 = arith.subi %add3A_533, %sub3A_544 : vector<16xi32>
      %add3A_546 = vector.broadcast %add3A_543 : i32 to vector<16xi32>
      %add3A_547 = arith.addi %add3A_546, %sub3A_545 : vector<16xi32>
      %select_n3A_548 = arith.select %lt3A_535, %add3A_539, %add3A_547 : vector<16xi1>, vector<16xi32>
      %shift_right_logical3A_549 = arith.constant 5 : i32
      %shift_right_logical3A_550 = vector.broadcast %shift_right_logical3A_549 : i32 to vector<16xi32>
      %shift_right_logical3A_551 = arith.shrui %shift_right_logical3A_524, %shift_right_logical3A_550 : vector<16xi32>
      %shift_left3A = arith.constant 22 : i32
      %shift_left3A_552 = vector.broadcast %shift_left3A : i32 to vector<16xi32>
      %shift_left3A_553 = arith.shli %shift_right_logical3A_551, %shift_left3A_552 : vector<16xi32>
      %and3A_554 = arith.constant 127 : i32
      %and3A_555 = vector.broadcast %and3A_554 : i32 to vector<16xi32>
      %and3A_556 = arith.andi %get3A_522, %and3A_555 : vector<16xi32>
      %shift_left3A_557 = arith.constant 15 : i32
      %shift_left3A_558 = vector.broadcast %shift_left3A_557 : i32 to vector<16xi32>
      %shift_left3A_559 = arith.shli %and3A_556, %shift_left3A_558 : vector<16xi32>
      %or3A = arith.ori %shift_left3A_553, %shift_left3A_559 : vector<16xi32>
      %or3A_560 = arith.ori %or3A, %select_n3A_548 : vector<16xi32>
      %add3A_561 = arith.constant 1536 : i32
      %add3A_562 = arith.addi %add3A_561, %scan3A_518 : i32
      %swap3A_563 = arith.index_cast %add3A_562 : i32 to index
      %swap3A_564 = tpu.vector_load %arg7[%swap3A_563] masked %eq3A_529 {strides = array<i32>} : memref<4096xi32, #tpu.memory_space<vmem>>, vector<16xi32>, vector<16xi1>
      tpu.vector_store %arg7[%swap3A_563], %or3A_560 masked %eq3A_529 {strides = array<i32>} : memref<4096xi32, #tpu.memory_space<vmem>>, vector<16xi32>, vector<16xi1>
      %all_reduce_population_count3A = tpu.all_reduce %eq3A_529 {dim = 0 : i64, kind = #tpu.reduction_kind<sum>} : vector<16xi1> -> vector<16xi32>
      %slice3A = vector.extract_strided_slice %all_reduce_population_count3A {offsets = [0], sizes = [1], strides = [1]} : vector<16xi32> to vector<1xi32>
      %squeeze3A = vector.extract %slice3A[0] : i32 from vector<1xi32>
      %add3A_565 = arith.addi %scan3A_518, %squeeze3A : i32
      scf.yield %add3A_565 : i32
    }
    %scan3A_197 = arith.constant 64 : i32
    %eq3A_198 = arith.constant 12 : i32
    %eq3A_199 = vector.broadcast %eq3A_198 : i32 to vector<16xi32>
    %eq3A_200 = arith.cmpi eq, %iota3A, %eq3A_199 : vector<16xi32>
    %get3A_201 = arith.constant 0 : index
    %get3A_202 = tpu.vector_load %arg8[%get3A_201] {strides = array<i32>} : memref<32xi32, #tpu.memory_space<vmem>>, vector<16xi32>,
    %broadcast_in_dim3A_203 = vector.broadcast %scan3A_196 : i32 to vector<16xi32>
    %select_n3A_204 = arith.select %eq3A_200, %broadcast_in_dim3A_203, %get3A_202 : vector<16xi1>, vector<16xi32>
    %swap3A_205 = arith.constant 0 : index
    %swap3A_206 = tpu.vector_load %arg8[%swap3A_205] {strides = array<i32>} : memref<32xi32, #tpu.memory_space<vmem>>, vector<16xi32>,
    tpu.vector_store %arg8[%swap3A_205], %select_n3A_204 {strides = array<i32>} : memref<32xi32, #tpu.memory_space<vmem>>, vector<16xi32>,
    %scan3A_207 = arith.constant 0 : i32
    %scan3A_208 = arith.constant 0 : i32
    %scan3A_209 = arith.constant 64 : i32
    %scan3A_210 = arith.addi %scan3A_208, %scan3A_209 : i32
    %scan3A_211 = arith.constant 1 : i32
    %scan3A_212 = scf.for %scan3A_517 = %scan3A_208 to %scan3A_210 step %scan3A_211 iter_args(%scan3A_518 = %scan3A_207) -> (i32)  : i32 {
      %mul3A_519 = arith.constant 16 : i32
      %mul3A_520 = arith.muli %scan3A_517, %mul3A_519 : i32
      %get3A_521 = arith.index_cast %mul3A_520 : i32 to index
      %get3A_522 = tpu.vector_load %arg6[%get3A_521] {strides = array<i32>} : memref<1024xi32, #tpu.memory_space<vmem>>, vector<16xi32>,
      %shift_right_logical3A = arith.constant 7 : i32
      %shift_right_logical3A_523 = vector.broadcast %shift_right_logical3A : i32 to vector<16xi32>
      %shift_right_logical3A_524 = arith.shrui %get3A_522, %shift_right_logical3A_523 : vector<16xi32>
      %and3A = arith.constant 31 : i32
      %and3A_525 = vector.broadcast %and3A : i32 to vector<16xi32>
      %and3A_526 = arith.andi %shift_right_logical3A_524, %and3A_525 : vector<16xi32>
      %eq3A_527 = arith.constant 13 : i32
      %eq3A_528 = vector.broadcast %eq3A_527 : i32 to vector<16xi32>
      %eq3A_529 = arith.cmpi eq, %and3A_526, %eq3A_528 : vector<16xi32>
      %mul3A_530 = arith.constant 16 : i32
      %mul3A_531 = arith.muli %scan3A_517, %mul3A_530 : i32
      %add3A_532 = vector.broadcast %mul3A_531 : i32 to vector<16xi32>
      %add3A_533 = arith.addi %add3A_532, %iota3A : vector<16xi32>
      %lt3A = arith.constant 512 : i32
      %lt3A_534 = vector.broadcast %lt3A : i32 to vector<16xi32>
      %lt3A_535 = arith.cmpi slt, %add3A_533, %lt3A_534 : vector<16xi32>
      %mul3A_536 = arith.constant 512 : i32
      %mul3A_537 = arith.muli %add3A, %mul3A_536 : i32
      %add3A_538 = vector.broadcast %mul3A_537 : i32 to vector<16xi32>
      %add3A_539 = arith.addi %add3A_538, %add3A_533 : vector<16xi32>
      %mul3A_540 = arith.constant 512 : i32
      %mul3A_541 = arith.muli %add3A, %mul3A_540 : i32
      %add3A_542 = arith.constant 16384 : i32
      %add3A_543 = arith.addi %add3A_542, %mul3A_541 : i32
      %sub3A = arith.constant 512 : i32
      %sub3A_544 = vector.broadcast %sub3A : i32 to vector<16xi32>
      %sub3A_545 = arith.subi %add3A_533, %sub3A_544 : vector<16xi32>
      %add3A_546 = vector.broadcast %add3A_543 : i32 to vector<16xi32>
      %add3A_547 = arith.addi %add3A_546, %sub3A_545 : vector<16xi32>
      %select_n3A_548 = arith.select %lt3A_535, %add3A_539, %add3A_547 : vector<16xi1>, vector<16xi32>
      %shift_right_logical3A_549 = arith.constant 5 : i32
      %shift_right_logical3A_550 = vector.broadcast %shift_right_logical3A_549 : i32 to vector<16xi32>
      %shift_right_logical3A_551 = arith.shrui %shift_right_logical3A_524, %shift_right_logical3A_550 : vector<16xi32>
      %shift_left3A = arith.constant 22 : i32
      %shift_left3A_552 = vector.broadcast %shift_left3A : i32 to vector<16xi32>
      %shift_left3A_553 = arith.shli %shift_right_logical3A_551, %shift_left3A_552 : vector<16xi32>
      %and3A_554 = arith.constant 127 : i32
      %and3A_555 = vector.broadcast %and3A_554 : i32 to vector<16xi32>
      %and3A_556 = arith.andi %get3A_522, %and3A_555 : vector<16xi32>
      %shift_left3A_557 = arith.constant 15 : i32
      %shift_left3A_558 = vector.broadcast %shift_left3A_557 : i32 to vector<16xi32>
      %shift_left3A_559 = arith.shli %and3A_556, %shift_left3A_558 : vector<16xi32>
      %or3A = arith.ori %shift_left3A_553, %shift_left3A_559 : vector<16xi32>
      %or3A_560 = arith.ori %or3A, %select_n3A_548 : vector<16xi32>
      %add3A_561 = arith.constant 1664 : i32
      %add3A_562 = arith.addi %add3A_561, %scan3A_518 : i32
      %swap3A_563 = arith.index_cast %add3A_562 : i32 to index
      %swap3A_564 = tpu.vector_load %arg7[%swap3A_563] masked %eq3A_529 {strides = array<i32>} : memref<4096xi32, #tpu.memory_space<vmem>>, vector<16xi32>, vector<16xi1>
      tpu.vector_store %arg7[%swap3A_563], %or3A_560 masked %eq3A_529 {strides = array<i32>} : memref<4096xi32, #tpu.memory_space<vmem>>, vector<16xi32>, vector<16xi1>
      %all_reduce_population_count3A = tpu.all_reduce %eq3A_529 {dim = 0 : i64, kind = #tpu.reduction_kind<sum>} : vector<16xi1> -> vector<16xi32>
      %slice3A = vector.extract_strided_slice %all_reduce_population_count3A {offsets = [0], sizes = [1], strides = [1]} : vector<16xi32> to vector<1xi32>
      %squeeze3A = vector.extract %slice3A[0] : i32 from vector<1xi32>
      %add3A_565 = arith.addi %scan3A_518, %squeeze3A : i32
      scf.yield %add3A_565 : i32
    }
    %scan3A_213 = arith.constant 64 : i32
    %eq3A_214 = arith.constant 13 : i32
    %eq3A_215 = vector.broadcast %eq3A_214 : i32 to vector<16xi32>
    %eq3A_216 = arith.cmpi eq, %iota3A, %eq3A_215 : vector<16xi32>
    %get3A_217 = arith.constant 0 : index
    %get3A_218 = tpu.vector_load %arg8[%get3A_217] {strides = array<i32>} : memref<32xi32, #tpu.memory_space<vmem>>, vector<16xi32>,
    %broadcast_in_dim3A_219 = vector.broadcast %scan3A_212 : i32 to vector<16xi32>
    %select_n3A_220 = arith.select %eq3A_216, %broadcast_in_dim3A_219, %get3A_218 : vector<16xi1>, vector<16xi32>
    %swap3A_221 = arith.constant 0 : index
    %swap3A_222 = tpu.vector_load %arg8[%swap3A_221] {strides = array<i32>} : memref<32xi32, #tpu.memory_space<vmem>>, vector<16xi32>,
    tpu.vector_store %arg8[%swap3A_221], %select_n3A_220 {strides = array<i32>} : memref<32xi32, #tpu.memory_space<vmem>>, vector<16xi32>,
    %scan3A_223 = arith.constant 0 : i32
    %scan3A_224 = arith.constant 0 : i32
    %scan3A_225 = arith.constant 64 : i32
    %scan3A_226 = arith.addi %scan3A_224, %scan3A_225 : i32
    %scan3A_227 = arith.constant 1 : i32
    %scan3A_228 = scf.for %scan3A_517 = %scan3A_224 to %scan3A_226 step %scan3A_227 iter_args(%scan3A_518 = %scan3A_223) -> (i32)  : i32 {
      %mul3A_519 = arith.constant 16 : i32
      %mul3A_520 = arith.muli %scan3A_517, %mul3A_519 : i32
      %get3A_521 = arith.index_cast %mul3A_520 : i32 to index
      %get3A_522 = tpu.vector_load %arg6[%get3A_521] {strides = array<i32>} : memref<1024xi32, #tpu.memory_space<vmem>>, vector<16xi32>,
      %shift_right_logical3A = arith.constant 7 : i32
      %shift_right_logical3A_523 = vector.broadcast %shift_right_logical3A : i32 to vector<16xi32>
      %shift_right_logical3A_524 = arith.shrui %get3A_522, %shift_right_logical3A_523 : vector<16xi32>
      %and3A = arith.constant 31 : i32
      %and3A_525 = vector.broadcast %and3A : i32 to vector<16xi32>
      %and3A_526 = arith.andi %shift_right_logical3A_524, %and3A_525 : vector<16xi32>
      %eq3A_527 = arith.constant 14 : i32
      %eq3A_528 = vector.broadcast %eq3A_527 : i32 to vector<16xi32>
      %eq3A_529 = arith.cmpi eq, %and3A_526, %eq3A_528 : vector<16xi32>
      %mul3A_530 = arith.constant 16 : i32
      %mul3A_531 = arith.muli %scan3A_517, %mul3A_530 : i32
      %add3A_532 = vector.broadcast %mul3A_531 : i32 to vector<16xi32>
      %add3A_533 = arith.addi %add3A_532, %iota3A : vector<16xi32>
      %lt3A = arith.constant 512 : i32
      %lt3A_534 = vector.broadcast %lt3A : i32 to vector<16xi32>
      %lt3A_535 = arith.cmpi slt, %add3A_533, %lt3A_534 : vector<16xi32>
      %mul3A_536 = arith.constant 512 : i32
      %mul3A_537 = arith.muli %add3A, %mul3A_536 : i32
      %add3A_538 = vector.broadcast %mul3A_537 : i32 to vector<16xi32>
      %add3A_539 = arith.addi %add3A_538, %add3A_533 : vector<16xi32>
      %mul3A_540 = arith.constant 512 : i32
      %mul3A_541 = arith.muli %add3A, %mul3A_540 : i32
      %add3A_542 = arith.constant 16384 : i32
      %add3A_543 = arith.addi %add3A_542, %mul3A_541 : i32
      %sub3A = arith.constant 512 : i32
      %sub3A_544 = vector.broadcast %sub3A : i32 to vector<16xi32>
      %sub3A_545 = arith.subi %add3A_533, %sub3A_544 : vector<16xi32>
      %add3A_546 = vector.broadcast %add3A_543 : i32 to vector<16xi32>
      %add3A_547 = arith.addi %add3A_546, %sub3A_545 : vector<16xi32>
      %select_n3A_548 = arith.select %lt3A_535, %add3A_539, %add3A_547 : vector<16xi1>, vector<16xi32>
      %shift_right_logical3A_549 = arith.constant 5 : i32
      %shift_right_logical3A_550 = vector.broadcast %shift_right_logical3A_549 : i32 to vector<16xi32>
      %shift_right_logical3A_551 = arith.shrui %shift_right_logical3A_524, %shift_right_logical3A_550 : vector<16xi32>
      %shift_left3A = arith.constant 22 : i32
      %shift_left3A_552 = vector.broadcast %shift_left3A : i32 to vector<16xi32>
      %shift_left3A_553 = arith.shli %shift_right_logical3A_551, %shift_left3A_552 : vector<16xi32>
      %and3A_554 = arith.constant 127 : i32
      %and3A_555 = vector.broadcast %and3A_554 : i32 to vector<16xi32>
      %and3A_556 = arith.andi %get3A_522, %and3A_555 : vector<16xi32>
      %shift_left3A_557 = arith.constant 15 : i32
      %shift_left3A_558 = vector.broadcast %shift_left3A_557 : i32 to vector<16xi32>
      %shift_left3A_559 = arith.shli %and3A_556, %shift_left3A_558 : vector<16xi32>
      %or3A = arith.ori %shift_left3A_553, %shift_left3A_559 : vector<16xi32>
      %or3A_560 = arith.ori %or3A, %select_n3A_548 : vector<16xi32>
      %add3A_561 = arith.constant 1792 : i32
      %add3A_562 = arith.addi %add3A_561, %scan3A_518 : i32
      %swap3A_563 = arith.index_cast %add3A_562 : i32 to index
      %swap3A_564 = tpu.vector_load %arg7[%swap3A_563] masked %eq3A_529 {strides = array<i32>} : memref<4096xi32, #tpu.memory_space<vmem>>, vector<16xi32>, vector<16xi1>
      tpu.vector_store %arg7[%swap3A_563], %or3A_560 masked %eq3A_529 {strides = array<i32>} : memref<4096xi32, #tpu.memory_space<vmem>>, vector<16xi32>, vector<16xi1>
      %all_reduce_population_count3A = tpu.all_reduce %eq3A_529 {dim = 0 : i64, kind = #tpu.reduction_kind<sum>} : vector<16xi1> -> vector<16xi32>
      %slice3A = vector.extract_strided_slice %all_reduce_population_count3A {offsets = [0], sizes = [1], strides = [1]} : vector<16xi32> to vector<1xi32>
      %squeeze3A = vector.extract %slice3A[0] : i32 from vector<1xi32>
      %add3A_565 = arith.addi %scan3A_518, %squeeze3A : i32
      scf.yield %add3A_565 : i32
    }
    %scan3A_229 = arith.constant 64 : i32
    %eq3A_230 = arith.constant 14 : i32
    %eq3A_231 = vector.broadcast %eq3A_230 : i32 to vector<16xi32>
    %eq3A_232 = arith.cmpi eq, %iota3A, %eq3A_231 : vector<16xi32>
    %get3A_233 = arith.constant 0 : index
    %get3A_234 = tpu.vector_load %arg8[%get3A_233] {strides = array<i32>} : memref<32xi32, #tpu.memory_space<vmem>>, vector<16xi32>,
    %broadcast_in_dim3A_235 = vector.broadcast %scan3A_228 : i32 to vector<16xi32>
    %select_n3A_236 = arith.select %eq3A_232, %broadcast_in_dim3A_235, %get3A_234 : vector<16xi1>, vector<16xi32>
    %swap3A_237 = arith.constant 0 : index
    %swap3A_238 = tpu.vector_load %arg8[%swap3A_237] {strides = array<i32>} : memref<32xi32, #tpu.memory_space<vmem>>, vector<16xi32>,
    tpu.vector_store %arg8[%swap3A_237], %select_n3A_236 {strides = array<i32>} : memref<32xi32, #tpu.memory_space<vmem>>, vector<16xi32>,
    %scan3A_239 = arith.constant 0 : i32
    %scan3A_240 = arith.constant 0 : i32
    %scan3A_241 = arith.constant 64 : i32
    %scan3A_242 = arith.addi %scan3A_240, %scan3A_241 : i32
    %scan3A_243 = arith.constant 1 : i32
    %scan3A_244 = scf.for %scan3A_517 = %scan3A_240 to %scan3A_242 step %scan3A_243 iter_args(%scan3A_518 = %scan3A_239) -> (i32)  : i32 {
      %mul3A_519 = arith.constant 16 : i32
      %mul3A_520 = arith.muli %scan3A_517, %mul3A_519 : i32
      %get3A_521 = arith.index_cast %mul3A_520 : i32 to index
      %get3A_522 = tpu.vector_load %arg6[%get3A_521] {strides = array<i32>} : memref<1024xi32, #tpu.memory_space<vmem>>, vector<16xi32>,
      %shift_right_logical3A = arith.constant 7 : i32
      %shift_right_logical3A_523 = vector.broadcast %shift_right_logical3A : i32 to vector<16xi32>
      %shift_right_logical3A_524 = arith.shrui %get3A_522, %shift_right_logical3A_523 : vector<16xi32>
      %and3A = arith.constant 31 : i32
      %and3A_525 = vector.broadcast %and3A : i32 to vector<16xi32>
      %and3A_526 = arith.andi %shift_right_logical3A_524, %and3A_525 : vector<16xi32>
      %eq3A_527 = arith.constant 15 : i32
      %eq3A_528 = vector.broadcast %eq3A_527 : i32 to vector<16xi32>
      %eq3A_529 = arith.cmpi eq, %and3A_526, %eq3A_528 : vector<16xi32>
      %mul3A_530 = arith.constant 16 : i32
      %mul3A_531 = arith.muli %scan3A_517, %mul3A_530 : i32
      %add3A_532 = vector.broadcast %mul3A_531 : i32 to vector<16xi32>
      %add3A_533 = arith.addi %add3A_532, %iota3A : vector<16xi32>
      %lt3A = arith.constant 512 : i32
      %lt3A_534 = vector.broadcast %lt3A : i32 to vector<16xi32>
      %lt3A_535 = arith.cmpi slt, %add3A_533, %lt3A_534 : vector<16xi32>
      %mul3A_536 = arith.constant 512 : i32
      %mul3A_537 = arith.muli %add3A, %mul3A_536 : i32
      %add3A_538 = vector.broadcast %mul3A_537 : i32 to vector<16xi32>
      %add3A_539 = arith.addi %add3A_538, %add3A_533 : vector<16xi32>
      %mul3A_540 = arith.constant 512 : i32
      %mul3A_541 = arith.muli %add3A, %mul3A_540 : i32
      %add3A_542 = arith.constant 16384 : i32
      %add3A_543 = arith.addi %add3A_542, %mul3A_541 : i32
      %sub3A = arith.constant 512 : i32
      %sub3A_544 = vector.broadcast %sub3A : i32 to vector<16xi32>
      %sub3A_545 = arith.subi %add3A_533, %sub3A_544 : vector<16xi32>
      %add3A_546 = vector.broadcast %add3A_543 : i32 to vector<16xi32>
      %add3A_547 = arith.addi %add3A_546, %sub3A_545 : vector<16xi32>
      %select_n3A_548 = arith.select %lt3A_535, %add3A_539, %add3A_547 : vector<16xi1>, vector<16xi32>
      %shift_right_logical3A_549 = arith.constant 5 : i32
      %shift_right_logical3A_550 = vector.broadcast %shift_right_logical3A_549 : i32 to vector<16xi32>
      %shift_right_logical3A_551 = arith.shrui %shift_right_logical3A_524, %shift_right_logical3A_550 : vector<16xi32>
      %shift_left3A = arith.constant 22 : i32
      %shift_left3A_552 = vector.broadcast %shift_left3A : i32 to vector<16xi32>
      %shift_left3A_553 = arith.shli %shift_right_logical3A_551, %shift_left3A_552 : vector<16xi32>
      %and3A_554 = arith.constant 127 : i32
      %and3A_555 = vector.broadcast %and3A_554 : i32 to vector<16xi32>
      %and3A_556 = arith.andi %get3A_522, %and3A_555 : vector<16xi32>
      %shift_left3A_557 = arith.constant 15 : i32
      %shift_left3A_558 = vector.broadcast %shift_left3A_557 : i32 to vector<16xi32>
      %shift_left3A_559 = arith.shli %and3A_556, %shift_left3A_558 : vector<16xi32>
      %or3A = arith.ori %shift_left3A_553, %shift_left3A_559 : vector<16xi32>
      %or3A_560 = arith.ori %or3A, %select_n3A_548 : vector<16xi32>
      %add3A_561 = arith.constant 1920 : i32
      %add3A_562 = arith.addi %add3A_561, %scan3A_518 : i32
      %swap3A_563 = arith.index_cast %add3A_562 : i32 to index
      %swap3A_564 = tpu.vector_load %arg7[%swap3A_563] masked %eq3A_529 {strides = array<i32>} : memref<4096xi32, #tpu.memory_space<vmem>>, vector<16xi32>, vector<16xi1>
      tpu.vector_store %arg7[%swap3A_563], %or3A_560 masked %eq3A_529 {strides = array<i32>} : memref<4096xi32, #tpu.memory_space<vmem>>, vector<16xi32>, vector<16xi1>
      %all_reduce_population_count3A = tpu.all_reduce %eq3A_529 {dim = 0 : i64, kind = #tpu.reduction_kind<sum>} : vector<16xi1> -> vector<16xi32>
      %slice3A = vector.extract_strided_slice %all_reduce_population_count3A {offsets = [0], sizes = [1], strides = [1]} : vector<16xi32> to vector<1xi32>
      %squeeze3A = vector.extract %slice3A[0] : i32 from vector<1xi32>
      %add3A_565 = arith.addi %scan3A_518, %squeeze3A : i32
      scf.yield %add3A_565 : i32
    }
    %scan3A_245 = arith.constant 64 : i32
    %eq3A_246 = arith.constant 15 : i32
    %eq3A_247 = vector.broadcast %eq3A_246 : i32 to vector<16xi32>
    %eq3A_248 = arith.cmpi eq, %iota3A, %eq3A_247 : vector<16xi32>
    %get3A_249 = arith.constant 0 : index
    %get3A_250 = tpu.vector_load %arg8[%get3A_249] {strides = array<i32>} : memref<32xi32, #tpu.memory_space<vmem>>, vector<16xi32>,
    %broadcast_in_dim3A_251 = vector.broadcast %scan3A_244 : i32 to vector<16xi32>
    %select_n3A_252 = arith.select %eq3A_248, %broadcast_in_dim3A_251, %get3A_250 : vector<16xi1>, vector<16xi32>
    %swap3A_253 = arith.constant 0 : index
    %swap3A_254 = tpu.vector_load %arg8[%swap3A_253] {strides = array<i32>} : memref<32xi32, #tpu.memory_space<vmem>>, vector<16xi32>,
    tpu.vector_store %arg8[%swap3A_253], %select_n3A_252 {strides = array<i32>} : memref<32xi32, #tpu.memory_space<vmem>>, vector<16xi32>,
    %scan3A_255 = arith.constant 0 : i32
    %scan3A_256 = arith.constant 0 : i32
    %scan3A_257 = arith.constant 64 : i32
    %scan3A_258 = arith.addi %scan3A_256, %scan3A_257 : i32
    %scan3A_259 = arith.constant 1 : i32
    %scan3A_260 = scf.for %scan3A_517 = %scan3A_256 to %scan3A_258 step %scan3A_259 iter_args(%scan3A_518 = %scan3A_255) -> (i32)  : i32 {
      %mul3A_519 = arith.constant 16 : i32
      %mul3A_520 = arith.muli %scan3A_517, %mul3A_519 : i32
      %get3A_521 = arith.index_cast %mul3A_520 : i32 to index
      %get3A_522 = tpu.vector_load %arg6[%get3A_521] {strides = array<i32>} : memref<1024xi32, #tpu.memory_space<vmem>>, vector<16xi32>,
      %shift_right_logical3A = arith.constant 7 : i32
      %shift_right_logical3A_523 = vector.broadcast %shift_right_logical3A : i32 to vector<16xi32>
      %shift_right_logical3A_524 = arith.shrui %get3A_522, %shift_right_logical3A_523 : vector<16xi32>
      %and3A = arith.constant 31 : i32
      %and3A_525 = vector.broadcast %and3A : i32 to vector<16xi32>
      %and3A_526 = arith.andi %shift_right_logical3A_524, %and3A_525 : vector<16xi32>
      %eq3A_527 = arith.constant 16 : i32
      %eq3A_528 = vector.broadcast %eq3A_527 : i32 to vector<16xi32>
      %eq3A_529 = arith.cmpi eq, %and3A_526, %eq3A_528 : vector<16xi32>
      %mul3A_530 = arith.constant 16 : i32
      %mul3A_531 = arith.muli %scan3A_517, %mul3A_530 : i32
      %add3A_532 = vector.broadcast %mul3A_531 : i32 to vector<16xi32>
      %add3A_533 = arith.addi %add3A_532, %iota3A : vector<16xi32>
      %lt3A = arith.constant 512 : i32
      %lt3A_534 = vector.broadcast %lt3A : i32 to vector<16xi32>
      %lt3A_535 = arith.cmpi slt, %add3A_533, %lt3A_534 : vector<16xi32>
      %mul3A_536 = arith.constant 512 : i32
      %mul3A_537 = arith.muli %add3A, %mul3A_536 : i32
      %add3A_538 = vector.broadcast %mul3A_537 : i32 to vector<16xi32>
      %add3A_539 = arith.addi %add3A_538, %add3A_533 : vector<16xi32>
      %mul3A_540 = arith.constant 512 : i32
      %mul3A_541 = arith.muli %add3A, %mul3A_540 : i32
      %add3A_542 = arith.constant 16384 : i32
      %add3A_543 = arith.addi %add3A_542, %mul3A_541 : i32
      %sub3A = arith.constant 512 : i32
      %sub3A_544 = vector.broadcast %sub3A : i32 to vector<16xi32>
      %sub3A_545 = arith.subi %add3A_533, %sub3A_544 : vector<16xi32>
      %add3A_546 = vector.broadcast %add3A_543 : i32 to vector<16xi32>
      %add3A_547 = arith.addi %add3A_546, %sub3A_545 : vector<16xi32>
      %select_n3A_548 = arith.select %lt3A_535, %add3A_539, %add3A_547 : vector<16xi1>, vector<16xi32>
      %shift_right_logical3A_549 = arith.constant 5 : i32
      %shift_right_logical3A_550 = vector.broadcast %shift_right_logical3A_549 : i32 to vector<16xi32>
      %shift_right_logical3A_551 = arith.shrui %shift_right_logical3A_524, %shift_right_logical3A_550 : vector<16xi32>
      %shift_left3A = arith.constant 22 : i32
      %shift_left3A_552 = vector.broadcast %shift_left3A : i32 to vector<16xi32>
      %shift_left3A_553 = arith.shli %shift_right_logical3A_551, %shift_left3A_552 : vector<16xi32>
      %and3A_554 = arith.constant 127 : i32
      %and3A_555 = vector.broadcast %and3A_554 : i32 to vector<16xi32>
      %and3A_556 = arith.andi %get3A_522, %and3A_555 : vector<16xi32>
      %shift_left3A_557 = arith.constant 15 : i32
      %shift_left3A_558 = vector.broadcast %shift_left3A_557 : i32 to vector<16xi32>
      %shift_left3A_559 = arith.shli %and3A_556, %shift_left3A_558 : vector<16xi32>
      %or3A = arith.ori %shift_left3A_553, %shift_left3A_559 : vector<16xi32>
      %or3A_560 = arith.ori %or3A, %select_n3A_548 : vector<16xi32>
      %add3A_561 = arith.constant 2048 : i32
      %add3A_562 = arith.addi %add3A_561, %scan3A_518 : i32
      %swap3A_563 = arith.index_cast %add3A_562 : i32 to index
      %swap3A_564 = tpu.vector_load %arg7[%swap3A_563] masked %eq3A_529 {strides = array<i32>} : memref<4096xi32, #tpu.memory_space<vmem>>, vector<16xi32>, vector<16xi1>
      tpu.vector_store %arg7[%swap3A_563], %or3A_560 masked %eq3A_529 {strides = array<i32>} : memref<4096xi32, #tpu.memory_space<vmem>>, vector<16xi32>, vector<16xi1>
      %all_reduce_population_count3A = tpu.all_reduce %eq3A_529 {dim = 0 : i64, kind = #tpu.reduction_kind<sum>} : vector<16xi1> -> vector<16xi32>
      %slice3A = vector.extract_strided_slice %all_reduce_population_count3A {offsets = [0], sizes = [1], strides = [1]} : vector<16xi32> to vector<1xi32>
      %squeeze3A = vector.extract %slice3A[0] : i32 from vector<1xi32>
      %add3A_565 = arith.addi %scan3A_518, %squeeze3A : i32
      scf.yield %add3A_565 : i32
    }
    %scan3A_261 = arith.constant 64 : i32
    %eq3A_262 = arith.constant 0 : i32
    %eq3A_263 = vector.broadcast %eq3A_262 : i32 to vector<16xi32>
    %eq3A_264 = arith.cmpi eq, %iota3A, %eq3A_263 : vector<16xi32>
    %get3A_265 = arith.constant 16 : index
    %get3A_266 = tpu.vector_load %arg8[%get3A_265] {strides = array<i32>} : memref<32xi32, #tpu.memory_space<vmem>>, vector<16xi32>,
    %broadcast_in_dim3A_267 = vector.broadcast %scan3A_260 : i32 to vector<16xi32>
    %select_n3A_268 = arith.select %eq3A_264, %broadcast_in_dim3A_267, %get3A_266 : vector<16xi1>, vector<16xi32>
    %swap3A_269 = arith.constant 16 : index
    %swap3A_270 = tpu.vector_load %arg8[%swap3A_269] {strides = array<i32>} : memref<32xi32, #tpu.memory_space<vmem>>, vector<16xi32>,
    tpu.vector_store %arg8[%swap3A_269], %select_n3A_268 {strides = array<i32>} : memref<32xi32, #tpu.memory_space<vmem>>, vector<16xi32>,
    %scan3A_271 = arith.constant 0 : i32
    %scan3A_272 = arith.constant 0 : i32
    %scan3A_273 = arith.constant 64 : i32
    %scan3A_274 = arith.addi %scan3A_272, %scan3A_273 : i32
    %scan3A_275 = arith.constant 1 : i32
    %scan3A_276 = scf.for %scan3A_517 = %scan3A_272 to %scan3A_274 step %scan3A_275 iter_args(%scan3A_518 = %scan3A_271) -> (i32)  : i32 {
      %mul3A_519 = arith.constant 16 : i32
      %mul3A_520 = arith.muli %scan3A_517, %mul3A_519 : i32
      %get3A_521 = arith.index_cast %mul3A_520 : i32 to index
      %get3A_522 = tpu.vector_load %arg6[%get3A_521] {strides = array<i32>} : memref<1024xi32, #tpu.memory_space<vmem>>, vector<16xi32>,
      %shift_right_logical3A = arith.constant 7 : i32
      %shift_right_logical3A_523 = vector.broadcast %shift_right_logical3A : i32 to vector<16xi32>
      %shift_right_logical3A_524 = arith.shrui %get3A_522, %shift_right_logical3A_523 : vector<16xi32>
      %and3A = arith.constant 31 : i32
      %and3A_525 = vector.broadcast %and3A : i32 to vector<16xi32>
      %and3A_526 = arith.andi %shift_right_logical3A_524, %and3A_525 : vector<16xi32>
      %eq3A_527 = arith.constant 17 : i32
      %eq3A_528 = vector.broadcast %eq3A_527 : i32 to vector<16xi32>
      %eq3A_529 = arith.cmpi eq, %and3A_526, %eq3A_528 : vector<16xi32>
      %mul3A_530 = arith.constant 16 : i32
      %mul3A_531 = arith.muli %scan3A_517, %mul3A_530 : i32
      %add3A_532 = vector.broadcast %mul3A_531 : i32 to vector<16xi32>
      %add3A_533 = arith.addi %add3A_532, %iota3A : vector<16xi32>
      %lt3A = arith.constant 512 : i32
      %lt3A_534 = vector.broadcast %lt3A : i32 to vector<16xi32>
      %lt3A_535 = arith.cmpi slt, %add3A_533, %lt3A_534 : vector<16xi32>
      %mul3A_536 = arith.constant 512 : i32
      %mul3A_537 = arith.muli %add3A, %mul3A_536 : i32
      %add3A_538 = vector.broadcast %mul3A_537 : i32 to vector<16xi32>
      %add3A_539 = arith.addi %add3A_538, %add3A_533 : vector<16xi32>
      %mul3A_540 = arith.constant 512 : i32
      %mul3A_541 = arith.muli %add3A, %mul3A_540 : i32
      %add3A_542 = arith.constant 16384 : i32
      %add3A_543 = arith.addi %add3A_542, %mul3A_541 : i32
      %sub3A = arith.constant 512 : i32
      %sub3A_544 = vector.broadcast %sub3A : i32 to vector<16xi32>
      %sub3A_545 = arith.subi %add3A_533, %sub3A_544 : vector<16xi32>
      %add3A_546 = vector.broadcast %add3A_543 : i32 to vector<16xi32>
      %add3A_547 = arith.addi %add3A_546, %sub3A_545 : vector<16xi32>
      %select_n3A_548 = arith.select %lt3A_535, %add3A_539, %add3A_547 : vector<16xi1>, vector<16xi32>
      %shift_right_logical3A_549 = arith.constant 5 : i32
      %shift_right_logical3A_550 = vector.broadcast %shift_right_logical3A_549 : i32 to vector<16xi32>
      %shift_right_logical3A_551 = arith.shrui %shift_right_logical3A_524, %shift_right_logical3A_550 : vector<16xi32>
      %shift_left3A = arith.constant 22 : i32
      %shift_left3A_552 = vector.broadcast %shift_left3A : i32 to vector<16xi32>
      %shift_left3A_553 = arith.shli %shift_right_logical3A_551, %shift_left3A_552 : vector<16xi32>
      %and3A_554 = arith.constant 127 : i32
      %and3A_555 = vector.broadcast %and3A_554 : i32 to vector<16xi32>
      %and3A_556 = arith.andi %get3A_522, %and3A_555 : vector<16xi32>
      %shift_left3A_557 = arith.constant 15 : i32
      %shift_left3A_558 = vector.broadcast %shift_left3A_557 : i32 to vector<16xi32>
      %shift_left3A_559 = arith.shli %and3A_556, %shift_left3A_558 : vector<16xi32>
      %or3A = arith.ori %shift_left3A_553, %shift_left3A_559 : vector<16xi32>
      %or3A_560 = arith.ori %or3A, %select_n3A_548 : vector<16xi32>
      %add3A_561 = arith.constant 2176 : i32
      %add3A_562 = arith.addi %add3A_561, %scan3A_518 : i32
      %swap3A_563 = arith.index_cast %add3A_562 : i32 to index
      %swap3A_564 = tpu.vector_load %arg7[%swap3A_563] masked %eq3A_529 {strides = array<i32>} : memref<4096xi32, #tpu.memory_space<vmem>>, vector<16xi32>, vector<16xi1>
      tpu.vector_store %arg7[%swap3A_563], %or3A_560 masked %eq3A_529 {strides = array<i32>} : memref<4096xi32, #tpu.memory_space<vmem>>, vector<16xi32>, vector<16xi1>
      %all_reduce_population_count3A = tpu.all_reduce %eq3A_529 {dim = 0 : i64, kind = #tpu.reduction_kind<sum>} : vector<16xi1> -> vector<16xi32>
      %slice3A = vector.extract_strided_slice %all_reduce_population_count3A {offsets = [0], sizes = [1], strides = [1]} : vector<16xi32> to vector<1xi32>
      %squeeze3A = vector.extract %slice3A[0] : i32 from vector<1xi32>
      %add3A_565 = arith.addi %scan3A_518, %squeeze3A : i32
      scf.yield %add3A_565 : i32
    }
    %scan3A_277 = arith.constant 64 : i32
    %eq3A_278 = arith.constant 1 : i32
    %eq3A_279 = vector.broadcast %eq3A_278 : i32 to vector<16xi32>
    %eq3A_280 = arith.cmpi eq, %iota3A, %eq3A_279 : vector<16xi32>
    %get3A_281 = arith.constant 16 : index
    %get3A_282 = tpu.vector_load %arg8[%get3A_281] {strides = array<i32>} : memref<32xi32, #tpu.memory_space<vmem>>, vector<16xi32>,
    %broadcast_in_dim3A_283 = vector.broadcast %scan3A_276 : i32 to vector<16xi32>
    %select_n3A_284 = arith.select %eq3A_280, %broadcast_in_dim3A_283, %get3A_282 : vector<16xi1>, vector<16xi32>
    %swap3A_285 = arith.constant 16 : index
    %swap3A_286 = tpu.vector_load %arg8[%swap3A_285] {strides = array<i32>} : memref<32xi32, #tpu.memory_space<vmem>>, vector<16xi32>,
    tpu.vector_store %arg8[%swap3A_285], %select_n3A_284 {strides = array<i32>} : memref<32xi32, #tpu.memory_space<vmem>>, vector<16xi32>,
    %scan3A_287 = arith.constant 0 : i32
    %scan3A_288 = arith.constant 0 : i32
    %scan3A_289 = arith.constant 64 : i32
    %scan3A_290 = arith.addi %scan3A_288, %scan3A_289 : i32
    %scan3A_291 = arith.constant 1 : i32
    %scan3A_292 = scf.for %scan3A_517 = %scan3A_288 to %scan3A_290 step %scan3A_291 iter_args(%scan3A_518 = %scan3A_287) -> (i32)  : i32 {
      %mul3A_519 = arith.constant 16 : i32
      %mul3A_520 = arith.muli %scan3A_517, %mul3A_519 : i32
      %get3A_521 = arith.index_cast %mul3A_520 : i32 to index
      %get3A_522 = tpu.vector_load %arg6[%get3A_521] {strides = array<i32>} : memref<1024xi32, #tpu.memory_space<vmem>>, vector<16xi32>,
      %shift_right_logical3A = arith.constant 7 : i32
      %shift_right_logical3A_523 = vector.broadcast %shift_right_logical3A : i32 to vector<16xi32>
      %shift_right_logical3A_524 = arith.shrui %get3A_522, %shift_right_logical3A_523 : vector<16xi32>
      %and3A = arith.constant 31 : i32
      %and3A_525 = vector.broadcast %and3A : i32 to vector<16xi32>
      %and3A_526 = arith.andi %shift_right_logical3A_524, %and3A_525 : vector<16xi32>
      %eq3A_527 = arith.constant 18 : i32
      %eq3A_528 = vector.broadcast %eq3A_527 : i32 to vector<16xi32>
      %eq3A_529 = arith.cmpi eq, %and3A_526, %eq3A_528 : vector<16xi32>
      %mul3A_530 = arith.constant 16 : i32
      %mul3A_531 = arith.muli %scan3A_517, %mul3A_530 : i32
      %add3A_532 = vector.broadcast %mul3A_531 : i32 to vector<16xi32>
      %add3A_533 = arith.addi %add3A_532, %iota3A : vector<16xi32>
      %lt3A = arith.constant 512 : i32
      %lt3A_534 = vector.broadcast %lt3A : i32 to vector<16xi32>
      %lt3A_535 = arith.cmpi slt, %add3A_533, %lt3A_534 : vector<16xi32>
      %mul3A_536 = arith.constant 512 : i32
      %mul3A_537 = arith.muli %add3A, %mul3A_536 : i32
      %add3A_538 = vector.broadcast %mul3A_537 : i32 to vector<16xi32>
      %add3A_539 = arith.addi %add3A_538, %add3A_533 : vector<16xi32>
      %mul3A_540 = arith.constant 512 : i32
      %mul3A_541 = arith.muli %add3A, %mul3A_540 : i32
      %add3A_542 = arith.constant 16384 : i32
      %add3A_543 = arith.addi %add3A_542, %mul3A_541 : i32
      %sub3A = arith.constant 512 : i32
      %sub3A_544 = vector.broadcast %sub3A : i32 to vector<16xi32>
      %sub3A_545 = arith.subi %add3A_533, %sub3A_544 : vector<16xi32>
      %add3A_546 = vector.broadcast %add3A_543 : i32 to vector<16xi32>
      %add3A_547 = arith.addi %add3A_546, %sub3A_545 : vector<16xi32>
      %select_n3A_548 = arith.select %lt3A_535, %add3A_539, %add3A_547 : vector<16xi1>, vector<16xi32>
      %shift_right_logical3A_549 = arith.constant 5 : i32
      %shift_right_logical3A_550 = vector.broadcast %shift_right_logical3A_549 : i32 to vector<16xi32>
      %shift_right_logical3A_551 = arith.shrui %shift_right_logical3A_524, %shift_right_logical3A_550 : vector<16xi32>
      %shift_left3A = arith.constant 22 : i32
      %shift_left3A_552 = vector.broadcast %shift_left3A : i32 to vector<16xi32>
      %shift_left3A_553 = arith.shli %shift_right_logical3A_551, %shift_left3A_552 : vector<16xi32>
      %and3A_554 = arith.constant 127 : i32
      %and3A_555 = vector.broadcast %and3A_554 : i32 to vector<16xi32>
      %and3A_556 = arith.andi %get3A_522, %and3A_555 : vector<16xi32>
      %shift_left3A_557 = arith.constant 15 : i32
      %shift_left3A_558 = vector.broadcast %shift_left3A_557 : i32 to vector<16xi32>
      %shift_left3A_559 = arith.shli %and3A_556, %shift_left3A_558 : vector<16xi32>
      %or3A = arith.ori %shift_left3A_553, %shift_left3A_559 : vector<16xi32>
      %or3A_560 = arith.ori %or3A, %select_n3A_548 : vector<16xi32>
      %add3A_561 = arith.constant 2304 : i32
      %add3A_562 = arith.addi %add3A_561, %scan3A_518 : i32
      %swap3A_563 = arith.index_cast %add3A_562 : i32 to index
      %swap3A_564 = tpu.vector_load %arg7[%swap3A_563] masked %eq3A_529 {strides = array<i32>} : memref<4096xi32, #tpu.memory_space<vmem>>, vector<16xi32>, vector<16xi1>
      tpu.vector_store %arg7[%swap3A_563], %or3A_560 masked %eq3A_529 {strides = array<i32>} : memref<4096xi32, #tpu.memory_space<vmem>>, vector<16xi32>, vector<16xi1>
      %all_reduce_population_count3A = tpu.all_reduce %eq3A_529 {dim = 0 : i64, kind = #tpu.reduction_kind<sum>} : vector<16xi1> -> vector<16xi32>
      %slice3A = vector.extract_strided_slice %all_reduce_population_count3A {offsets = [0], sizes = [1], strides = [1]} : vector<16xi32> to vector<1xi32>
      %squeeze3A = vector.extract %slice3A[0] : i32 from vector<1xi32>
      %add3A_565 = arith.addi %scan3A_518, %squeeze3A : i32
      scf.yield %add3A_565 : i32
    }
    %scan3A_293 = arith.constant 64 : i32
    %eq3A_294 = arith.constant 2 : i32
    %eq3A_295 = vector.broadcast %eq3A_294 : i32 to vector<16xi32>
    %eq3A_296 = arith.cmpi eq, %iota3A, %eq3A_295 : vector<16xi32>
    %get3A_297 = arith.constant 16 : index
    %get3A_298 = tpu.vector_load %arg8[%get3A_297] {strides = array<i32>} : memref<32xi32, #tpu.memory_space<vmem>>, vector<16xi32>,
    %broadcast_in_dim3A_299 = vector.broadcast %scan3A_292 : i32 to vector<16xi32>
    %select_n3A_300 = arith.select %eq3A_296, %broadcast_in_dim3A_299, %get3A_298 : vector<16xi1>, vector<16xi32>
    %swap3A_301 = arith.constant 16 : index
    %swap3A_302 = tpu.vector_load %arg8[%swap3A_301] {strides = array<i32>} : memref<32xi32, #tpu.memory_space<vmem>>, vector<16xi32>,
    tpu.vector_store %arg8[%swap3A_301], %select_n3A_300 {strides = array<i32>} : memref<32xi32, #tpu.memory_space<vmem>>, vector<16xi32>,
    %scan3A_303 = arith.constant 0 : i32
    %scan3A_304 = arith.constant 0 : i32
    %scan3A_305 = arith.constant 64 : i32
    %scan3A_306 = arith.addi %scan3A_304, %scan3A_305 : i32
    %scan3A_307 = arith.constant 1 : i32
    %scan3A_308 = scf.for %scan3A_517 = %scan3A_304 to %scan3A_306 step %scan3A_307 iter_args(%scan3A_518 = %scan3A_303) -> (i32)  : i32 {
      %mul3A_519 = arith.constant 16 : i32
      %mul3A_520 = arith.muli %scan3A_517, %mul3A_519 : i32
      %get3A_521 = arith.index_cast %mul3A_520 : i32 to index
      %get3A_522 = tpu.vector_load %arg6[%get3A_521] {strides = array<i32>} : memref<1024xi32, #tpu.memory_space<vmem>>, vector<16xi32>,
      %shift_right_logical3A = arith.constant 7 : i32
      %shift_right_logical3A_523 = vector.broadcast %shift_right_logical3A : i32 to vector<16xi32>
      %shift_right_logical3A_524 = arith.shrui %get3A_522, %shift_right_logical3A_523 : vector<16xi32>
      %and3A = arith.constant 31 : i32
      %and3A_525 = vector.broadcast %and3A : i32 to vector<16xi32>
      %and3A_526 = arith.andi %shift_right_logical3A_524, %and3A_525 : vector<16xi32>
      %eq3A_527 = arith.constant 19 : i32
      %eq3A_528 = vector.broadcast %eq3A_527 : i32 to vector<16xi32>
      %eq3A_529 = arith.cmpi eq, %and3A_526, %eq3A_528 : vector<16xi32>
      %mul3A_530 = arith.constant 16 : i32
      %mul3A_531 = arith.muli %scan3A_517, %mul3A_530 : i32
      %add3A_532 = vector.broadcast %mul3A_531 : i32 to vector<16xi32>
      %add3A_533 = arith.addi %add3A_532, %iota3A : vector<16xi32>
      %lt3A = arith.constant 512 : i32
      %lt3A_534 = vector.broadcast %lt3A : i32 to vector<16xi32>
      %lt3A_535 = arith.cmpi slt, %add3A_533, %lt3A_534 : vector<16xi32>
      %mul3A_536 = arith.constant 512 : i32
      %mul3A_537 = arith.muli %add3A, %mul3A_536 : i32
      %add3A_538 = vector.broadcast %mul3A_537 : i32 to vector<16xi32>
      %add3A_539 = arith.addi %add3A_538, %add3A_533 : vector<16xi32>
      %mul3A_540 = arith.constant 512 : i32
      %mul3A_541 = arith.muli %add3A, %mul3A_540 : i32
      %add3A_542 = arith.constant 16384 : i32
      %add3A_543 = arith.addi %add3A_542, %mul3A_541 : i32
      %sub3A = arith.constant 512 : i32
      %sub3A_544 = vector.broadcast %sub3A : i32 to vector<16xi32>
      %sub3A_545 = arith.subi %add3A_533, %sub3A_544 : vector<16xi32>
      %add3A_546 = vector.broadcast %add3A_543 : i32 to vector<16xi32>
      %add3A_547 = arith.addi %add3A_546, %sub3A_545 : vector<16xi32>
      %select_n3A_548 = arith.select %lt3A_535, %add3A_539, %add3A_547 : vector<16xi1>, vector<16xi32>
      %shift_right_logical3A_549 = arith.constant 5 : i32
      %shift_right_logical3A_550 = vector.broadcast %shift_right_logical3A_549 : i32 to vector<16xi32>
      %shift_right_logical3A_551 = arith.shrui %shift_right_logical3A_524, %shift_right_logical3A_550 : vector<16xi32>
      %shift_left3A = arith.constant 22 : i32
      %shift_left3A_552 = vector.broadcast %shift_left3A : i32 to vector<16xi32>
      %shift_left3A_553 = arith.shli %shift_right_logical3A_551, %shift_left3A_552 : vector<16xi32>
      %and3A_554 = arith.constant 127 : i32
      %and3A_555 = vector.broadcast %and3A_554 : i32 to vector<16xi32>
      %and3A_556 = arith.andi %get3A_522, %and3A_555 : vector<16xi32>
      %shift_left3A_557 = arith.constant 15 : i32
      %shift_left3A_558 = vector.broadcast %shift_left3A_557 : i32 to vector<16xi32>
      %shift_left3A_559 = arith.shli %and3A_556, %shift_left3A_558 : vector<16xi32>
      %or3A = arith.ori %shift_left3A_553, %shift_left3A_559 : vector<16xi32>
      %or3A_560 = arith.ori %or3A, %select_n3A_548 : vector<16xi32>
      %add3A_561 = arith.constant 2432 : i32
      %add3A_562 = arith.addi %add3A_561, %scan3A_518 : i32
      %swap3A_563 = arith.index_cast %add3A_562 : i32 to index
      %swap3A_564 = tpu.vector_load %arg7[%swap3A_563] masked %eq3A_529 {strides = array<i32>} : memref<4096xi32, #tpu.memory_space<vmem>>, vector<16xi32>, vector<16xi1>
      tpu.vector_store %arg7[%swap3A_563], %or3A_560 masked %eq3A_529 {strides = array<i32>} : memref<4096xi32, #tpu.memory_space<vmem>>, vector<16xi32>, vector<16xi1>
      %all_reduce_population_count3A = tpu.all_reduce %eq3A_529 {dim = 0 : i64, kind = #tpu.reduction_kind<sum>} : vector<16xi1> -> vector<16xi32>
      %slice3A = vector.extract_strided_slice %all_reduce_population_count3A {offsets = [0], sizes = [1], strides = [1]} : vector<16xi32> to vector<1xi32>
      %squeeze3A = vector.extract %slice3A[0] : i32 from vector<1xi32>
      %add3A_565 = arith.addi %scan3A_518, %squeeze3A : i32
      scf.yield %add3A_565 : i32
    }
    %scan3A_309 = arith.constant 64 : i32
    %eq3A_310 = arith.constant 3 : i32
    %eq3A_311 = vector.broadcast %eq3A_310 : i32 to vector<16xi32>
    %eq3A_312 = arith.cmpi eq, %iota3A, %eq3A_311 : vector<16xi32>
    %get3A_313 = arith.constant 16 : index
    %get3A_314 = tpu.vector_load %arg8[%get3A_313] {strides = array<i32>} : memref<32xi32, #tpu.memory_space<vmem>>, vector<16xi32>,
    %broadcast_in_dim3A_315 = vector.broadcast %scan3A_308 : i32 to vector<16xi32>
    %select_n3A_316 = arith.select %eq3A_312, %broadcast_in_dim3A_315, %get3A_314 : vector<16xi1>, vector<16xi32>
    %swap3A_317 = arith.constant 16 : index
    %swap3A_318 = tpu.vector_load %arg8[%swap3A_317] {strides = array<i32>} : memref<32xi32, #tpu.memory_space<vmem>>, vector<16xi32>,
    tpu.vector_store %arg8[%swap3A_317], %select_n3A_316 {strides = array<i32>} : memref<32xi32, #tpu.memory_space<vmem>>, vector<16xi32>,
    %scan3A_319 = arith.constant 0 : i32
    %scan3A_320 = arith.constant 0 : i32
    %scan3A_321 = arith.constant 64 : i32
    %scan3A_322 = arith.addi %scan3A_320, %scan3A_321 : i32
    %scan3A_323 = arith.constant 1 : i32
    %scan3A_324 = scf.for %scan3A_517 = %scan3A_320 to %scan3A_322 step %scan3A_323 iter_args(%scan3A_518 = %scan3A_319) -> (i32)  : i32 {
      %mul3A_519 = arith.constant 16 : i32
      %mul3A_520 = arith.muli %scan3A_517, %mul3A_519 : i32
      %get3A_521 = arith.index_cast %mul3A_520 : i32 to index
      %get3A_522 = tpu.vector_load %arg6[%get3A_521] {strides = array<i32>} : memref<1024xi32, #tpu.memory_space<vmem>>, vector<16xi32>,
      %shift_right_logical3A = arith.constant 7 : i32
      %shift_right_logical3A_523 = vector.broadcast %shift_right_logical3A : i32 to vector<16xi32>
      %shift_right_logical3A_524 = arith.shrui %get3A_522, %shift_right_logical3A_523 : vector<16xi32>
      %and3A = arith.constant 31 : i32
      %and3A_525 = vector.broadcast %and3A : i32 to vector<16xi32>
      %and3A_526 = arith.andi %shift_right_logical3A_524, %and3A_525 : vector<16xi32>
      %eq3A_527 = arith.constant 20 : i32
      %eq3A_528 = vector.broadcast %eq3A_527 : i32 to vector<16xi32>
      %eq3A_529 = arith.cmpi eq, %and3A_526, %eq3A_528 : vector<16xi32>
      %mul3A_530 = arith.constant 16 : i32
      %mul3A_531 = arith.muli %scan3A_517, %mul3A_530 : i32
      %add3A_532 = vector.broadcast %mul3A_531 : i32 to vector<16xi32>
      %add3A_533 = arith.addi %add3A_532, %iota3A : vector<16xi32>
      %lt3A = arith.constant 512 : i32
      %lt3A_534 = vector.broadcast %lt3A : i32 to vector<16xi32>
      %lt3A_535 = arith.cmpi slt, %add3A_533, %lt3A_534 : vector<16xi32>
      %mul3A_536 = arith.constant 512 : i32
      %mul3A_537 = arith.muli %add3A, %mul3A_536 : i32
      %add3A_538 = vector.broadcast %mul3A_537 : i32 to vector<16xi32>
      %add3A_539 = arith.addi %add3A_538, %add3A_533 : vector<16xi32>
      %mul3A_540 = arith.constant 512 : i32
      %mul3A_541 = arith.muli %add3A, %mul3A_540 : i32
      %add3A_542 = arith.constant 16384 : i32
      %add3A_543 = arith.addi %add3A_542, %mul3A_541 : i32
      %sub3A = arith.constant 512 : i32
      %sub3A_544 = vector.broadcast %sub3A : i32 to vector<16xi32>
      %sub3A_545 = arith.subi %add3A_533, %sub3A_544 : vector<16xi32>
      %add3A_546 = vector.broadcast %add3A_543 : i32 to vector<16xi32>
      %add3A_547 = arith.addi %add3A_546, %sub3A_545 : vector<16xi32>
      %select_n3A_548 = arith.select %lt3A_535, %add3A_539, %add3A_547 : vector<16xi1>, vector<16xi32>
      %shift_right_logical3A_549 = arith.constant 5 : i32
      %shift_right_logical3A_550 = vector.broadcast %shift_right_logical3A_549 : i32 to vector<16xi32>
      %shift_right_logical3A_551 = arith.shrui %shift_right_logical3A_524, %shift_right_logical3A_550 : vector<16xi32>
      %shift_left3A = arith.constant 22 : i32
      %shift_left3A_552 = vector.broadcast %shift_left3A : i32 to vector<16xi32>
      %shift_left3A_553 = arith.shli %shift_right_logical3A_551, %shift_left3A_552 : vector<16xi32>
      %and3A_554 = arith.constant 127 : i32
      %and3A_555 = vector.broadcast %and3A_554 : i32 to vector<16xi32>
      %and3A_556 = arith.andi %get3A_522, %and3A_555 : vector<16xi32>
      %shift_left3A_557 = arith.constant 15 : i32
      %shift_left3A_558 = vector.broadcast %shift_left3A_557 : i32 to vector<16xi32>
      %shift_left3A_559 = arith.shli %and3A_556, %shift_left3A_558 : vector<16xi32>
      %or3A = arith.ori %shift_left3A_553, %shift_left3A_559 : vector<16xi32>
      %or3A_560 = arith.ori %or3A, %select_n3A_548 : vector<16xi32>
      %add3A_561 = arith.constant 2560 : i32
      %add3A_562 = arith.addi %add3A_561, %scan3A_518 : i32
      %swap3A_563 = arith.index_cast %add3A_562 : i32 to index
      %swap3A_564 = tpu.vector_load %arg7[%swap3A_563] masked %eq3A_529 {strides = array<i32>} : memref<4096xi32, #tpu.memory_space<vmem>>, vector<16xi32>, vector<16xi1>
      tpu.vector_store %arg7[%swap3A_563], %or3A_560 masked %eq3A_529 {strides = array<i32>} : memref<4096xi32, #tpu.memory_space<vmem>>, vector<16xi32>, vector<16xi1>
      %all_reduce_population_count3A = tpu.all_reduce %eq3A_529 {dim = 0 : i64, kind = #tpu.reduction_kind<sum>} : vector<16xi1> -> vector<16xi32>
      %slice3A = vector.extract_strided_slice %all_reduce_population_count3A {offsets = [0], sizes = [1], strides = [1]} : vector<16xi32> to vector<1xi32>
      %squeeze3A = vector.extract %slice3A[0] : i32 from vector<1xi32>
      %add3A_565 = arith.addi %scan3A_518, %squeeze3A : i32
      scf.yield %add3A_565 : i32
    }
    %scan3A_325 = arith.constant 64 : i32
    %eq3A_326 = arith.constant 4 : i32
    %eq3A_327 = vector.broadcast %eq3A_326 : i32 to vector<16xi32>
    %eq3A_328 = arith.cmpi eq, %iota3A, %eq3A_327 : vector<16xi32>
    %get3A_329 = arith.constant 16 : index
    %get3A_330 = tpu.vector_load %arg8[%get3A_329] {strides = array<i32>} : memref<32xi32, #tpu.memory_space<vmem>>, vector<16xi32>,
    %broadcast_in_dim3A_331 = vector.broadcast %scan3A_324 : i32 to vector<16xi32>
    %select_n3A_332 = arith.select %eq3A_328, %broadcast_in_dim3A_331, %get3A_330 : vector<16xi1>, vector<16xi32>
    %swap3A_333 = arith.constant 16 : index
    %swap3A_334 = tpu.vector_load %arg8[%swap3A_333] {strides = array<i32>} : memref<32xi32, #tpu.memory_space<vmem>>, vector<16xi32>,
    tpu.vector_store %arg8[%swap3A_333], %select_n3A_332 {strides = array<i32>} : memref<32xi32, #tpu.memory_space<vmem>>, vector<16xi32>,
    %scan3A_335 = arith.constant 0 : i32
    %scan3A_336 = arith.constant 0 : i32
    %scan3A_337 = arith.constant 64 : i32
    %scan3A_338 = arith.addi %scan3A_336, %scan3A_337 : i32
    %scan3A_339 = arith.constant 1 : i32
    %scan3A_340 = scf.for %scan3A_517 = %scan3A_336 to %scan3A_338 step %scan3A_339 iter_args(%scan3A_518 = %scan3A_335) -> (i32)  : i32 {
      %mul3A_519 = arith.constant 16 : i32
      %mul3A_520 = arith.muli %scan3A_517, %mul3A_519 : i32
      %get3A_521 = arith.index_cast %mul3A_520 : i32 to index
      %get3A_522 = tpu.vector_load %arg6[%get3A_521] {strides = array<i32>} : memref<1024xi32, #tpu.memory_space<vmem>>, vector<16xi32>,
      %shift_right_logical3A = arith.constant 7 : i32
      %shift_right_logical3A_523 = vector.broadcast %shift_right_logical3A : i32 to vector<16xi32>
      %shift_right_logical3A_524 = arith.shrui %get3A_522, %shift_right_logical3A_523 : vector<16xi32>
      %and3A = arith.constant 31 : i32
      %and3A_525 = vector.broadcast %and3A : i32 to vector<16xi32>
      %and3A_526 = arith.andi %shift_right_logical3A_524, %and3A_525 : vector<16xi32>
      %eq3A_527 = arith.constant 21 : i32
      %eq3A_528 = vector.broadcast %eq3A_527 : i32 to vector<16xi32>
      %eq3A_529 = arith.cmpi eq, %and3A_526, %eq3A_528 : vector<16xi32>
      %mul3A_530 = arith.constant 16 : i32
      %mul3A_531 = arith.muli %scan3A_517, %mul3A_530 : i32
      %add3A_532 = vector.broadcast %mul3A_531 : i32 to vector<16xi32>
      %add3A_533 = arith.addi %add3A_532, %iota3A : vector<16xi32>
      %lt3A = arith.constant 512 : i32
      %lt3A_534 = vector.broadcast %lt3A : i32 to vector<16xi32>
      %lt3A_535 = arith.cmpi slt, %add3A_533, %lt3A_534 : vector<16xi32>
      %mul3A_536 = arith.constant 512 : i32
      %mul3A_537 = arith.muli %add3A, %mul3A_536 : i32
      %add3A_538 = vector.broadcast %mul3A_537 : i32 to vector<16xi32>
      %add3A_539 = arith.addi %add3A_538, %add3A_533 : vector<16xi32>
      %mul3A_540 = arith.constant 512 : i32
      %mul3A_541 = arith.muli %add3A, %mul3A_540 : i32
      %add3A_542 = arith.constant 16384 : i32
      %add3A_543 = arith.addi %add3A_542, %mul3A_541 : i32
      %sub3A = arith.constant 512 : i32
      %sub3A_544 = vector.broadcast %sub3A : i32 to vector<16xi32>
      %sub3A_545 = arith.subi %add3A_533, %sub3A_544 : vector<16xi32>
      %add3A_546 = vector.broadcast %add3A_543 : i32 to vector<16xi32>
      %add3A_547 = arith.addi %add3A_546, %sub3A_545 : vector<16xi32>
      %select_n3A_548 = arith.select %lt3A_535, %add3A_539, %add3A_547 : vector<16xi1>, vector<16xi32>
      %shift_right_logical3A_549 = arith.constant 5 : i32
      %shift_right_logical3A_550 = vector.broadcast %shift_right_logical3A_549 : i32 to vector<16xi32>
      %shift_right_logical3A_551 = arith.shrui %shift_right_logical3A_524, %shift_right_logical3A_550 : vector<16xi32>
      %shift_left3A = arith.constant 22 : i32
      %shift_left3A_552 = vector.broadcast %shift_left3A : i32 to vector<16xi32>
      %shift_left3A_553 = arith.shli %shift_right_logical3A_551, %shift_left3A_552 : vector<16xi32>
      %and3A_554 = arith.constant 127 : i32
      %and3A_555 = vector.broadcast %and3A_554 : i32 to vector<16xi32>
      %and3A_556 = arith.andi %get3A_522, %and3A_555 : vector<16xi32>
      %shift_left3A_557 = arith.constant 15 : i32
      %shift_left3A_558 = vector.broadcast %shift_left3A_557 : i32 to vector<16xi32>
      %shift_left3A_559 = arith.shli %and3A_556, %shift_left3A_558 : vector<16xi32>
      %or3A = arith.ori %shift_left3A_553, %shift_left3A_559 : vector<16xi32>
      %or3A_560 = arith.ori %or3A, %select_n3A_548 : vector<16xi32>
      %add3A_561 = arith.constant 2688 : i32
      %add3A_562 = arith.addi %add3A_561, %scan3A_518 : i32
      %swap3A_563 = arith.index_cast %add3A_562 : i32 to index
      %swap3A_564 = tpu.vector_load %arg7[%swap3A_563] masked %eq3A_529 {strides = array<i32>} : memref<4096xi32, #tpu.memory_space<vmem>>, vector<16xi32>, vector<16xi1>
      tpu.vector_store %arg7[%swap3A_563], %or3A_560 masked %eq3A_529 {strides = array<i32>} : memref<4096xi32, #tpu.memory_space<vmem>>, vector<16xi32>, vector<16xi1>
      %all_reduce_population_count3A = tpu.all_reduce %eq3A_529 {dim = 0 : i64, kind = #tpu.reduction_kind<sum>} : vector<16xi1> -> vector<16xi32>
      %slice3A = vector.extract_strided_slice %all_reduce_population_count3A {offsets = [0], sizes = [1], strides = [1]} : vector<16xi32> to vector<1xi32>
      %squeeze3A = vector.extract %slice3A[0] : i32 from vector<1xi32>
      %add3A_565 = arith.addi %scan3A_518, %squeeze3A : i32
      scf.yield %add3A_565 : i32
    }
    %scan3A_341 = arith.constant 64 : i32
    %eq3A_342 = arith.constant 5 : i32
    %eq3A_343 = vector.broadcast %eq3A_342 : i32 to vector<16xi32>
    %eq3A_344 = arith.cmpi eq, %iota3A, %eq3A_343 : vector<16xi32>
    %get3A_345 = arith.constant 16 : index
    %get3A_346 = tpu.vector_load %arg8[%get3A_345] {strides = array<i32>} : memref<32xi32, #tpu.memory_space<vmem>>, vector<16xi32>,
    %broadcast_in_dim3A_347 = vector.broadcast %scan3A_340 : i32 to vector<16xi32>
    %select_n3A_348 = arith.select %eq3A_344, %broadcast_in_dim3A_347, %get3A_346 : vector<16xi1>, vector<16xi32>
    %swap3A_349 = arith.constant 16 : index
    %swap3A_350 = tpu.vector_load %arg8[%swap3A_349] {strides = array<i32>} : memref<32xi32, #tpu.memory_space<vmem>>, vector<16xi32>,
    tpu.vector_store %arg8[%swap3A_349], %select_n3A_348 {strides = array<i32>} : memref<32xi32, #tpu.memory_space<vmem>>, vector<16xi32>,
    %scan3A_351 = arith.constant 0 : i32
    %scan3A_352 = arith.constant 0 : i32
    %scan3A_353 = arith.constant 64 : i32
    %scan3A_354 = arith.addi %scan3A_352, %scan3A_353 : i32
    %scan3A_355 = arith.constant 1 : i32
    %scan3A_356 = scf.for %scan3A_517 = %scan3A_352 to %scan3A_354 step %scan3A_355 iter_args(%scan3A_518 = %scan3A_351) -> (i32)  : i32 {
      %mul3A_519 = arith.constant 16 : i32
      %mul3A_520 = arith.muli %scan3A_517, %mul3A_519 : i32
      %get3A_521 = arith.index_cast %mul3A_520 : i32 to index
      %get3A_522 = tpu.vector_load %arg6[%get3A_521] {strides = array<i32>} : memref<1024xi32, #tpu.memory_space<vmem>>, vector<16xi32>,
      %shift_right_logical3A = arith.constant 7 : i32
      %shift_right_logical3A_523 = vector.broadcast %shift_right_logical3A : i32 to vector<16xi32>
      %shift_right_logical3A_524 = arith.shrui %get3A_522, %shift_right_logical3A_523 : vector<16xi32>
      %and3A = arith.constant 31 : i32
      %and3A_525 = vector.broadcast %and3A : i32 to vector<16xi32>
      %and3A_526 = arith.andi %shift_right_logical3A_524, %and3A_525 : vector<16xi32>
      %eq3A_527 = arith.constant 22 : i32
      %eq3A_528 = vector.broadcast %eq3A_527 : i32 to vector<16xi32>
      %eq3A_529 = arith.cmpi eq, %and3A_526, %eq3A_528 : vector<16xi32>
      %mul3A_530 = arith.constant 16 : i32
      %mul3A_531 = arith.muli %scan3A_517, %mul3A_530 : i32
      %add3A_532 = vector.broadcast %mul3A_531 : i32 to vector<16xi32>
      %add3A_533 = arith.addi %add3A_532, %iota3A : vector<16xi32>
      %lt3A = arith.constant 512 : i32
      %lt3A_534 = vector.broadcast %lt3A : i32 to vector<16xi32>
      %lt3A_535 = arith.cmpi slt, %add3A_533, %lt3A_534 : vector<16xi32>
      %mul3A_536 = arith.constant 512 : i32
      %mul3A_537 = arith.muli %add3A, %mul3A_536 : i32
      %add3A_538 = vector.broadcast %mul3A_537 : i32 to vector<16xi32>
      %add3A_539 = arith.addi %add3A_538, %add3A_533 : vector<16xi32>
      %mul3A_540 = arith.constant 512 : i32
      %mul3A_541 = arith.muli %add3A, %mul3A_540 : i32
      %add3A_542 = arith.constant 16384 : i32
      %add3A_543 = arith.addi %add3A_542, %mul3A_541 : i32
      %sub3A = arith.constant 512 : i32
      %sub3A_544 = vector.broadcast %sub3A : i32 to vector<16xi32>
      %sub3A_545 = arith.subi %add3A_533, %sub3A_544 : vector<16xi32>
      %add3A_546 = vector.broadcast %add3A_543 : i32 to vector<16xi32>
      %add3A_547 = arith.addi %add3A_546, %sub3A_545 : vector<16xi32>
      %select_n3A_548 = arith.select %lt3A_535, %add3A_539, %add3A_547 : vector<16xi1>, vector<16xi32>
      %shift_right_logical3A_549 = arith.constant 5 : i32
      %shift_right_logical3A_550 = vector.broadcast %shift_right_logical3A_549 : i32 to vector<16xi32>
      %shift_right_logical3A_551 = arith.shrui %shift_right_logical3A_524, %shift_right_logical3A_550 : vector<16xi32>
      %shift_left3A = arith.constant 22 : i32
      %shift_left3A_552 = vector.broadcast %shift_left3A : i32 to vector<16xi32>
      %shift_left3A_553 = arith.shli %shift_right_logical3A_551, %shift_left3A_552 : vector<16xi32>
      %and3A_554 = arith.constant 127 : i32
      %and3A_555 = vector.broadcast %and3A_554 : i32 to vector<16xi32>
      %and3A_556 = arith.andi %get3A_522, %and3A_555 : vector<16xi32>
      %shift_left3A_557 = arith.constant 15 : i32
      %shift_left3A_558 = vector.broadcast %shift_left3A_557 : i32 to vector<16xi32>
      %shift_left3A_559 = arith.shli %and3A_556, %shift_left3A_558 : vector<16xi32>
      %or3A = arith.ori %shift_left3A_553, %shift_left3A_559 : vector<16xi32>
      %or3A_560 = arith.ori %or3A, %select_n3A_548 : vector<16xi32>
      %add3A_561 = arith.constant 2816 : i32
      %add3A_562 = arith.addi %add3A_561, %scan3A_518 : i32
      %swap3A_563 = arith.index_cast %add3A_562 : i32 to index
      %swap3A_564 = tpu.vector_load %arg7[%swap3A_563] masked %eq3A_529 {strides = array<i32>} : memref<4096xi32, #tpu.memory_space<vmem>>, vector<16xi32>, vector<16xi1>
      tpu.vector_store %arg7[%swap3A_563], %or3A_560 masked %eq3A_529 {strides = array<i32>} : memref<4096xi32, #tpu.memory_space<vmem>>, vector<16xi32>, vector<16xi1>
      %all_reduce_population_count3A = tpu.all_reduce %eq3A_529 {dim = 0 : i64, kind = #tpu.reduction_kind<sum>} : vector<16xi1> -> vector<16xi32>
      %slice3A = vector.extract_strided_slice %all_reduce_population_count3A {offsets = [0], sizes = [1], strides = [1]} : vector<16xi32> to vector<1xi32>
      %squeeze3A = vector.extract %slice3A[0] : i32 from vector<1xi32>
      %add3A_565 = arith.addi %scan3A_518, %squeeze3A : i32
      scf.yield %add3A_565 : i32
    }
    %scan3A_357 = arith.constant 64 : i32
    %eq3A_358 = arith.constant 6 : i32
    %eq3A_359 = vector.broadcast %eq3A_358 : i32 to vector<16xi32>
    %eq3A_360 = arith.cmpi eq, %iota3A, %eq3A_359 : vector<16xi32>
    %get3A_361 = arith.constant 16 : index
    %get3A_362 = tpu.vector_load %arg8[%get3A_361] {strides = array<i32>} : memref<32xi32, #tpu.memory_space<vmem>>, vector<16xi32>,
    %broadcast_in_dim3A_363 = vector.broadcast %scan3A_356 : i32 to vector<16xi32>
    %select_n3A_364 = arith.select %eq3A_360, %broadcast_in_dim3A_363, %get3A_362 : vector<16xi1>, vector<16xi32>
    %swap3A_365 = arith.constant 16 : index
    %swap3A_366 = tpu.vector_load %arg8[%swap3A_365] {strides = array<i32>} : memref<32xi32, #tpu.memory_space<vmem>>, vector<16xi32>,
    tpu.vector_store %arg8[%swap3A_365], %select_n3A_364 {strides = array<i32>} : memref<32xi32, #tpu.memory_space<vmem>>, vector<16xi32>,
    %scan3A_367 = arith.constant 0 : i32
    %scan3A_368 = arith.constant 0 : i32
    %scan3A_369 = arith.constant 64 : i32
    %scan3A_370 = arith.addi %scan3A_368, %scan3A_369 : i32
    %scan3A_371 = arith.constant 1 : i32
    %scan3A_372 = scf.for %scan3A_517 = %scan3A_368 to %scan3A_370 step %scan3A_371 iter_args(%scan3A_518 = %scan3A_367) -> (i32)  : i32 {
      %mul3A_519 = arith.constant 16 : i32
      %mul3A_520 = arith.muli %scan3A_517, %mul3A_519 : i32
      %get3A_521 = arith.index_cast %mul3A_520 : i32 to index
      %get3A_522 = tpu.vector_load %arg6[%get3A_521] {strides = array<i32>} : memref<1024xi32, #tpu.memory_space<vmem>>, vector<16xi32>,
      %shift_right_logical3A = arith.constant 7 : i32
      %shift_right_logical3A_523 = vector.broadcast %shift_right_logical3A : i32 to vector<16xi32>
      %shift_right_logical3A_524 = arith.shrui %get3A_522, %shift_right_logical3A_523 : vector<16xi32>
      %and3A = arith.constant 31 : i32
      %and3A_525 = vector.broadcast %and3A : i32 to vector<16xi32>
      %and3A_526 = arith.andi %shift_right_logical3A_524, %and3A_525 : vector<16xi32>
      %eq3A_527 = arith.constant 23 : i32
      %eq3A_528 = vector.broadcast %eq3A_527 : i32 to vector<16xi32>
      %eq3A_529 = arith.cmpi eq, %and3A_526, %eq3A_528 : vector<16xi32>
      %mul3A_530 = arith.constant 16 : i32
      %mul3A_531 = arith.muli %scan3A_517, %mul3A_530 : i32
      %add3A_532 = vector.broadcast %mul3A_531 : i32 to vector<16xi32>
      %add3A_533 = arith.addi %add3A_532, %iota3A : vector<16xi32>
      %lt3A = arith.constant 512 : i32
      %lt3A_534 = vector.broadcast %lt3A : i32 to vector<16xi32>
      %lt3A_535 = arith.cmpi slt, %add3A_533, %lt3A_534 : vector<16xi32>
      %mul3A_536 = arith.constant 512 : i32
      %mul3A_537 = arith.muli %add3A, %mul3A_536 : i32
      %add3A_538 = vector.broadcast %mul3A_537 : i32 to vector<16xi32>
      %add3A_539 = arith.addi %add3A_538, %add3A_533 : vector<16xi32>
      %mul3A_540 = arith.constant 512 : i32
      %mul3A_541 = arith.muli %add3A, %mul3A_540 : i32
      %add3A_542 = arith.constant 16384 : i32
      %add3A_543 = arith.addi %add3A_542, %mul3A_541 : i32
      %sub3A = arith.constant 512 : i32
      %sub3A_544 = vector.broadcast %sub3A : i32 to vector<16xi32>
      %sub3A_545 = arith.subi %add3A_533, %sub3A_544 : vector<16xi32>
      %add3A_546 = vector.broadcast %add3A_543 : i32 to vector<16xi32>
      %add3A_547 = arith.addi %add3A_546, %sub3A_545 : vector<16xi32>
      %select_n3A_548 = arith.select %lt3A_535, %add3A_539, %add3A_547 : vector<16xi1>, vector<16xi32>
      %shift_right_logical3A_549 = arith.constant 5 : i32
      %shift_right_logical3A_550 = vector.broadcast %shift_right_logical3A_549 : i32 to vector<16xi32>
      %shift_right_logical3A_551 = arith.shrui %shift_right_logical3A_524, %shift_right_logical3A_550 : vector<16xi32>
      %shift_left3A = arith.constant 22 : i32
      %shift_left3A_552 = vector.broadcast %shift_left3A : i32 to vector<16xi32>
      %shift_left3A_553 = arith.shli %shift_right_logical3A_551, %shift_left3A_552 : vector<16xi32>
      %and3A_554 = arith.constant 127 : i32
      %and3A_555 = vector.broadcast %and3A_554 : i32 to vector<16xi32>
      %and3A_556 = arith.andi %get3A_522, %and3A_555 : vector<16xi32>
      %shift_left3A_557 = arith.constant 15 : i32
      %shift_left3A_558 = vector.broadcast %shift_left3A_557 : i32 to vector<16xi32>
      %shift_left3A_559 = arith.shli %and3A_556, %shift_left3A_558 : vector<16xi32>
      %or3A = arith.ori %shift_left3A_553, %shift_left3A_559 : vector<16xi32>
      %or3A_560 = arith.ori %or3A, %select_n3A_548 : vector<16xi32>
      %add3A_561 = arith.constant 2944 : i32
      %add3A_562 = arith.addi %add3A_561, %scan3A_518 : i32
      %swap3A_563 = arith.index_cast %add3A_562 : i32 to index
      %swap3A_564 = tpu.vector_load %arg7[%swap3A_563] masked %eq3A_529 {strides = array<i32>} : memref<4096xi32, #tpu.memory_space<vmem>>, vector<16xi32>, vector<16xi1>
      tpu.vector_store %arg7[%swap3A_563], %or3A_560 masked %eq3A_529 {strides = array<i32>} : memref<4096xi32, #tpu.memory_space<vmem>>, vector<16xi32>, vector<16xi1>
      %all_reduce_population_count3A = tpu.all_reduce %eq3A_529 {dim = 0 : i64, kind = #tpu.reduction_kind<sum>} : vector<16xi1> -> vector<16xi32>
      %slice3A = vector.extract_strided_slice %all_reduce_population_count3A {offsets = [0], sizes = [1], strides = [1]} : vector<16xi32> to vector<1xi32>
      %squeeze3A = vector.extract %slice3A[0] : i32 from vector<1xi32>
      %add3A_565 = arith.addi %scan3A_518, %squeeze3A : i32
      scf.yield %add3A_565 : i32
    }
    %scan3A_373 = arith.constant 64 : i32
    %eq3A_374 = arith.constant 7 : i32
    %eq3A_375 = vector.broadcast %eq3A_374 : i32 to vector<16xi32>
    %eq3A_376 = arith.cmpi eq, %iota3A, %eq3A_375 : vector<16xi32>
    %get3A_377 = arith.constant 16 : index
    %get3A_378 = tpu.vector_load %arg8[%get3A_377] {strides = array<i32>} : memref<32xi32, #tpu.memory_space<vmem>>, vector<16xi32>,
    %broadcast_in_dim3A_379 = vector.broadcast %scan3A_372 : i32 to vector<16xi32>
    %select_n3A_380 = arith.select %eq3A_376, %broadcast_in_dim3A_379, %get3A_378 : vector<16xi1>, vector<16xi32>
    %swap3A_381 = arith.constant 16 : index
    %swap3A_382 = tpu.vector_load %arg8[%swap3A_381] {strides = array<i32>} : memref<32xi32, #tpu.memory_space<vmem>>, vector<16xi32>,
    tpu.vector_store %arg8[%swap3A_381], %select_n3A_380 {strides = array<i32>} : memref<32xi32, #tpu.memory_space<vmem>>, vector<16xi32>,
    %scan3A_383 = arith.constant 0 : i32
    %scan3A_384 = arith.constant 0 : i32
    %scan3A_385 = arith.constant 64 : i32
    %scan3A_386 = arith.addi %scan3A_384, %scan3A_385 : i32
    %scan3A_387 = arith.constant 1 : i32
    %scan3A_388 = scf.for %scan3A_517 = %scan3A_384 to %scan3A_386 step %scan3A_387 iter_args(%scan3A_518 = %scan3A_383) -> (i32)  : i32 {
      %mul3A_519 = arith.constant 16 : i32
      %mul3A_520 = arith.muli %scan3A_517, %mul3A_519 : i32
      %get3A_521 = arith.index_cast %mul3A_520 : i32 to index
      %get3A_522 = tpu.vector_load %arg6[%get3A_521] {strides = array<i32>} : memref<1024xi32, #tpu.memory_space<vmem>>, vector<16xi32>,
      %shift_right_logical3A = arith.constant 7 : i32
      %shift_right_logical3A_523 = vector.broadcast %shift_right_logical3A : i32 to vector<16xi32>
      %shift_right_logical3A_524 = arith.shrui %get3A_522, %shift_right_logical3A_523 : vector<16xi32>
      %and3A = arith.constant 31 : i32
      %and3A_525 = vector.broadcast %and3A : i32 to vector<16xi32>
      %and3A_526 = arith.andi %shift_right_logical3A_524, %and3A_525 : vector<16xi32>
      %eq3A_527 = arith.constant 24 : i32
      %eq3A_528 = vector.broadcast %eq3A_527 : i32 to vector<16xi32>
      %eq3A_529 = arith.cmpi eq, %and3A_526, %eq3A_528 : vector<16xi32>
      %mul3A_530 = arith.constant 16 : i32
      %mul3A_531 = arith.muli %scan3A_517, %mul3A_530 : i32
      %add3A_532 = vector.broadcast %mul3A_531 : i32 to vector<16xi32>
      %add3A_533 = arith.addi %add3A_532, %iota3A : vector<16xi32>
      %lt3A = arith.constant 512 : i32
      %lt3A_534 = vector.broadcast %lt3A : i32 to vector<16xi32>
      %lt3A_535 = arith.cmpi slt, %add3A_533, %lt3A_534 : vector<16xi32>
      %mul3A_536 = arith.constant 512 : i32
      %mul3A_537 = arith.muli %add3A, %mul3A_536 : i32
      %add3A_538 = vector.broadcast %mul3A_537 : i32 to vector<16xi32>
      %add3A_539 = arith.addi %add3A_538, %add3A_533 : vector<16xi32>
      %mul3A_540 = arith.constant 512 : i32
      %mul3A_541 = arith.muli %add3A, %mul3A_540 : i32
      %add3A_542 = arith.constant 16384 : i32
      %add3A_543 = arith.addi %add3A_542, %mul3A_541 : i32
      %sub3A = arith.constant 512 : i32
      %sub3A_544 = vector.broadcast %sub3A : i32 to vector<16xi32>
      %sub3A_545 = arith.subi %add3A_533, %sub3A_544 : vector<16xi32>
      %add3A_546 = vector.broadcast %add3A_543 : i32 to vector<16xi32>
      %add3A_547 = arith.addi %add3A_546, %sub3A_545 : vector<16xi32>
      %select_n3A_548 = arith.select %lt3A_535, %add3A_539, %add3A_547 : vector<16xi1>, vector<16xi32>
      %shift_right_logical3A_549 = arith.constant 5 : i32
      %shift_right_logical3A_550 = vector.broadcast %shift_right_logical3A_549 : i32 to vector<16xi32>
      %shift_right_logical3A_551 = arith.shrui %shift_right_logical3A_524, %shift_right_logical3A_550 : vector<16xi32>
      %shift_left3A = arith.constant 22 : i32
      %shift_left3A_552 = vector.broadcast %shift_left3A : i32 to vector<16xi32>
      %shift_left3A_553 = arith.shli %shift_right_logical3A_551, %shift_left3A_552 : vector<16xi32>
      %and3A_554 = arith.constant 127 : i32
      %and3A_555 = vector.broadcast %and3A_554 : i32 to vector<16xi32>
      %and3A_556 = arith.andi %get3A_522, %and3A_555 : vector<16xi32>
      %shift_left3A_557 = arith.constant 15 : i32
      %shift_left3A_558 = vector.broadcast %shift_left3A_557 : i32 to vector<16xi32>
      %shift_left3A_559 = arith.shli %and3A_556, %shift_left3A_558 : vector<16xi32>
      %or3A = arith.ori %shift_left3A_553, %shift_left3A_559 : vector<16xi32>
      %or3A_560 = arith.ori %or3A, %select_n3A_548 : vector<16xi32>
      %add3A_561 = arith.constant 3072 : i32
      %add3A_562 = arith.addi %add3A_561, %scan3A_518 : i32
      %swap3A_563 = arith.index_cast %add3A_562 : i32 to index
      %swap3A_564 = tpu.vector_load %arg7[%swap3A_563] masked %eq3A_529 {strides = array<i32>} : memref<4096xi32, #tpu.memory_space<vmem>>, vector<16xi32>, vector<16xi1>
      tpu.vector_store %arg7[%swap3A_563], %or3A_560 masked %eq3A_529 {strides = array<i32>} : memref<4096xi32, #tpu.memory_space<vmem>>, vector<16xi32>, vector<16xi1>
      %all_reduce_population_count3A = tpu.all_reduce %eq3A_529 {dim = 0 : i64, kind = #tpu.reduction_kind<sum>} : vector<16xi1> -> vector<16xi32>
      %slice3A = vector.extract_strided_slice %all_reduce_population_count3A {offsets = [0], sizes = [1], strides = [1]} : vector<16xi32> to vector<1xi32>
      %squeeze3A = vector.extract %slice3A[0] : i32 from vector<1xi32>
      %add3A_565 = arith.addi %scan3A_518, %squeeze3A : i32
      scf.yield %add3A_565 : i32
    }
    %scan3A_389 = arith.constant 64 : i32
    %eq3A_390 = arith.constant 8 : i32
    %eq3A_391 = vector.broadcast %eq3A_390 : i32 to vector<16xi32>
    %eq3A_392 = arith.cmpi eq, %iota3A, %eq3A_391 : vector<16xi32>
    %get3A_393 = arith.constant 16 : index
    %get3A_394 = tpu.vector_load %arg8[%get3A_393] {strides = array<i32>} : memref<32xi32, #tpu.memory_space<vmem>>, vector<16xi32>,
    %broadcast_in_dim3A_395 = vector.broadcast %scan3A_388 : i32 to vector<16xi32>
    %select_n3A_396 = arith.select %eq3A_392, %broadcast_in_dim3A_395, %get3A_394 : vector<16xi1>, vector<16xi32>
    %swap3A_397 = arith.constant 16 : index
    %swap3A_398 = tpu.vector_load %arg8[%swap3A_397] {strides = array<i32>} : memref<32xi32, #tpu.memory_space<vmem>>, vector<16xi32>,
    tpu.vector_store %arg8[%swap3A_397], %select_n3A_396 {strides = array<i32>} : memref<32xi32, #tpu.memory_space<vmem>>, vector<16xi32>,
    %scan3A_399 = arith.constant 0 : i32
    %scan3A_400 = arith.constant 0 : i32
    %scan3A_401 = arith.constant 64 : i32
    %scan3A_402 = arith.addi %scan3A_400, %scan3A_401 : i32
    %scan3A_403 = arith.constant 1 : i32
    %scan3A_404 = scf.for %scan3A_517 = %scan3A_400 to %scan3A_402 step %scan3A_403 iter_args(%scan3A_518 = %scan3A_399) -> (i32)  : i32 {
      %mul3A_519 = arith.constant 16 : i32
      %mul3A_520 = arith.muli %scan3A_517, %mul3A_519 : i32
      %get3A_521 = arith.index_cast %mul3A_520 : i32 to index
      %get3A_522 = tpu.vector_load %arg6[%get3A_521] {strides = array<i32>} : memref<1024xi32, #tpu.memory_space<vmem>>, vector<16xi32>,
      %shift_right_logical3A = arith.constant 7 : i32
      %shift_right_logical3A_523 = vector.broadcast %shift_right_logical3A : i32 to vector<16xi32>
      %shift_right_logical3A_524 = arith.shrui %get3A_522, %shift_right_logical3A_523 : vector<16xi32>
      %and3A = arith.constant 31 : i32
      %and3A_525 = vector.broadcast %and3A : i32 to vector<16xi32>
      %and3A_526 = arith.andi %shift_right_logical3A_524, %and3A_525 : vector<16xi32>
      %eq3A_527 = arith.constant 25 : i32
      %eq3A_528 = vector.broadcast %eq3A_527 : i32 to vector<16xi32>
      %eq3A_529 = arith.cmpi eq, %and3A_526, %eq3A_528 : vector<16xi32>
      %mul3A_530 = arith.constant 16 : i32
      %mul3A_531 = arith.muli %scan3A_517, %mul3A_530 : i32
      %add3A_532 = vector.broadcast %mul3A_531 : i32 to vector<16xi32>
      %add3A_533 = arith.addi %add3A_532, %iota3A : vector<16xi32>
      %lt3A = arith.constant 512 : i32
      %lt3A_534 = vector.broadcast %lt3A : i32 to vector<16xi32>
      %lt3A_535 = arith.cmpi slt, %add3A_533, %lt3A_534 : vector<16xi32>
      %mul3A_536 = arith.constant 512 : i32
      %mul3A_537 = arith.muli %add3A, %mul3A_536 : i32
      %add3A_538 = vector.broadcast %mul3A_537 : i32 to vector<16xi32>
      %add3A_539 = arith.addi %add3A_538, %add3A_533 : vector<16xi32>
      %mul3A_540 = arith.constant 512 : i32
      %mul3A_541 = arith.muli %add3A, %mul3A_540 : i32
      %add3A_542 = arith.constant 16384 : i32
      %add3A_543 = arith.addi %add3A_542, %mul3A_541 : i32
      %sub3A = arith.constant 512 : i32
      %sub3A_544 = vector.broadcast %sub3A : i32 to vector<16xi32>
      %sub3A_545 = arith.subi %add3A_533, %sub3A_544 : vector<16xi32>
      %add3A_546 = vector.broadcast %add3A_543 : i32 to vector<16xi32>
      %add3A_547 = arith.addi %add3A_546, %sub3A_545 : vector<16xi32>
      %select_n3A_548 = arith.select %lt3A_535, %add3A_539, %add3A_547 : vector<16xi1>, vector<16xi32>
      %shift_right_logical3A_549 = arith.constant 5 : i32
      %shift_right_logical3A_550 = vector.broadcast %shift_right_logical3A_549 : i32 to vector<16xi32>
      %shift_right_logical3A_551 = arith.shrui %shift_right_logical3A_524, %shift_right_logical3A_550 : vector<16xi32>
      %shift_left3A = arith.constant 22 : i32
      %shift_left3A_552 = vector.broadcast %shift_left3A : i32 to vector<16xi32>
      %shift_left3A_553 = arith.shli %shift_right_logical3A_551, %shift_left3A_552 : vector<16xi32>
      %and3A_554 = arith.constant 127 : i32
      %and3A_555 = vector.broadcast %and3A_554 : i32 to vector<16xi32>
      %and3A_556 = arith.andi %get3A_522, %and3A_555 : vector<16xi32>
      %shift_left3A_557 = arith.constant 15 : i32
      %shift_left3A_558 = vector.broadcast %shift_left3A_557 : i32 to vector<16xi32>
      %shift_left3A_559 = arith.shli %and3A_556, %shift_left3A_558 : vector<16xi32>
      %or3A = arith.ori %shift_left3A_553, %shift_left3A_559 : vector<16xi32>
      %or3A_560 = arith.ori %or3A, %select_n3A_548 : vector<16xi32>
      %add3A_561 = arith.constant 3200 : i32
      %add3A_562 = arith.addi %add3A_561, %scan3A_518 : i32
      %swap3A_563 = arith.index_cast %add3A_562 : i32 to index
      %swap3A_564 = tpu.vector_load %arg7[%swap3A_563] masked %eq3A_529 {strides = array<i32>} : memref<4096xi32, #tpu.memory_space<vmem>>, vector<16xi32>, vector<16xi1>
      tpu.vector_store %arg7[%swap3A_563], %or3A_560 masked %eq3A_529 {strides = array<i32>} : memref<4096xi32, #tpu.memory_space<vmem>>, vector<16xi32>, vector<16xi1>
      %all_reduce_population_count3A = tpu.all_reduce %eq3A_529 {dim = 0 : i64, kind = #tpu.reduction_kind<sum>} : vector<16xi1> -> vector<16xi32>
      %slice3A = vector.extract_strided_slice %all_reduce_population_count3A {offsets = [0], sizes = [1], strides = [1]} : vector<16xi32> to vector<1xi32>
      %squeeze3A = vector.extract %slice3A[0] : i32 from vector<1xi32>
      %add3A_565 = arith.addi %scan3A_518, %squeeze3A : i32
      scf.yield %add3A_565 : i32
    }
    %scan3A_405 = arith.constant 64 : i32
    %eq3A_406 = arith.constant 9 : i32
    %eq3A_407 = vector.broadcast %eq3A_406 : i32 to vector<16xi32>
    %eq3A_408 = arith.cmpi eq, %iota3A, %eq3A_407 : vector<16xi32>
    %get3A_409 = arith.constant 16 : index
    %get3A_410 = tpu.vector_load %arg8[%get3A_409] {strides = array<i32>} : memref<32xi32, #tpu.memory_space<vmem>>, vector<16xi32>,
    %broadcast_in_dim3A_411 = vector.broadcast %scan3A_404 : i32 to vector<16xi32>
    %select_n3A_412 = arith.select %eq3A_408, %broadcast_in_dim3A_411, %get3A_410 : vector<16xi1>, vector<16xi32>
    %swap3A_413 = arith.constant 16 : index
    %swap3A_414 = tpu.vector_load %arg8[%swap3A_413] {strides = array<i32>} : memref<32xi32, #tpu.memory_space<vmem>>, vector<16xi32>,
    tpu.vector_store %arg8[%swap3A_413], %select_n3A_412 {strides = array<i32>} : memref<32xi32, #tpu.memory_space<vmem>>, vector<16xi32>,
    %scan3A_415 = arith.constant 0 : i32
    %scan3A_416 = arith.constant 0 : i32
    %scan3A_417 = arith.constant 64 : i32
    %scan3A_418 = arith.addi %scan3A_416, %scan3A_417 : i32
    %scan3A_419 = arith.constant 1 : i32
    %scan3A_420 = scf.for %scan3A_517 = %scan3A_416 to %scan3A_418 step %scan3A_419 iter_args(%scan3A_518 = %scan3A_415) -> (i32)  : i32 {
      %mul3A_519 = arith.constant 16 : i32
      %mul3A_520 = arith.muli %scan3A_517, %mul3A_519 : i32
      %get3A_521 = arith.index_cast %mul3A_520 : i32 to index
      %get3A_522 = tpu.vector_load %arg6[%get3A_521] {strides = array<i32>} : memref<1024xi32, #tpu.memory_space<vmem>>, vector<16xi32>,
      %shift_right_logical3A = arith.constant 7 : i32
      %shift_right_logical3A_523 = vector.broadcast %shift_right_logical3A : i32 to vector<16xi32>
      %shift_right_logical3A_524 = arith.shrui %get3A_522, %shift_right_logical3A_523 : vector<16xi32>
      %and3A = arith.constant 31 : i32
      %and3A_525 = vector.broadcast %and3A : i32 to vector<16xi32>
      %and3A_526 = arith.andi %shift_right_logical3A_524, %and3A_525 : vector<16xi32>
      %eq3A_527 = arith.constant 26 : i32
      %eq3A_528 = vector.broadcast %eq3A_527 : i32 to vector<16xi32>
      %eq3A_529 = arith.cmpi eq, %and3A_526, %eq3A_528 : vector<16xi32>
      %mul3A_530 = arith.constant 16 : i32
      %mul3A_531 = arith.muli %scan3A_517, %mul3A_530 : i32
      %add3A_532 = vector.broadcast %mul3A_531 : i32 to vector<16xi32>
      %add3A_533 = arith.addi %add3A_532, %iota3A : vector<16xi32>
      %lt3A = arith.constant 512 : i32
      %lt3A_534 = vector.broadcast %lt3A : i32 to vector<16xi32>
      %lt3A_535 = arith.cmpi slt, %add3A_533, %lt3A_534 : vector<16xi32>
      %mul3A_536 = arith.constant 512 : i32
      %mul3A_537 = arith.muli %add3A, %mul3A_536 : i32
      %add3A_538 = vector.broadcast %mul3A_537 : i32 to vector<16xi32>
      %add3A_539 = arith.addi %add3A_538, %add3A_533 : vector<16xi32>
      %mul3A_540 = arith.constant 512 : i32
      %mul3A_541 = arith.muli %add3A, %mul3A_540 : i32
      %add3A_542 = arith.constant 16384 : i32
      %add3A_543 = arith.addi %add3A_542, %mul3A_541 : i32
      %sub3A = arith.constant 512 : i32
      %sub3A_544 = vector.broadcast %sub3A : i32 to vector<16xi32>
      %sub3A_545 = arith.subi %add3A_533, %sub3A_544 : vector<16xi32>
      %add3A_546 = vector.broadcast %add3A_543 : i32 to vector<16xi32>
      %add3A_547 = arith.addi %add3A_546, %sub3A_545 : vector<16xi32>
      %select_n3A_548 = arith.select %lt3A_535, %add3A_539, %add3A_547 : vector<16xi1>, vector<16xi32>
      %shift_right_logical3A_549 = arith.constant 5 : i32
      %shift_right_logical3A_550 = vector.broadcast %shift_right_logical3A_549 : i32 to vector<16xi32>
      %shift_right_logical3A_551 = arith.shrui %shift_right_logical3A_524, %shift_right_logical3A_550 : vector<16xi32>
      %shift_left3A = arith.constant 22 : i32
      %shift_left3A_552 = vector.broadcast %shift_left3A : i32 to vector<16xi32>
      %shift_left3A_553 = arith.shli %shift_right_logical3A_551, %shift_left3A_552 : vector<16xi32>
      %and3A_554 = arith.constant 127 : i32
      %and3A_555 = vector.broadcast %and3A_554 : i32 to vector<16xi32>
      %and3A_556 = arith.andi %get3A_522, %and3A_555 : vector<16xi32>
      %shift_left3A_557 = arith.constant 15 : i32
      %shift_left3A_558 = vector.broadcast %shift_left3A_557 : i32 to vector<16xi32>
      %shift_left3A_559 = arith.shli %and3A_556, %shift_left3A_558 : vector<16xi32>
      %or3A = arith.ori %shift_left3A_553, %shift_left3A_559 : vector<16xi32>
      %or3A_560 = arith.ori %or3A, %select_n3A_548 : vector<16xi32>
      %add3A_561 = arith.constant 3328 : i32
      %add3A_562 = arith.addi %add3A_561, %scan3A_518 : i32
      %swap3A_563 = arith.index_cast %add3A_562 : i32 to index
      %swap3A_564 = tpu.vector_load %arg7[%swap3A_563] masked %eq3A_529 {strides = array<i32>} : memref<4096xi32, #tpu.memory_space<vmem>>, vector<16xi32>, vector<16xi1>
      tpu.vector_store %arg7[%swap3A_563], %or3A_560 masked %eq3A_529 {strides = array<i32>} : memref<4096xi32, #tpu.memory_space<vmem>>, vector<16xi32>, vector<16xi1>
      %all_reduce_population_count3A = tpu.all_reduce %eq3A_529 {dim = 0 : i64, kind = #tpu.reduction_kind<sum>} : vector<16xi1> -> vector<16xi32>
      %slice3A = vector.extract_strided_slice %all_reduce_population_count3A {offsets = [0], sizes = [1], strides = [1]} : vector<16xi32> to vector<1xi32>
      %squeeze3A = vector.extract %slice3A[0] : i32 from vector<1xi32>
      %add3A_565 = arith.addi %scan3A_518, %squeeze3A : i32
      scf.yield %add3A_565 : i32
    }
    %scan3A_421 = arith.constant 64 : i32
    %eq3A_422 = arith.constant 10 : i32
    %eq3A_423 = vector.broadcast %eq3A_422 : i32 to vector<16xi32>
    %eq3A_424 = arith.cmpi eq, %iota3A, %eq3A_423 : vector<16xi32>
    %get3A_425 = arith.constant 16 : index
    %get3A_426 = tpu.vector_load %arg8[%get3A_425] {strides = array<i32>} : memref<32xi32, #tpu.memory_space<vmem>>, vector<16xi32>,
    %broadcast_in_dim3A_427 = vector.broadcast %scan3A_420 : i32 to vector<16xi32>
    %select_n3A_428 = arith.select %eq3A_424, %broadcast_in_dim3A_427, %get3A_426 : vector<16xi1>, vector<16xi32>
    %swap3A_429 = arith.constant 16 : index
    %swap3A_430 = tpu.vector_load %arg8[%swap3A_429] {strides = array<i32>} : memref<32xi32, #tpu.memory_space<vmem>>, vector<16xi32>,
    tpu.vector_store %arg8[%swap3A_429], %select_n3A_428 {strides = array<i32>} : memref<32xi32, #tpu.memory_space<vmem>>, vector<16xi32>,
    %scan3A_431 = arith.constant 0 : i32
    %scan3A_432 = arith.constant 0 : i32
    %scan3A_433 = arith.constant 64 : i32
    %scan3A_434 = arith.addi %scan3A_432, %scan3A_433 : i32
    %scan3A_435 = arith.constant 1 : i32
    %scan3A_436 = scf.for %scan3A_517 = %scan3A_432 to %scan3A_434 step %scan3A_435 iter_args(%scan3A_518 = %scan3A_431) -> (i32)  : i32 {
      %mul3A_519 = arith.constant 16 : i32
      %mul3A_520 = arith.muli %scan3A_517, %mul3A_519 : i32
      %get3A_521 = arith.index_cast %mul3A_520 : i32 to index
      %get3A_522 = tpu.vector_load %arg6[%get3A_521] {strides = array<i32>} : memref<1024xi32, #tpu.memory_space<vmem>>, vector<16xi32>,
      %shift_right_logical3A = arith.constant 7 : i32
      %shift_right_logical3A_523 = vector.broadcast %shift_right_logical3A : i32 to vector<16xi32>
      %shift_right_logical3A_524 = arith.shrui %get3A_522, %shift_right_logical3A_523 : vector<16xi32>
      %and3A = arith.constant 31 : i32
      %and3A_525 = vector.broadcast %and3A : i32 to vector<16xi32>
      %and3A_526 = arith.andi %shift_right_logical3A_524, %and3A_525 : vector<16xi32>
      %eq3A_527 = arith.constant 27 : i32
      %eq3A_528 = vector.broadcast %eq3A_527 : i32 to vector<16xi32>
      %eq3A_529 = arith.cmpi eq, %and3A_526, %eq3A_528 : vector<16xi32>
      %mul3A_530 = arith.constant 16 : i32
      %mul3A_531 = arith.muli %scan3A_517, %mul3A_530 : i32
      %add3A_532 = vector.broadcast %mul3A_531 : i32 to vector<16xi32>
      %add3A_533 = arith.addi %add3A_532, %iota3A : vector<16xi32>
      %lt3A = arith.constant 512 : i32
      %lt3A_534 = vector.broadcast %lt3A : i32 to vector<16xi32>
      %lt3A_535 = arith.cmpi slt, %add3A_533, %lt3A_534 : vector<16xi32>
      %mul3A_536 = arith.constant 512 : i32
      %mul3A_537 = arith.muli %add3A, %mul3A_536 : i32
      %add3A_538 = vector.broadcast %mul3A_537 : i32 to vector<16xi32>
      %add3A_539 = arith.addi %add3A_538, %add3A_533 : vector<16xi32>
      %mul3A_540 = arith.constant 512 : i32
      %mul3A_541 = arith.muli %add3A, %mul3A_540 : i32
      %add3A_542 = arith.constant 16384 : i32
      %add3A_543 = arith.addi %add3A_542, %mul3A_541 : i32
      %sub3A = arith.constant 512 : i32
      %sub3A_544 = vector.broadcast %sub3A : i32 to vector<16xi32>
      %sub3A_545 = arith.subi %add3A_533, %sub3A_544 : vector<16xi32>
      %add3A_546 = vector.broadcast %add3A_543 : i32 to vector<16xi32>
      %add3A_547 = arith.addi %add3A_546, %sub3A_545 : vector<16xi32>
      %select_n3A_548 = arith.select %lt3A_535, %add3A_539, %add3A_547 : vector<16xi1>, vector<16xi32>
      %shift_right_logical3A_549 = arith.constant 5 : i32
      %shift_right_logical3A_550 = vector.broadcast %shift_right_logical3A_549 : i32 to vector<16xi32>
      %shift_right_logical3A_551 = arith.shrui %shift_right_logical3A_524, %shift_right_logical3A_550 : vector<16xi32>
      %shift_left3A = arith.constant 22 : i32
      %shift_left3A_552 = vector.broadcast %shift_left3A : i32 to vector<16xi32>
      %shift_left3A_553 = arith.shli %shift_right_logical3A_551, %shift_left3A_552 : vector<16xi32>
      %and3A_554 = arith.constant 127 : i32
      %and3A_555 = vector.broadcast %and3A_554 : i32 to vector<16xi32>
      %and3A_556 = arith.andi %get3A_522, %and3A_555 : vector<16xi32>
      %shift_left3A_557 = arith.constant 15 : i32
      %shift_left3A_558 = vector.broadcast %shift_left3A_557 : i32 to vector<16xi32>
      %shift_left3A_559 = arith.shli %and3A_556, %shift_left3A_558 : vector<16xi32>
      %or3A = arith.ori %shift_left3A_553, %shift_left3A_559 : vector<16xi32>
      %or3A_560 = arith.ori %or3A, %select_n3A_548 : vector<16xi32>
      %add3A_561 = arith.constant 3456 : i32
      %add3A_562 = arith.addi %add3A_561, %scan3A_518 : i32
      %swap3A_563 = arith.index_cast %add3A_562 : i32 to index
      %swap3A_564 = tpu.vector_load %arg7[%swap3A_563] masked %eq3A_529 {strides = array<i32>} : memref<4096xi32, #tpu.memory_space<vmem>>, vector<16xi32>, vector<16xi1>
      tpu.vector_store %arg7[%swap3A_563], %or3A_560 masked %eq3A_529 {strides = array<i32>} : memref<4096xi32, #tpu.memory_space<vmem>>, vector<16xi32>, vector<16xi1>
      %all_reduce_population_count3A = tpu.all_reduce %eq3A_529 {dim = 0 : i64, kind = #tpu.reduction_kind<sum>} : vector<16xi1> -> vector<16xi32>
      %slice3A = vector.extract_strided_slice %all_reduce_population_count3A {offsets = [0], sizes = [1], strides = [1]} : vector<16xi32> to vector<1xi32>
      %squeeze3A = vector.extract %slice3A[0] : i32 from vector<1xi32>
      %add3A_565 = arith.addi %scan3A_518, %squeeze3A : i32
      scf.yield %add3A_565 : i32
    }
    %scan3A_437 = arith.constant 64 : i32
    %eq3A_438 = arith.constant 11 : i32
    %eq3A_439 = vector.broadcast %eq3A_438 : i32 to vector<16xi32>
    %eq3A_440 = arith.cmpi eq, %iota3A, %eq3A_439 : vector<16xi32>
    %get3A_441 = arith.constant 16 : index
    %get3A_442 = tpu.vector_load %arg8[%get3A_441] {strides = array<i32>} : memref<32xi32, #tpu.memory_space<vmem>>, vector<16xi32>,
    %broadcast_in_dim3A_443 = vector.broadcast %scan3A_436 : i32 to vector<16xi32>
    %select_n3A_444 = arith.select %eq3A_440, %broadcast_in_dim3A_443, %get3A_442 : vector<16xi1>, vector<16xi32>
    %swap3A_445 = arith.constant 16 : index
    %swap3A_446 = tpu.vector_load %arg8[%swap3A_445] {strides = array<i32>} : memref<32xi32, #tpu.memory_space<vmem>>, vector<16xi32>,
    tpu.vector_store %arg8[%swap3A_445], %select_n3A_444 {strides = array<i32>} : memref<32xi32, #tpu.memory_space<vmem>>, vector<16xi32>,
    %scan3A_447 = arith.constant 0 : i32
    %scan3A_448 = arith.constant 0 : i32
    %scan3A_449 = arith.constant 64 : i32
    %scan3A_450 = arith.addi %scan3A_448, %scan3A_449 : i32
    %scan3A_451 = arith.constant 1 : i32
    %scan3A_452 = scf.for %scan3A_517 = %scan3A_448 to %scan3A_450 step %scan3A_451 iter_args(%scan3A_518 = %scan3A_447) -> (i32)  : i32 {
      %mul3A_519 = arith.constant 16 : i32
      %mul3A_520 = arith.muli %scan3A_517, %mul3A_519 : i32
      %get3A_521 = arith.index_cast %mul3A_520 : i32 to index
      %get3A_522 = tpu.vector_load %arg6[%get3A_521] {strides = array<i32>} : memref<1024xi32, #tpu.memory_space<vmem>>, vector<16xi32>,
      %shift_right_logical3A = arith.constant 7 : i32
      %shift_right_logical3A_523 = vector.broadcast %shift_right_logical3A : i32 to vector<16xi32>
      %shift_right_logical3A_524 = arith.shrui %get3A_522, %shift_right_logical3A_523 : vector<16xi32>
      %and3A = arith.constant 31 : i32
      %and3A_525 = vector.broadcast %and3A : i32 to vector<16xi32>
      %and3A_526 = arith.andi %shift_right_logical3A_524, %and3A_525 : vector<16xi32>
      %eq3A_527 = arith.constant 28 : i32
      %eq3A_528 = vector.broadcast %eq3A_527 : i32 to vector<16xi32>
      %eq3A_529 = arith.cmpi eq, %and3A_526, %eq3A_528 : vector<16xi32>
      %mul3A_530 = arith.constant 16 : i32
      %mul3A_531 = arith.muli %scan3A_517, %mul3A_530 : i32
      %add3A_532 = vector.broadcast %mul3A_531 : i32 to vector<16xi32>
      %add3A_533 = arith.addi %add3A_532, %iota3A : vector<16xi32>
      %lt3A = arith.constant 512 : i32
      %lt3A_534 = vector.broadcast %lt3A : i32 to vector<16xi32>
      %lt3A_535 = arith.cmpi slt, %add3A_533, %lt3A_534 : vector<16xi32>
      %mul3A_536 = arith.constant 512 : i32
      %mul3A_537 = arith.muli %add3A, %mul3A_536 : i32
      %add3A_538 = vector.broadcast %mul3A_537 : i32 to vector<16xi32>
      %add3A_539 = arith.addi %add3A_538, %add3A_533 : vector<16xi32>
      %mul3A_540 = arith.constant 512 : i32
      %mul3A_541 = arith.muli %add3A, %mul3A_540 : i32
      %add3A_542 = arith.constant 16384 : i32
      %add3A_543 = arith.addi %add3A_542, %mul3A_541 : i32
      %sub3A = arith.constant 512 : i32
      %sub3A_544 = vector.broadcast %sub3A : i32 to vector<16xi32>
      %sub3A_545 = arith.subi %add3A_533, %sub3A_544 : vector<16xi32>
      %add3A_546 = vector.broadcast %add3A_543 : i32 to vector<16xi32>
      %add3A_547 = arith.addi %add3A_546, %sub3A_545 : vector<16xi32>
      %select_n3A_548 = arith.select %lt3A_535, %add3A_539, %add3A_547 : vector<16xi1>, vector<16xi32>
      %shift_right_logical3A_549 = arith.constant 5 : i32
      %shift_right_logical3A_550 = vector.broadcast %shift_right_logical3A_549 : i32 to vector<16xi32>
      %shift_right_logical3A_551 = arith.shrui %shift_right_logical3A_524, %shift_right_logical3A_550 : vector<16xi32>
      %shift_left3A = arith.constant 22 : i32
      %shift_left3A_552 = vector.broadcast %shift_left3A : i32 to vector<16xi32>
      %shift_left3A_553 = arith.shli %shift_right_logical3A_551, %shift_left3A_552 : vector<16xi32>
      %and3A_554 = arith.constant 127 : i32
      %and3A_555 = vector.broadcast %and3A_554 : i32 to vector<16xi32>
      %and3A_556 = arith.andi %get3A_522, %and3A_555 : vector<16xi32>
      %shift_left3A_557 = arith.constant 15 : i32
      %shift_left3A_558 = vector.broadcast %shift_left3A_557 : i32 to vector<16xi32>
      %shift_left3A_559 = arith.shli %and3A_556, %shift_left3A_558 : vector<16xi32>
      %or3A = arith.ori %shift_left3A_553, %shift_left3A_559 : vector<16xi32>
      %or3A_560 = arith.ori %or3A, %select_n3A_548 : vector<16xi32>
      %add3A_561 = arith.constant 3584 : i32
      %add3A_562 = arith.addi %add3A_561, %scan3A_518 : i32
      %swap3A_563 = arith.index_cast %add3A_562 : i32 to index
      %swap3A_564 = tpu.vector_load %arg7[%swap3A_563] masked %eq3A_529 {strides = array<i32>} : memref<4096xi32, #tpu.memory_space<vmem>>, vector<16xi32>, vector<16xi1>
      tpu.vector_store %arg7[%swap3A_563], %or3A_560 masked %eq3A_529 {strides = array<i32>} : memref<4096xi32, #tpu.memory_space<vmem>>, vector<16xi32>, vector<16xi1>
      %all_reduce_population_count3A = tpu.all_reduce %eq3A_529 {dim = 0 : i64, kind = #tpu.reduction_kind<sum>} : vector<16xi1> -> vector<16xi32>
      %slice3A = vector.extract_strided_slice %all_reduce_population_count3A {offsets = [0], sizes = [1], strides = [1]} : vector<16xi32> to vector<1xi32>
      %squeeze3A = vector.extract %slice3A[0] : i32 from vector<1xi32>
      %add3A_565 = arith.addi %scan3A_518, %squeeze3A : i32
      scf.yield %add3A_565 : i32
    }
    %scan3A_453 = arith.constant 64 : i32
    %eq3A_454 = arith.constant 12 : i32
    %eq3A_455 = vector.broadcast %eq3A_454 : i32 to vector<16xi32>
    %eq3A_456 = arith.cmpi eq, %iota3A, %eq3A_455 : vector<16xi32>
    %get3A_457 = arith.constant 16 : index
    %get3A_458 = tpu.vector_load %arg8[%get3A_457] {strides = array<i32>} : memref<32xi32, #tpu.memory_space<vmem>>, vector<16xi32>,
    %broadcast_in_dim3A_459 = vector.broadcast %scan3A_452 : i32 to vector<16xi32>
    %select_n3A_460 = arith.select %eq3A_456, %broadcast_in_dim3A_459, %get3A_458 : vector<16xi1>, vector<16xi32>
    %swap3A_461 = arith.constant 16 : index
    %swap3A_462 = tpu.vector_load %arg8[%swap3A_461] {strides = array<i32>} : memref<32xi32, #tpu.memory_space<vmem>>, vector<16xi32>,
    tpu.vector_store %arg8[%swap3A_461], %select_n3A_460 {strides = array<i32>} : memref<32xi32, #tpu.memory_space<vmem>>, vector<16xi32>,
    %scan3A_463 = arith.constant 0 : i32
    %scan3A_464 = arith.constant 0 : i32
    %scan3A_465 = arith.constant 64 : i32
    %scan3A_466 = arith.addi %scan3A_464, %scan3A_465 : i32
    %scan3A_467 = arith.constant 1 : i32
    %scan3A_468 = scf.for %scan3A_517 = %scan3A_464 to %scan3A_466 step %scan3A_467 iter_args(%scan3A_518 = %scan3A_463) -> (i32)  : i32 {
      %mul3A_519 = arith.constant 16 : i32
      %mul3A_520 = arith.muli %scan3A_517, %mul3A_519 : i32
      %get3A_521 = arith.index_cast %mul3A_520 : i32 to index
      %get3A_522 = tpu.vector_load %arg6[%get3A_521] {strides = array<i32>} : memref<1024xi32, #tpu.memory_space<vmem>>, vector<16xi32>,
      %shift_right_logical3A = arith.constant 7 : i32
      %shift_right_logical3A_523 = vector.broadcast %shift_right_logical3A : i32 to vector<16xi32>
      %shift_right_logical3A_524 = arith.shrui %get3A_522, %shift_right_logical3A_523 : vector<16xi32>
      %and3A = arith.constant 31 : i32
      %and3A_525 = vector.broadcast %and3A : i32 to vector<16xi32>
      %and3A_526 = arith.andi %shift_right_logical3A_524, %and3A_525 : vector<16xi32>
      %eq3A_527 = arith.constant 29 : i32
      %eq3A_528 = vector.broadcast %eq3A_527 : i32 to vector<16xi32>
      %eq3A_529 = arith.cmpi eq, %and3A_526, %eq3A_528 : vector<16xi32>
      %mul3A_530 = arith.constant 16 : i32
      %mul3A_531 = arith.muli %scan3A_517, %mul3A_530 : i32
      %add3A_532 = vector.broadcast %mul3A_531 : i32 to vector<16xi32>
      %add3A_533 = arith.addi %add3A_532, %iota3A : vector<16xi32>
      %lt3A = arith.constant 512 : i32
      %lt3A_534 = vector.broadcast %lt3A : i32 to vector<16xi32>
      %lt3A_535 = arith.cmpi slt, %add3A_533, %lt3A_534 : vector<16xi32>
      %mul3A_536 = arith.constant 512 : i32
      %mul3A_537 = arith.muli %add3A, %mul3A_536 : i32
      %add3A_538 = vector.broadcast %mul3A_537 : i32 to vector<16xi32>
      %add3A_539 = arith.addi %add3A_538, %add3A_533 : vector<16xi32>
      %mul3A_540 = arith.constant 512 : i32
      %mul3A_541 = arith.muli %add3A, %mul3A_540 : i32
      %add3A_542 = arith.constant 16384 : i32
      %add3A_543 = arith.addi %add3A_542, %mul3A_541 : i32
      %sub3A = arith.constant 512 : i32
      %sub3A_544 = vector.broadcast %sub3A : i32 to vector<16xi32>
      %sub3A_545 = arith.subi %add3A_533, %sub3A_544 : vector<16xi32>
      %add3A_546 = vector.broadcast %add3A_543 : i32 to vector<16xi32>
      %add3A_547 = arith.addi %add3A_546, %sub3A_545 : vector<16xi32>
      %select_n3A_548 = arith.select %lt3A_535, %add3A_539, %add3A_547 : vector<16xi1>, vector<16xi32>
      %shift_right_logical3A_549 = arith.constant 5 : i32
      %shift_right_logical3A_550 = vector.broadcast %shift_right_logical3A_549 : i32 to vector<16xi32>
      %shift_right_logical3A_551 = arith.shrui %shift_right_logical3A_524, %shift_right_logical3A_550 : vector<16xi32>
      %shift_left3A = arith.constant 22 : i32
      %shift_left3A_552 = vector.broadcast %shift_left3A : i32 to vector<16xi32>
      %shift_left3A_553 = arith.shli %shift_right_logical3A_551, %shift_left3A_552 : vector<16xi32>
      %and3A_554 = arith.constant 127 : i32
      %and3A_555 = vector.broadcast %and3A_554 : i32 to vector<16xi32>
      %and3A_556 = arith.andi %get3A_522, %and3A_555 : vector<16xi32>
      %shift_left3A_557 = arith.constant 15 : i32
      %shift_left3A_558 = vector.broadcast %shift_left3A_557 : i32 to vector<16xi32>
      %shift_left3A_559 = arith.shli %and3A_556, %shift_left3A_558 : vector<16xi32>
      %or3A = arith.ori %shift_left3A_553, %shift_left3A_559 : vector<16xi32>
      %or3A_560 = arith.ori %or3A, %select_n3A_548 : vector<16xi32>
      %add3A_561 = arith.constant 3712 : i32
      %add3A_562 = arith.addi %add3A_561, %scan3A_518 : i32
      %swap3A_563 = arith.index_cast %add3A_562 : i32 to index
      %swap3A_564 = tpu.vector_load %arg7[%swap3A_563] masked %eq3A_529 {strides = array<i32>} : memref<4096xi32, #tpu.memory_space<vmem>>, vector<16xi32>, vector<16xi1>
      tpu.vector_store %arg7[%swap3A_563], %or3A_560 masked %eq3A_529 {strides = array<i32>} : memref<4096xi32, #tpu.memory_space<vmem>>, vector<16xi32>, vector<16xi1>
      %all_reduce_population_count3A = tpu.all_reduce %eq3A_529 {dim = 0 : i64, kind = #tpu.reduction_kind<sum>} : vector<16xi1> -> vector<16xi32>
      %slice3A = vector.extract_strided_slice %all_reduce_population_count3A {offsets = [0], sizes = [1], strides = [1]} : vector<16xi32> to vector<1xi32>
      %squeeze3A = vector.extract %slice3A[0] : i32 from vector<1xi32>
      %add3A_565 = arith.addi %scan3A_518, %squeeze3A : i32
      scf.yield %add3A_565 : i32
    }
    %scan3A_469 = arith.constant 64 : i32
    %eq3A_470 = arith.constant 13 : i32
    %eq3A_471 = vector.broadcast %eq3A_470 : i32 to vector<16xi32>
    %eq3A_472 = arith.cmpi eq, %iota3A, %eq3A_471 : vector<16xi32>
    %get3A_473 = arith.constant 16 : index
    %get3A_474 = tpu.vector_load %arg8[%get3A_473] {strides = array<i32>} : memref<32xi32, #tpu.memory_space<vmem>>, vector<16xi32>,
    %broadcast_in_dim3A_475 = vector.broadcast %scan3A_468 : i32 to vector<16xi32>
    %select_n3A_476 = arith.select %eq3A_472, %broadcast_in_dim3A_475, %get3A_474 : vector<16xi1>, vector<16xi32>
    %swap3A_477 = arith.constant 16 : index
    %swap3A_478 = tpu.vector_load %arg8[%swap3A_477] {strides = array<i32>} : memref<32xi32, #tpu.memory_space<vmem>>, vector<16xi32>,
    tpu.vector_store %arg8[%swap3A_477], %select_n3A_476 {strides = array<i32>} : memref<32xi32, #tpu.memory_space<vmem>>, vector<16xi32>,
    %scan3A_479 = arith.constant 0 : i32
    %scan3A_480 = arith.constant 0 : i32
    %scan3A_481 = arith.constant 64 : i32
    %scan3A_482 = arith.addi %scan3A_480, %scan3A_481 : i32
    %scan3A_483 = arith.constant 1 : i32
    %scan3A_484 = scf.for %scan3A_517 = %scan3A_480 to %scan3A_482 step %scan3A_483 iter_args(%scan3A_518 = %scan3A_479) -> (i32)  : i32 {
      %mul3A_519 = arith.constant 16 : i32
      %mul3A_520 = arith.muli %scan3A_517, %mul3A_519 : i32
      %get3A_521 = arith.index_cast %mul3A_520 : i32 to index
      %get3A_522 = tpu.vector_load %arg6[%get3A_521] {strides = array<i32>} : memref<1024xi32, #tpu.memory_space<vmem>>, vector<16xi32>,
      %shift_right_logical3A = arith.constant 7 : i32
      %shift_right_logical3A_523 = vector.broadcast %shift_right_logical3A : i32 to vector<16xi32>
      %shift_right_logical3A_524 = arith.shrui %get3A_522, %shift_right_logical3A_523 : vector<16xi32>
      %and3A = arith.constant 31 : i32
      %and3A_525 = vector.broadcast %and3A : i32 to vector<16xi32>
      %and3A_526 = arith.andi %shift_right_logical3A_524, %and3A_525 : vector<16xi32>
      %eq3A_527 = arith.constant 30 : i32
      %eq3A_528 = vector.broadcast %eq3A_527 : i32 to vector<16xi32>
      %eq3A_529 = arith.cmpi eq, %and3A_526, %eq3A_528 : vector<16xi32>
      %mul3A_530 = arith.constant 16 : i32
      %mul3A_531 = arith.muli %scan3A_517, %mul3A_530 : i32
      %add3A_532 = vector.broadcast %mul3A_531 : i32 to vector<16xi32>
      %add3A_533 = arith.addi %add3A_532, %iota3A : vector<16xi32>
      %lt3A = arith.constant 512 : i32
      %lt3A_534 = vector.broadcast %lt3A : i32 to vector<16xi32>
      %lt3A_535 = arith.cmpi slt, %add3A_533, %lt3A_534 : vector<16xi32>
      %mul3A_536 = arith.constant 512 : i32
      %mul3A_537 = arith.muli %add3A, %mul3A_536 : i32
      %add3A_538 = vector.broadcast %mul3A_537 : i32 to vector<16xi32>
      %add3A_539 = arith.addi %add3A_538, %add3A_533 : vector<16xi32>
      %mul3A_540 = arith.constant 512 : i32
      %mul3A_541 = arith.muli %add3A, %mul3A_540 : i32
      %add3A_542 = arith.constant 16384 : i32
      %add3A_543 = arith.addi %add3A_542, %mul3A_541 : i32
      %sub3A = arith.constant 512 : i32
      %sub3A_544 = vector.broadcast %sub3A : i32 to vector<16xi32>
      %sub3A_545 = arith.subi %add3A_533, %sub3A_544 : vector<16xi32>
      %add3A_546 = vector.broadcast %add3A_543 : i32 to vector<16xi32>
      %add3A_547 = arith.addi %add3A_546, %sub3A_545 : vector<16xi32>
      %select_n3A_548 = arith.select %lt3A_535, %add3A_539, %add3A_547 : vector<16xi1>, vector<16xi32>
      %shift_right_logical3A_549 = arith.constant 5 : i32
      %shift_right_logical3A_550 = vector.broadcast %shift_right_logical3A_549 : i32 to vector<16xi32>
      %shift_right_logical3A_551 = arith.shrui %shift_right_logical3A_524, %shift_right_logical3A_550 : vector<16xi32>
      %shift_left3A = arith.constant 22 : i32
      %shift_left3A_552 = vector.broadcast %shift_left3A : i32 to vector<16xi32>
      %shift_left3A_553 = arith.shli %shift_right_logical3A_551, %shift_left3A_552 : vector<16xi32>
      %and3A_554 = arith.constant 127 : i32
      %and3A_555 = vector.broadcast %and3A_554 : i32 to vector<16xi32>
      %and3A_556 = arith.andi %get3A_522, %and3A_555 : vector<16xi32>
      %shift_left3A_557 = arith.constant 15 : i32
      %shift_left3A_558 = vector.broadcast %shift_left3A_557 : i32 to vector<16xi32>
      %shift_left3A_559 = arith.shli %and3A_556, %shift_left3A_558 : vector<16xi32>
      %or3A = arith.ori %shift_left3A_553, %shift_left3A_559 : vector<16xi32>
      %or3A_560 = arith.ori %or3A, %select_n3A_548 : vector<16xi32>
      %add3A_561 = arith.constant 3840 : i32
      %add3A_562 = arith.addi %add3A_561, %scan3A_518 : i32
      %swap3A_563 = arith.index_cast %add3A_562 : i32 to index
      %swap3A_564 = tpu.vector_load %arg7[%swap3A_563] masked %eq3A_529 {strides = array<i32>} : memref<4096xi32, #tpu.memory_space<vmem>>, vector<16xi32>, vector<16xi1>
      tpu.vector_store %arg7[%swap3A_563], %or3A_560 masked %eq3A_529 {strides = array<i32>} : memref<4096xi32, #tpu.memory_space<vmem>>, vector<16xi32>, vector<16xi1>
      %all_reduce_population_count3A = tpu.all_reduce %eq3A_529 {dim = 0 : i64, kind = #tpu.reduction_kind<sum>} : vector<16xi1> -> vector<16xi32>
      %slice3A = vector.extract_strided_slice %all_reduce_population_count3A {offsets = [0], sizes = [1], strides = [1]} : vector<16xi32> to vector<1xi32>
      %squeeze3A = vector.extract %slice3A[0] : i32 from vector<1xi32>
      %add3A_565 = arith.addi %scan3A_518, %squeeze3A : i32
      scf.yield %add3A_565 : i32
    }
    %scan3A_485 = arith.constant 64 : i32
    %eq3A_486 = arith.constant 14 : i32
    %eq3A_487 = vector.broadcast %eq3A_486 : i32 to vector<16xi32>
    %eq3A_488 = arith.cmpi eq, %iota3A, %eq3A_487 : vector<16xi32>
    %get3A_489 = arith.constant 16 : index
    %get3A_490 = tpu.vector_load %arg8[%get3A_489] {strides = array<i32>} : memref<32xi32, #tpu.memory_space<vmem>>, vector<16xi32>,
    %broadcast_in_dim3A_491 = vector.broadcast %scan3A_484 : i32 to vector<16xi32>
    %select_n3A_492 = arith.select %eq3A_488, %broadcast_in_dim3A_491, %get3A_490 : vector<16xi1>, vector<16xi32>
    %swap3A_493 = arith.constant 16 : index
    %swap3A_494 = tpu.vector_load %arg8[%swap3A_493] {strides = array<i32>} : memref<32xi32, #tpu.memory_space<vmem>>, vector<16xi32>,
    tpu.vector_store %arg8[%swap3A_493], %select_n3A_492 {strides = array<i32>} : memref<32xi32, #tpu.memory_space<vmem>>, vector<16xi32>,
    %scan3A_495 = arith.constant 0 : i32
    %scan3A_496 = arith.constant 0 : i32
    %scan3A_497 = arith.constant 64 : i32
    %scan3A_498 = arith.addi %scan3A_496, %scan3A_497 : i32
    %scan3A_499 = arith.constant 1 : i32
    %scan3A_500 = scf.for %scan3A_517 = %scan3A_496 to %scan3A_498 step %scan3A_499 iter_args(%scan3A_518 = %scan3A_495) -> (i32)  : i32 {
      %mul3A_519 = arith.constant 16 : i32
      %mul3A_520 = arith.muli %scan3A_517, %mul3A_519 : i32
      %get3A_521 = arith.index_cast %mul3A_520 : i32 to index
      %get3A_522 = tpu.vector_load %arg6[%get3A_521] {strides = array<i32>} : memref<1024xi32, #tpu.memory_space<vmem>>, vector<16xi32>,
      %shift_right_logical3A = arith.constant 7 : i32
      %shift_right_logical3A_523 = vector.broadcast %shift_right_logical3A : i32 to vector<16xi32>
      %shift_right_logical3A_524 = arith.shrui %get3A_522, %shift_right_logical3A_523 : vector<16xi32>
      %and3A = arith.constant 31 : i32
      %and3A_525 = vector.broadcast %and3A : i32 to vector<16xi32>
      %and3A_526 = arith.andi %shift_right_logical3A_524, %and3A_525 : vector<16xi32>
      %eq3A_527 = arith.constant 31 : i32
      %eq3A_528 = vector.broadcast %eq3A_527 : i32 to vector<16xi32>
      %eq3A_529 = arith.cmpi eq, %and3A_526, %eq3A_528 : vector<16xi32>
      %mul3A_530 = arith.constant 16 : i32
      %mul3A_531 = arith.muli %scan3A_517, %mul3A_530 : i32
      %add3A_532 = vector.broadcast %mul3A_531 : i32 to vector<16xi32>
      %add3A_533 = arith.addi %add3A_532, %iota3A : vector<16xi32>
      %lt3A = arith.constant 512 : i32
      %lt3A_534 = vector.broadcast %lt3A : i32 to vector<16xi32>
      %lt3A_535 = arith.cmpi slt, %add3A_533, %lt3A_534 : vector<16xi32>
      %mul3A_536 = arith.constant 512 : i32
      %mul3A_537 = arith.muli %add3A, %mul3A_536 : i32
      %add3A_538 = vector.broadcast %mul3A_537 : i32 to vector<16xi32>
      %add3A_539 = arith.addi %add3A_538, %add3A_533 : vector<16xi32>
      %mul3A_540 = arith.constant 512 : i32
      %mul3A_541 = arith.muli %add3A, %mul3A_540 : i32
      %add3A_542 = arith.constant 16384 : i32
      %add3A_543 = arith.addi %add3A_542, %mul3A_541 : i32
      %sub3A = arith.constant 512 : i32
      %sub3A_544 = vector.broadcast %sub3A : i32 to vector<16xi32>
      %sub3A_545 = arith.subi %add3A_533, %sub3A_544 : vector<16xi32>
      %add3A_546 = vector.broadcast %add3A_543 : i32 to vector<16xi32>
      %add3A_547 = arith.addi %add3A_546, %sub3A_545 : vector<16xi32>
      %select_n3A_548 = arith.select %lt3A_535, %add3A_539, %add3A_547 : vector<16xi1>, vector<16xi32>
      %shift_right_logical3A_549 = arith.constant 5 : i32
      %shift_right_logical3A_550 = vector.broadcast %shift_right_logical3A_549 : i32 to vector<16xi32>
      %shift_right_logical3A_551 = arith.shrui %shift_right_logical3A_524, %shift_right_logical3A_550 : vector<16xi32>
      %shift_left3A = arith.constant 22 : i32
      %shift_left3A_552 = vector.broadcast %shift_left3A : i32 to vector<16xi32>
      %shift_left3A_553 = arith.shli %shift_right_logical3A_551, %shift_left3A_552 : vector<16xi32>
      %and3A_554 = arith.constant 127 : i32
      %and3A_555 = vector.broadcast %and3A_554 : i32 to vector<16xi32>
      %and3A_556 = arith.andi %get3A_522, %and3A_555 : vector<16xi32>
      %shift_left3A_557 = arith.constant 15 : i32
      %shift_left3A_558 = vector.broadcast %shift_left3A_557 : i32 to vector<16xi32>
      %shift_left3A_559 = arith.shli %and3A_556, %shift_left3A_558 : vector<16xi32>
      %or3A = arith.ori %shift_left3A_553, %shift_left3A_559 : vector<16xi32>
      %or3A_560 = arith.ori %or3A, %select_n3A_548 : vector<16xi32>
      %add3A_561 = arith.constant 3968 : i32
      %add3A_562 = arith.addi %add3A_561, %scan3A_518 : i32
      %swap3A_563 = arith.index_cast %add3A_562 : i32 to index
      %swap3A_564 = tpu.vector_load %arg7[%swap3A_563] masked %eq3A_529 {strides = array<i32>} : memref<4096xi32, #tpu.memory_space<vmem>>, vector<16xi32>, vector<16xi1>
      tpu.vector_store %arg7[%swap3A_563], %or3A_560 masked %eq3A_529 {strides = array<i32>} : memref<4096xi32, #tpu.memory_space<vmem>>, vector<16xi32>, vector<16xi1>
      %all_reduce_population_count3A = tpu.all_reduce %eq3A_529 {dim = 0 : i64, kind = #tpu.reduction_kind<sum>} : vector<16xi1> -> vector<16xi32>
      %slice3A = vector.extract_strided_slice %all_reduce_population_count3A {offsets = [0], sizes = [1], strides = [1]} : vector<16xi32> to vector<1xi32>
      %squeeze3A = vector.extract %slice3A[0] : i32 from vector<1xi32>
      %add3A_565 = arith.addi %scan3A_518, %squeeze3A : i32
      scf.yield %add3A_565 : i32
    }
    %scan3A_501 = arith.constant 64 : i32
    %eq3A_502 = arith.constant 15 : i32
    %eq3A_503 = vector.broadcast %eq3A_502 : i32 to vector<16xi32>
    %eq3A_504 = arith.cmpi eq, %iota3A, %eq3A_503 : vector<16xi32>
    %get3A_505 = arith.constant 16 : index
    %get3A_506 = tpu.vector_load %arg8[%get3A_505] {strides = array<i32>} : memref<32xi32, #tpu.memory_space<vmem>>, vector<16xi32>,
    %broadcast_in_dim3A_507 = vector.broadcast %scan3A_500 : i32 to vector<16xi32>
    %select_n3A_508 = arith.select %eq3A_504, %broadcast_in_dim3A_507, %get3A_506 : vector<16xi1>, vector<16xi32>
    %swap3A_509 = arith.constant 16 : index
    %swap3A_510 = tpu.vector_load %arg8[%swap3A_509] {strides = array<i32>} : memref<32xi32, #tpu.memory_space<vmem>>, vector<16xi32>,
    tpu.vector_store %arg8[%swap3A_509], %select_n3A_508 {strides = array<i32>} : memref<32xi32, #tpu.memory_space<vmem>>, vector<16xi32>,
    %mul3A_511 = arith.constant 32 : i32
    %mul3A_512 = arith.muli %add3A, %mul3A_511 : i32
    %mul3A_513 = arith.constant 128 : i32
    %mul3A_514 = arith.muli %mul3A_512, %mul3A_513 : i32
    "tpu.region"() ({
      %run_scoped3A = tpu.sem_alloc : memref<!tpu.dma_semaphore, #tpu.memory_space<semaphore_mem>>
      %dma_start3A = tpu.memref_slice %arg4[%mul3A_514] : memref<131072xi32, #tpu.memory_space<hbm>> -> memref<4096xi32, #tpu.memory_space<hbm>>
      %dma_start3A_517 = tpu.memref_slice %arg4[%mul3A_514] : memref<131072xi32, #tpu.memory_space<hbm>> -> memref<4096xi32, #tpu.memory_space<hbm>>
      tpu.enqueue_dma source(%arg7 : memref<4096xi32, #tpu.memory_space<vmem>>) target(%dma_start3A_517 : memref<4096xi32, #tpu.memory_space<hbm>>) target_semaphore(%run_scoped3A : memref<!tpu.dma_semaphore, #tpu.memory_space<semaphore_mem>>)
      %dma_wait3A = tpu.memref_slice %arg4[%mul3A_514] : memref<131072xi32, #tpu.memory_space<hbm>> -> memref<4096xi32, #tpu.memory_space<hbm>>
      %dma_wait3A_518 = tpu.memref_slice %arg4[%mul3A_514] : memref<131072xi32, #tpu.memory_space<hbm>> -> memref<4096xi32, #tpu.memory_space<hbm>>
      tpu.wait_dma2 semaphore(%run_scoped3A : memref<!tpu.dma_semaphore, #tpu.memory_space<semaphore_mem>>) src(%arg7 : memref<4096xi32, #tpu.memory_space<vmem>>) dst(%dma_wait3A_518 : memref<4096xi32, #tpu.memory_space<hbm>>)
      tpu.yield
    }) : () -> ()
    %mul3A_515 = arith.constant 32 : i32
    %mul3A_516 = arith.muli %add3A, %mul3A_515 : i32
    "tpu.region"() ({
      %run_scoped3A = tpu.sem_alloc : memref<!tpu.dma_semaphore, #tpu.memory_space<semaphore_mem>>
      %dma_start3A = tpu.memref_slice %arg5[%mul3A_516] : memref<1024xi32, #tpu.memory_space<hbm>> -> memref<32xi32, #tpu.memory_space<hbm>>
      %dma_start3A_517 = tpu.memref_slice %arg5[%mul3A_516] : memref<1024xi32, #tpu.memory_space<hbm>> -> memref<32xi32, #tpu.memory_space<hbm>>
      tpu.enqueue_dma source(%arg8 : memref<32xi32, #tpu.memory_space<vmem>>) target(%dma_start3A_517 : memref<32xi32, #tpu.memory_space<hbm>>) target_semaphore(%run_scoped3A : memref<!tpu.dma_semaphore, #tpu.memory_space<semaphore_mem>>)
      %dma_wait3A = tpu.memref_slice %arg5[%mul3A_516] : memref<1024xi32, #tpu.memory_space<hbm>> -> memref<32xi32, #tpu.memory_space<hbm>>
      %dma_wait3A_518 = tpu.memref_slice %arg5[%mul3A_516] : memref<1024xi32, #tpu.memory_space<hbm>> -> memref<32xi32, #tpu.memory_space<hbm>>
      tpu.wait_dma2 semaphore(%run_scoped3A : memref<!tpu.dma_semaphore, #tpu.memory_space<semaphore_mem>>) src(%arg8 : memref<32xi32, #tpu.memory_space<vmem>>) dst(%dma_wait3A_518 : memref<32xi32, #tpu.memory_space<hbm>>)
      tpu.yield
    }) : () -> ()
    return
  }
}

</mosaic_0001>

<sc_bundles>
// kernel: _bin_call.3.cloned.1.call-start
scs
__scs_entry_jumppad:
0x0: {  	(pc) =	sbr.rel $0x88, $3  }
0x1: {  	(tag) =	ssettag $0x0;
	lr =	simm.s32 $0x1  }
0x2: {  	[smem:$0x3F9F] =	sst lr;
	_ =	strace $0xD0000000  }
0x3: {  	_ = 	snop  }
0x4: {  	_ = 	snop  }
0x5: {  	_ = 	snop  }
0x6: {  	_ = 	snop  }
0x7: {  	_ = 	snop  }
__scs_overlays_trampoline_lowered:
0x8: {  	[smem:$0x3FAE] =	sst s0  }
0x9: {  	[smem:$0x3FAF] =	sst s1  }
0xa: {  	[smem:$0x3FB0] =	sst s2  }
0xb: {  	[smem:$0x3FB1] =	sst s3  }
0xc: {  	[smem:$0x3FB2] =	sst s4  }
0xd: {  	[smem:$0x3FB3] =	sst s5  }
0xe: {  	[smem:$0x3FB4] =	sst s6  }
0xf: {  	[smem:$0x3FB5] =	sst s7  }
0x10: {  	[smem:$0x3FB6] =	sst s8  }
0x11: {  	[smem:$0x3FB7] =	sst s9;
	s0 =	simm.s32 @!p0 $0x0  }
0x12: {  	s1 =	sld [smem:$0x3F9D];
	s0 =	simm.s32 @p0 $0x1  }
0x13: {  	[smem:$0x3FB8] =	sst s0;
	s0 =	simm.s32 @!p1 $0x0  }
0x14: {  	s2 =	sld [smem:$0x3F9C];
	s0 =	simm.s32 @p1 $0x1  }
0x15: {  	[smem:$0x3FB9] =	sst s0;
	s0 =	simm.s32 @!p2 $0x0  }
0x16: {  	s3 =	sld [smem:$0x3FDB];
	s0 =	simm.s32 @p2 $0x1  }
0x17: {  	s4 =	simm.s32 $0x1BF5;
	[smem:$0x3FBB] =	sst s0  }
0x18: {  	s0 =	sld [smem:$0x3F9E];
	_ =	swait.ge [sflag:s4], $0x0  }
0x19: {  	s7 =	sld [smem:$0x3F9F]  }
0x1a: {  	s8 =	sadd.s32 $0xFFFFE003, lr  }
0x1b: {  	s9 =	sadd.s32 $0xFFFFFEF7, lr;
	s5 =	simm.s32 $0xFFFFFFFF;
	p2 =	slt.u32 s8, $0xFFFFF086  }
0x1c: {  	p1 =	slt.u32 s9, $0xF7A;
	s5 =	simm.s32 @!p2 $0x0  }
0x1d: {  	s5 =	simm.s32 @p1 $0x1;
	p0 =	seq.s32 s7, s2  }
0x1e: {  	s7 =	smul.u32 @!p0 $0xF7A, s2;
	p2 =	seq.s32 @!p0 s5, $0x0  }
0x1f: {  	s9 =	smul.u32 $0xF7A, s1;
	s8 =	simm.s32 @!p0 $0x1BF5;
	p2 =	por !p2, p0  }
0x20: {  	[sflag:s8] =	ssyncset.s32 @!p0 $0xFFFFF086;
	s6 =	sadd.s32 @!p0 s3, s7;
	s7 =	simm.s32 @!p0 $0x108  }
0x21: {  	s3 =	sadd.s32 s3, s9;
	s6 =	sadd.s32 @!p0 $0x88, s6;
	s7 =	simm.s32 @p2 $0x1082  }
0x22: {  	[simem:s7], [sflag:s8] =	dma.local @!p0 [hbm:s6], $0xF7A  }
0x23: {  	s9 =	sor.u32 $0xD0000000, s2;
	s6 =	simm.s32 $0x108;
	_ =	swait.ge @!p0 [sflag:s8], $0x0  }
0x24: {  	s3 =	sadd.s32 $0x88, s3;
	s6 =	simm.s32 @!p1 $0x1082;
	[sflag:s4] =	ssyncset.s32 $0xFFFFF086  }
0x25: {  	[simem:s6], [sflag:s4] =	dma.local [hbm:s3], $0xF7A  }
0x26: {  	[smem:$0x3F9F] =	sst s1;
	(tag) =	ssettag s2;
	_ =	strace s9  }
0x27: {  	s1 =	sld [smem:$0x3FAF]  }
0x28: {  	s2 =	sld [smem:$0x3FB0]  }
0x29: {  	s4 =	sld [smem:$0x3FB2]  }
0x2a: {  	p0 =	seq.s32 s5, $0x0;
	s5 =	sld [smem:$0x3FB3]  }
0x2b: {  	s6 =	sld [smem:$0x3FB4]  }
0x2c: {  	s7 =	sld [smem:$0x3FB5]  }
0x2d: {  	s3 =	simm.s32 $0x108;
	s8 =	sld [smem:$0x3FB6]  }
0x2e: {  	s3 =	simm.s32 @!p0 $0x1082;
	s9 =	sld [smem:$0x3FB7]  }
0x2f: {  	lr =	sadd.s32 s0, s3;
	s0 =	sld [smem:$0x3FAE]  }
0x30: {  	s3 =	sld [smem:$0x3FB1]  }
0x31: {  	[smem:$0x3FBA] =	sst s10  }
0x32: {  	s10 =	sld [smem:$0x3FB8];
	_ =	sdelay $0x3  }
0x33: {  	p0 =	seq.s32 s10, $0x1;
	s10 =	sld [smem:$0x3FBA];
	_ =	sdelay $0x3  }
0x34: {  	[smem:$0x3FBA] =	sst s10  }
0x35: {  	s10 =	sld [smem:$0x3FB9];
	_ =	sdelay $0x3  }
0x36: {  	p1 =	seq.s32 s10, $0x1;
	s10 =	sld [smem:$0x3FBA];
	_ =	sdelay $0x3  }
0x37: {  	[smem:$0x3FBA] =	sst s10  }
0x38: {  	s10 =	sld [smem:$0x3FBB]  }
0x39: {  	_ = 	snop;
	(pc) =	sbr.ind lr, $3  }
0x3a: {  	_ = 	snop  }
0x3b: {  	_ = 	snop  }
0x3c: {  	p2 =	seq.s32 s10, $0x1;
	s10 =	sld [smem:$0x3FBA]  }
0x3d: {  	_ =	shalt  }
0x3e: {  	_ =	shalt  }
0x3f: {  	_ =	shalt  }
0x40: {  	_ =	shalt  }
0x41: {  	_ =	shalt  }
0x42: {  	_ =	shalt  }
0x43: {  	_ =	shalt  }
0x44: {  	_ =	shalt  }
0x45: {  	_ =	shalt  }
0x46: {  	_ =	shalt  }
0x47: {  	_ =	shalt  }
0x48: {  	_ =	shalt  }
0x49: {  	_ =	shalt  }
0x4a: {  	_ =	shalt  }
0x4b: {  	_ =	shalt  }
0x4c: {  	_ =	shalt  }
0x4d: {  	_ =	shalt  }
0x4e: {  	_ =	shalt  }
0x4f: {  	_ =	shalt  }
0x50: {  	_ =	shalt  }
0x51: {  	_ =	shalt  }
0x52: {  	_ =	shalt  }
0x53: {  	_ =	shalt  }
0x54: {  	_ =	shalt  }
0x55: {  	_ =	shalt  }
0x56: {  	_ =	shalt  }
0x57: {  	_ =	shalt  }
0x58: {  	_ =	shalt  }
0x59: {  	_ =	shalt  }
0x5a: {  	_ =	shalt  }
0x5b: {  	_ =	shalt  }
0x5c: {  	_ =	shalt  }
0x5d: {  	_ =	shalt  }
0x5e: {  	_ =	shalt  }
0x5f: {  	_ =	shalt  }
0x60: {  	_ =	shalt  }
0x61: {  	_ =	shalt  }
0x62: {  	_ =	shalt  }
0x63: {  	_ =	shalt  }
0x64: {  	_ =	shalt  }
0x65: {  	_ =	shalt  }
0x66: {  	_ =	shalt  }
0x67: {  	_ =	shalt  }
0x68: {  	_ =	shalt  }
0x69: {  	_ =	shalt  }
0x6a: {  	_ =	shalt  }
0x6b: {  	_ =	shalt  }
0x6c: {  	_ =	shalt  }
0x6d: {  	_ =	shalt  }
0x6e: {  	_ =	shalt  }
0x6f: {  	_ =	shalt  }
0x70: {  	_ =	shalt  }
0x71: {  	_ =	shalt  }
0x72: {  	_ =	shalt  }
0x73: {  	_ =	shalt  }
0x74: {  	_ =	shalt  }
0x75: {  	_ =	shalt  }
0x76: {  	_ =	shalt  }
0x77: {  	_ =	shalt  }
0x78: {  	_ =	shalt  }
0x79: {  	_ =	shalt  }
0x7a: {  	_ =	shalt  }
0x7b: {  	_ =	shalt  }
0x7c: {  	_ =	shalt  }
0x7d: {  	_ =	shalt  }
0x7e: {  	_ =	shalt  }
0x7f: {  	_ =	shalt  }
0x80: {  	_ =	shalt  }
0x81: {  	_ =	shalt  }
0x82: {  	_ =	shalt  }
0x83: {  	_ =	shalt  }
0x84: {  	_ =	shalt  }
0x85: {  	_ =	shalt  }
0x86: {  	_ =	shalt  }
0x87: {  	_ =	shalt  }
.Lfunc_end0:
.L_simem_size_0:
called_computation_lowered:
.L_overlay_start_0:
0x88: {  	s2 =	sld [smem:$0x3FD9]  }
0x89: {  	s3 =	sld [smem:$0x3FFE];
	_ =	sdelay $0x1  }
0x8a: {  	s1 =	srdreg.scid  }
0x8b: {  	s0 =	sand.u32 $0x1, s1  }
0x8c: {  	s15 =	sshll.u32 s0, $0xA;
	s2 =	sadd.s32 s3, s2  }
0x8d: {  	s2 =	sadd.s32 s2, s15  }
0x8e: {  	[smem:$0x3FC6] =	sst s2  }
0x8f: {  	_ = 	snop  }
0x90: {  	s2 =	sld [smem:$0x3FD0];
	_ =	sdelay $0x1  }
0x91: {  	s16 =	sld [smem:$0x3FC9]  }
0x92: {  	s5 =	simm.s32 $0xA;
	s6 =	simm.s32 $0x10;
	s4 =	sld [smem:$0x3FC8]  }
0x93: {  	[smem:s6], [sflag:s5] =	dma.local [hbm:s2], $0x1  }
0x94: {  	_ =	swait.eq [sflag:s5], $0x1  }
0x95: {  	[sflag:s5] =	ssyncset.done $0x0  }
0x96: {  	s17 =	sld [smem:$0x10];
	[sflag:s5] =	ssyncadd.s32 $0xFFFFFFFF  }
0x97: {  	s18 =	sld [smem:$0x11];
	(tm) =	ssettm $0x1  }
0x98: {  	s19 =	sld [smem:$0x3FFB];
	_ =	sdelay $0x3  }
0x99: {  	_ =	strace s19  }
0x9a: {  	s6 =	sld [smem:$0x3FFC];
	_ =	sdelay $0x3  }
0x9b: {  	_ =	strace s6  }
0x9c: {  	s6 =	sld [smem:$0x3FFD];
	_ =	sdelay $0x3  }
0x9d: {  	_ =	strace s6  }
0x9e: {  	_ =	strace $0x8FFFFFFF  }
0x9f: {  	s20 =	sld [smem:$0x3FDB];
	_ =	sdelay $0x1  }
0xa0: {  	s7 =	simm.s32 $_scs_section_size  }
0xa1: {  	s8 =	simm.s32 $_size__tile_overlayer_lowered;
	s9 =	simm.s32 $_tile_overlayer_lowered  }
0xa2: {  	s23 =	simm.s32 $0x1BFF;
	s22 =	sshll.u32 s9, $0x1;
	s6 =	sadd.s32 s7, s20  }
0xa3: {  	s10 =	simm.s32 $0x0;
	s21 =	sshll.u32 s8, $0x1;
	s8 =	sadd.s32 s22, s6  }
0xa4: {  	[timem:s10], [sflag:s23] =	dma.local [hbm:s8], s21  }
0xa5: {  	_ =	swait.ge [sflag:s23], s21  }
0xa6: {  	s7 =	ssub.s32 $0x0, s21;
	[sflag:s23] =	ssyncset.done $0x0  }
0xa7: {  	[sflag:s23] =	ssyncadd.s32 s7;
	_ =	sdelay $0x1  }
0xa8: {  	s24 =	simm.s32 $0x1B8B  }
0xa9: {  	_ =	swait.ge [sflag:s24], $0x1  }
0xaa: {  	[sflag:s24] =	ssyncset.done $0x0  }
0xab: {  	s25 =	simm.s32 $0x1B8E;
	[sflag:s24] =	ssyncadd.s32 $0xFFFFFFFF  }
0xac: {  	s26 =	simm.s32 $execute0_lowered;
	[smem:$0x3FD2] =	sst s25  }
0xad: {  	s7 =	sshll.u32 s26, $0x1;
	_ =	strace $0x80000046;
	[dreg:$0x1] =	wrdreg $0xFFFFFFFF  }
0xae: {  	s28 =	simm.s32 $_size_execute0_lowered;
	s6 =	sadd.s32 s6, s7;
	[dreg:$0x0] =	wrdreg $0x0  }
0xaf: {  	s7 =	sshll.u32 s28, $0x1;
	[dreg:$0x2] =	wrdreg s6  }
0xb0: {  	[dreg:$0x3] =	wrdreg s7  }
0xb1: {  	[dreg:$0x4] =	wrdreg $0xC0  }
0xb2: {  	_ =	task [dreg:s10], $0x5FFFF  }
0xb3: {  	[dreg:$0x1] =	wrdreg $0xFFFFFFFF  }
0xb4: {  	[dreg:$0x0] =	wrdreg $0x60  }
0xb5: {  	[dreg:$0x2] =	wrdreg s16  }
0xb6: {  	[dreg:$0x3] =	wrdreg s4  }
0xb7: {  	[dreg:$0x4] =	wrdreg s17  }
0xb8: {  	[dreg:$0x5] =	wrdreg s18  }
0xb9: {  	[dreg:$0x6] =	wrdreg $0x9  }
0xba: {  	_ =	task.clear_ibuf [dreg:s10], $0x7FFFF;
	_ =	strace $0x90000046  }
0xbb: {  	s29 =	simm.s32 $0x9;
	_ =	strace $0x80000048  }
0xbc: {  	_ =	swait.ge [sflag:s29], $0x1  }
0xbd: {  	[sflag:s29] =	ssyncadd.s32 $0xFFFFFFFF  }
0xbe: {  	_ =	strace $0x90000048  }
0xbf: {  	_ =	sfence  }
0xc0: {  	s30 =	sld [smem:$0x0];
	_ =	sdelay $0x2  }
0xc1: {  	s31 =	sshll.u32 s1, $0xD;
	s1 =	sshrl.u32 s1, $0x2  }
0xc2: {  	s3 =	sand.u32 $0x4000, s31;
	s1 =	sadd.s32 s1, s30  }
0xc3: {  	s0 =	sor.u32 s3, s0;
	s1 =	sshll.u32 s1, $0x11  }
0xc4: {  	s0 =	sor.u32 s1, s0  }
0xc5: {  	s0 =	sadd.s32 $0x8F2B, s0  }
0xc6: {  	[sflag:s0] =	ssyncadd.remote.s32 $0x1  }
0xc7: {  	_ =	sfence.sel $0xFFFF  }
0xc8: {  	[dreg:$0x0] =	wrdreg $0xFFFFFFFF;
	(pc) =	sbr.abs _section_cstart, $3  }
0xc9: {  	[dreg:$0x1] =	wrdreg $0xFFFFFFFF  }
0xca: {  	_ =	task.clear_ibuf [dreg:s10], $0x2FFFF;
	_ =	strace $0x9FFFFFFF  }
0xcb: {  	(tm) =	ssettm $0x7FFFFFFF  }
tec
execute0_lowered:
.L_overlay_start_1:
0x0: {  	(tag) =	ssettag $0x1  }
0x1: {  	s3 =	rddreg [dreg:$0x0]  }
0x2: {  	s4 =	rddreg [dreg:$0x1]  }
0x3: {  	s6 =	rddreg [dreg:$0x2]  }
0x4: {  	s7 =	rddreg [dreg:$0x3]  }
0x5: {  	s0 =	rddreg [dreg:$0x4];
	s5 =	srdreg.scid  }
0x6: {  	s2 =	simm.s32 $0x0;
	s1 =	stileid.u32;
	s12 =	simm.s32 $0x1400  }
0x7: {  	s13 =	simm.s32 $0x0;
	s5 =	sand.u32 $0x1, s5;
	s9 =	sshll.u32 s1, $0x1  }
0x8: {  	[smem:$0x7FF] =	sst s2;
	s8 =	ssub.s32 $0x2, s5;
	s5 =	sor.u32 s5, s9  }
0x9: {  	_ =	strace $0x80000047;
	s10 =	sshrl.u32 s8, $0x1;
	s11 =	sshll.u32 s5, $0x9  }
0xa: {  	s9 =	sshll.u32 s5, $0x6;
	s31 =	sshll.u32 s5, $0x2;
	s8 =	ssub.s32 s8, s10  }
0xb: {  	s3 =	sadd.s32 s3, s9;
	s4 =	sadd.s32 s4, s9;
	s5 =	sor.u32 $0x4000, s11  }
0xc: {  	v0 =	vlaneseq.u32;
	s6 =	sadd.s32 s6, s11;
	s7 =	sadd.s32 s7, s31;
	s9 =	simm.s32 $0x1  }
0xd: {  	v2 =	vor.u32 $0xFFFFFE00, v0;
	s10 =	simm.s32 $0x200;
	v1 =	vor.u32 s11, v0;
	s11 =	simm.s32 $0x400;
	s8 =	smax.u32 s8, $0x1  }
.LBB2_1:
0xe: {  	[tilespmem:s2], [sflag:$0x1] =	stream.linear.gather [hbm4b:s3+s2], $0x200, $0x38;
	[tilespmem:$0x1480] =	vst v63  }
0xf: {  	_ =	swait.ge [sflag:s9], $0x200  }
0x10: {  	[sflag:s9] =	ssyncset.done $0x0  }
0x11: {  	[sflag:s9] =	ssyncadd.s32 $0xFFFFFE00  }
0x12: {  	[tilespmem:s10], [sflag:$0x1] =	stream.linear.gather [hbm4b:s4+s2], $0x200, $0x38;
	[tilespmem:$0x1480] =	vst v63  }
0x13: {  	_ =	swait.ge [sflag:s9], $0x200  }
0x14: {  	[sflag:s9] =	ssyncset.done $0x0  }
0x15: {  	[sflag:s9] =	ssyncadd.s32 $0xFFFFFE00  }
0x16: {  	v3 =	vld [tilespmem:s2+$0x0];
	_ =	sdelay $0x4  }
0x17: {  	v4 =	vand.u32 $0xF80, v3  }
0x18: {  	vm0 =	veq.s32 v4, $0x0  }
0x19: {  	v4 =	vmpcnt.ones.xlane vm0;
	_ =	sdelay $0x1  }
0x1a: {  	v5 =	vmov s2;
	v6 =	vadd.s32 s2, v1;
	s14 =	sadd.s32 $0x0, s5;
	(v2sf) =	vpush v4, $0x0  }
0x1b: {  	v7 =	vadd.s32 s14, v2;
	vm1 =	vlt.u32 v5, $0x200;
	v4 =	vshll.u32 v3, $0xF  }
0x1c: {  	v5 =	vsel vm1, v6, v7;
	v3 =	vshll.u32 v3, $0xA;
	v4 =	vand.u32 $0x3F8000, v4  }
0x1d: {  	v3 =	vand.u32 $0xFFC00000, v3;
	v4 =	vor.u32 v5, v4  }
0x1e: {  	v3 =	vor.u32 v3, v4  }
0x1f: {  	s14 =	simm.s32 $0x10;
	[tilespmem:s2+$0x400] =	vst.msk vm0, v3  }
0x20: {  	v3 =	vld [tilespmem:s14+$0x0];
	_ =	sdelay $0x2  }
0x21: {  	s15 =	sadd.s32 $0x10, s5  }
0x22: {  	v62 =	vadd.s32 s15, v2;
	v4 =	vmov s14  }
0x23: {  	v5 =	vadd.s32 s14, v1;
	vm1 =	vlt.u32 v4, $0x200;
	v60 =	vand.u32 $0xF80, v3  }
0x24: {  	v61 =	vshll.u32 v3, $0xA;
	v3 =	vshll.u32 v3, $0xF;
	vm0 =	veq.s32 v60, $0x0  }
0x25: {  	v5 =	vsel vm1, v5, v62;
	v3 =	vand.u32 $0x3F8000, v3;
	v4 =	vmpcnt.ones.xlane vm0  }
0x26: {  	v63 =	vand.u32 $0xFFC00000, v61;
	v3 =	vor.u32 v5, v3  }
0x27: {  	s16 =	simm.s32 $0x0;
	s15 =	simm.s32 $0x20;
	v3 =	vor.u32 v63, v3;
	(v2sf) =	vpush v4, $0x0;
	s17 =	spop (v2sf)  }
.LBB2_2:
0x28: {  	p0 =	sne.s32 s15, $0x3F0  }
0x29: {  	s16 =	sadd.s32 s16, s17;
	s17 =	smov.u32 s15;
	s15 =	sadd.s32 $0x10, s15  }
0x2a: {  	[tilespmem:s16+$0x400] =	vst.msk vm0, v3  }
0x2b: {  	s14 =	sadd.s32 $0x10, s14  }
0x2c: {  	v3 =	vld [tilespmem:s14+$0x0];
	_ =	sdelay $0x3  }
0x2d: {  	v4 =	vmov s17;
	v5 =	vadd.s32 s17, v1  }
0x2e: {  	s17 =	sadd.s32 s5, s17;
	v6 =	vand.u32 $0xF80, v3;
	v7 =	vshll.u32 v3, $0xA;
	v3 =	vshll.u32 v3, $0xF  }
.Ltmp0:
0x2f: {  	vm0 =	veq.s32 v6, $0x0;
	v6 =	vadd.s32 s17, v2;
	v3 =	vand.u32 $0x3F8000, v3;
	(pc) =	sbr.rel @p0 .LBB2_2-.Ltmp0, $4  }
0x30: {  	vm1 =	vlt.u32 v4, $0x200;
	v4 =	vand.u32 $0xFFC00000, v7;
	v7 =	vmpcnt.ones.xlane vm0  }
0x31: {  	v5 =	vsel vm1, v5, v6  }
0x32: {  	v3 =	vor.u32 v5, v3;
	(v2sf) =	vpush v7, $0x0  }
0x33: {  	v3 =	vor.u32 v4, v3;
	s17 =	spop (v2sf)  }
0x34: {  	_ =	sdelay $0x7  }
0x35: {  	s14 =	sadd.s32 s16, s17  }
0x36: {  	[tilespmem:s14+$0x400] =	vst.msk vm0, v3  }
0x37: {  	v3 =	vld [tilespmem:$0x1400];
	_ =	sdelay $0x2  }
0x38: {  	s15 =	spop (v2sf)  }
0x39: {  	vm0 =	veq.s32 v0, $0x0;
	s14 =	sadd.s32 s14, s15  }
0x3a: {  	v3 =	vsel vm0, s14, v3  }
0x3b: {  	s14 =	simm.s32 $0x0;
	[tilespmem:$0x1400] =	vst v3  }
0x3c: {  	v3 =	vld [tilespmem:s14+$0x0];
	_ =	sdelay $0x4  }
0x3d: {  	v4 =	vand.u32 $0xF80, v3  }
0x3e: {  	vm0 =	veq.s32 v4, $0x80  }
0x3f: {  	v4 =	vmpcnt.ones.xlane vm0  }
0x40: {  	s30 =	sadd.s32 $0x0, s5  }
0x41: {  	v7 =	vadd.s32 s30, v2;
	v5 =	vmov s14;
	(v2sf) =	vpush v4, $0x0  }
0x42: {  	v6 =	vadd.s32 s14, v1;
	vm1 =	vlt.u32 v5, $0x200;
	v4 =	vshll.u32 v3, $0xF  }
0x43: {  	v5 =	vsel vm1, v6, v7;
	v3 =	vshll.u32 v3, $0xA;
	v4 =	vand.u32 $0x3F8000, v4  }
0x44: {  	v3 =	vand.u32 $0xFFC00000, v3;
	v4 =	vor.u32 v5, v4  }
0x45: {  	v3 =	vor.u32 v3, v4  }
0x46: {  	s15 =	simm.s32 $0x10;
	[tilespmem:s14+$0x480] =	vst.msk vm0, v3  }
0x47: {  	v3 =	vld [tilespmem:s15+$0x0];
	_ =	sdelay $0x2  }
0x48: {  	s31 =	sadd.s32 $0x10, s5  }
0x49: {  	v62 =	vadd.s32 s31, v2;
	v4 =	vmov s15  }
0x4a: {  	v5 =	vadd.s32 s15, v1;
	vm1 =	vlt.u32 v4, $0x200;
	v60 =	vand.u32 $0xF80, v3  }
0x4b: {  	v61 =	vshll.u32 v3, $0xA;
	v3 =	vshll.u32 v3, $0xF;
	vm0 =	veq.s32 v60, $0x80  }
0x4c: {  	v5 =	vsel vm1, v5, v62;
	v3 =	vand.u32 $0x3F8000, v3;
	v4 =	vmpcnt.ones.xlane vm0  }
0x4d: {  	v63 =	vand.u32 $0xFFC00000, v61;
	v3 =	vor.u32 v5, v3  }
0x4e: {  	s16 =	simm.s32 $0x20;
	v3 =	vor.u32 v63, v3;
	(v2sf) =	vpush v4, $0x0;
	s17 =	spop (v2sf)  }
.LBB2_4:
0x4f: {  	p0 =	sne.s32 s16, $0x3F0  }
0x50: {  	s14 =	sadd.s32 s14, s17;
	s17 =	smov.u32 s16;
	s16 =	sadd.s32 $0x10, s16  }
0x51: {  	[tilespmem:s14+$0x480] =	vst.msk vm0, v3  }
0x52: {  	s15 =	sadd.s32 $0x10, s15  }
0x53: {  	v3 =	vld [tilespmem:s15+$0x0];
	_ =	sdelay $0x3  }
0x54: {  	v4 =	vmov s17;
	v5 =	vadd.s32 s17, v1  }
0x55: {  	s17 =	sadd.s32 s5, s17;
	v6 =	vand.u32 $0xF80, v3;
	v7 =	vshll.u32 v3, $0xA;
	v3 =	vshll.u32 v3, $0xF  }
.Ltmp1:
0x56: {  	vm0 =	veq.s32 v6, $0x80;
	v6 =	vadd.s32 s17, v2;
	v3 =	vand.u32 $0x3F8000, v3;
	(pc) =	sbr.rel @p0 .LBB2_4-.Ltmp1, $4  }
0x57: {  	vm1 =	vlt.u32 v4, $0x200;
	v4 =	vand.u32 $0xFFC00000, v7;
	v7 =	vmpcnt.ones.xlane vm0  }
0x58: {  	v5 =	vsel vm1, v5, v6  }
0x59: {  	v3 =	vor.u32 v5, v3;
	(v2sf) =	vpush v7, $0x0  }
0x5a: {  	v3 =	vor.u32 v4, v3;
	s17 =	spop (v2sf)  }
0x5b: {  	_ =	sdelay $0x7  }
0x5c: {  	s14 =	sadd.s32 s14, s17  }
0x5d: {  	[tilespmem:s14+$0x480] =	vst.msk vm0, v3  }
0x5e: {  	v3 =	vld [tilespmem:$0x1400];
	_ =	sdelay $0x2  }
0x5f: {  	s15 =	spop (v2sf)  }
0x60: {  	vm0 =	veq.s32 v0, $0x1;
	s14 =	sadd.s32 s14, s15  }
0x61: {  	v3 =	vsel vm0, s14, v3  }
0x62: {  	s14 =	simm.s32 $0x0;
	[tilespmem:$0x1400] =	vst v3  }
0x63: {  	v3 =	vld [tilespmem:s14+$0x0];
	_ =	sdelay $0x4  }
0x64: {  	v4 =	vand.u32 $0xF80, v3  }
0x65: {  	vm0 =	veq.s32 v4, $0x100  }
0x66: {  	v4 =	vmpcnt.ones.xlane vm0  }
0x67: {  	s31 =	sadd.s32 $0x0, s5  }
0x68: {  	v7 =	vadd.s32 s31, v2;
	v5 =	vmov s14;
	(v2sf) =	vpush v4, $0x0  }
0x69: {  	v6 =	vadd.s32 s14, v1;
	vm1 =	vlt.u32 v5, $0x200;
	v4 =	vshll.u32 v3, $0xF  }
0x6a: {  	v5 =	vsel vm1, v6, v7;
	v3 =	vshll.u32 v3, $0xA;
	v4 =	vand.u32 $0x3F8000, v4  }
0x6b: {  	v3 =	vand.u32 $0xFFC00000, v3;
	v4 =	vor.u32 v5, v4  }
0x6c: {  	v3 =	vor.u32 v3, v4  }
0x6d: {  	s15 =	simm.s32 $0x10;
	[tilespmem:s14+$0x500] =	vst.msk vm0, v3  }
0x6e: {  	v3 =	vld [tilespmem:s15+$0x0];
	_ =	sdelay $0x2  }
0x6f: {  	s16 =	sadd.s32 $0x10, s5  }
0x70: {  	v62 =	vadd.s32 s16, v2;
	v4 =	vmov s15  }
0x71: {  	v5 =	vadd.s32 s15, v1;
	vm1 =	vlt.u32 v4, $0x200;
	v60 =	vand.u32 $0xF80, v3  }
0x72: {  	v61 =	vshll.u32 v3, $0xA;
	v3 =	vshll.u32 v3, $0xF;
	vm0 =	veq.s32 v60, $0x100  }
0x73: {  	v5 =	vsel vm1, v5, v62;
	v3 =	vand.u32 $0x3F8000, v3;
	v4 =	vmpcnt.ones.xlane vm0  }
0x74: {  	v63 =	vand.u32 $0xFFC00000, v61;
	v3 =	vor.u32 v5, v3  }
0x75: {  	s16 =	simm.s32 $0x20;
	v3 =	vor.u32 v63, v3;
	(v2sf) =	vpush v4, $0x0;
	s17 =	spop (v2sf)  }
.LBB2_6:
0x76: {  	p0 =	sne.s32 s16, $0x3F0  }
0x77: {  	s14 =	sadd.s32 s14, s17;
	s17 =	smov.u32 s16;
	s16 =	sadd.s32 $0x10, s16  }
0x78: {  	[tilespmem:s14+$0x500] =	vst.msk vm0, v3  }
0x79: {  	s15 =	sadd.s32 $0x10, s15  }
0x7a: {  	v3 =	vld [tilespmem:s15+$0x0];
	_ =	sdelay $0x3  }
0x7b: {  	v4 =	vmov s17;
	v5 =	vadd.s32 s17, v1  }
0x7c: {  	s17 =	sadd.s32 s5, s17;
	v6 =	vand.u32 $0xF80, v3;
	v7 =	vshll.u32 v3, $0xA;
	v3 =	vshll.u32 v3, $0xF  }
.Ltmp2:
0x7d: {  	vm0 =	veq.s32 v6, $0x100;
	v6 =	vadd.s32 s17, v2;
	v3 =	vand.u32 $0x3F8000, v3;
	(pc) =	sbr.rel @p0 .LBB2_6-.Ltmp2, $4  }
0x7e: {  	vm1 =	vlt.u32 v4, $0x200;
	v4 =	vand.u32 $0xFFC00000, v7;
	v7 =	vmpcnt.ones.xlane vm0  }
0x7f: {  	v5 =	vsel vm1, v5, v6  }
0x80: {  	v3 =	vor.u32 v5, v3;
	(v2sf) =	vpush v7, $0x0  }
0x81: {  	v3 =	vor.u32 v4, v3;
	s17 =	spop (v2sf)  }
0x82: {  	_ =	sdelay $0x7  }
0x83: {  	s14 =	sadd.s32 s14, s17  }
0x84: {  	[tilespmem:s14+$0x500] =	vst.msk vm0, v3  }
0x85: {  	v3 =	vld [tilespmem:$0x1400];
	_ =	sdelay $0x2  }
0x86: {  	s15 =	spop (v2sf)  }
0x87: {  	vm0 =	veq.s32 v0, $0x2;
	s14 =	sadd.s32 s14, s15  }
0x88: {  	v3 =	vsel vm0, s14, v3  }
0x89: {  	s14 =	simm.s32 $0x0;
	[tilespmem:$0x1400] =	vst v3  }
0x8a: {  	v3 =	vld [tilespmem:s14+$0x0];
	_ =	sdelay $0x4  }
0x8b: {  	v4 =	vand.u32 $0xF80, v3  }
0x8c: {  	vm0 =	veq.s32 v4, $0x180  }
0x8d: {  	v4 =	vmpcnt.ones.xlane vm0  }
0x8e: {  	s31 =	sadd.s32 $0x0, s5  }
0x8f: {  	v7 =	vadd.s32 s31, v2;
	v5 =	vmov s14;
	(v2sf) =	vpush v4, $0x0  }
0x90: {  	v6 =	vadd.s32 s14, v1;
	vm1 =	vlt.u32 v5, $0x200;
	v4 =	vshll.u32 v3, $0xF  }
0x91: {  	v5 =	vsel vm1, v6, v7;
	v3 =	vshll.u32 v3, $0xA;
	v4 =	vand.u32 $0x3F8000, v4  }
0x92: {  	v3 =	vand.u32 $0xFFC00000, v3;
	v4 =	vor.u32 v5, v4  }
0x93: {  	v3 =	vor.u32 v3, v4  }
0x94: {  	s15 =	simm.s32 $0x10;
	[tilespmem:s14+$0x580] =	vst.msk vm0, v3  }
0x95: {  	v3 =	vld [tilespmem:s15+$0x0];
	_ =	sdelay $0x2  }
0x96: {  	s16 =	sadd.s32 $0x10, s5  }
0x97: {  	v62 =	vadd.s32 s16, v2;
	v4 =	vmov s15  }
0x98: {  	v5 =	vadd.s32 s15, v1;
	vm1 =	vlt.u32 v4, $0x200;
	v60 =	vand.u32 $0xF80, v3  }
0x99: {  	v61 =	vshll.u32 v3, $0xA;
	v3 =	vshll.u32 v3, $0xF;
	vm0 =	veq.s32 v60, $0x180  }
0x9a: {  	v5 =	vsel vm1, v5, v62;
	v3 =	vand.u32 $0x3F8000, v3;
	v4 =	vmpcnt.ones.xlane vm0  }
0x9b: {  	v63 =	vand.u32 $0xFFC00000, v61;
	v3 =	vor.u32 v5, v3  }
0x9c: {  	s16 =	simm.s32 $0x20;
	v3 =	vor.u32 v63, v3;
	(v2sf) =	vpush v4, $0x0;
	s17 =	spop (v2sf)  }
.LBB2_8:
0x9d: {  	p0 =	sne.s32 s16, $0x3F0  }
0x9e: {  	s14 =	sadd.s32 s14, s17;
	s17 =	smov.u32 s16;
	s16 =	sadd.s32 $0x10, s16  }
0x9f: {  	[tilespmem:s14+$0x580] =	vst.msk vm0, v3  }
0xa0: {  	s15 =	sadd.s32 $0x10, s15  }
0xa1: {  	v3 =	vld [tilespmem:s15+$0x0];
	_ =	sdelay $0x3  }
0xa2: {  	v4 =	vmov s17;
	v5 =	vadd.s32 s17, v1  }
0xa3: {  	s17 =	sadd.s32 s5, s17;
	v6 =	vand.u32 $0xF80, v3;
	v7 =	vshll.u32 v3, $0xA;
	v3 =	vshll.u32 v3, $0xF  }
.Ltmp3:
0xa4: {  	vm0 =	veq.s32 v6, $0x180;
	v6 =	vadd.s32 s17, v2;
	v3 =	vand.u32 $0x3F8000, v3;
	(pc) =	sbr.rel @p0 .LBB2_8-.Ltmp3, $4  }
0xa5: {  	vm1 =	vlt.u32 v4, $0x200;
	v4 =	vand.u32 $0xFFC00000, v7;
	v7 =	vmpcnt.ones.xlane vm0  }
0xa6: {  	v5 =	vsel vm1, v5, v6  }
0xa7: {  	v3 =	vor.u32 v5, v3;
	(v2sf) =	vpush v7, $0x0  }
0xa8: {  	v3 =	vor.u32 v4, v3;
	s17 =	spop (v2sf)  }
0xa9: {  	_ =	sdelay $0x7  }
0xaa: {  	s14 =	sadd.s32 s14, s17  }
0xab: {  	[tilespmem:s14+$0x580] =	vst.msk vm0, v3  }
0xac: {  	v3 =	vld [tilespmem:$0x1400];
	_ =	sdelay $0x2  }
0xad: {  	s15 =	spop (v2sf)  }
0xae: {  	vm0 =	veq.s32 v0, $0x3;
	s14 =	sadd.s32 s14, s15  }
0xaf: {  	v3 =	vsel vm0, s14, v3  }
0xb0: {  	s14 =	simm.s32 $0x0;
	[tilespmem:$0x1400] =	vst v3  }
0xb1: {  	v3 =	vld [tilespmem:s14+$0x0];
	_ =	sdelay $0x4  }
0xb2: {  	v4 =	vand.u32 $0xF80, v3  }
0xb3: {  	vm0 =	veq.s32 v4, $0x200  }
0xb4: {  	v4 =	vmpcnt.ones.xlane vm0  }
0xb5: {  	s31 =	sadd.s32 $0x0, s5  }
0xb6: {  	v7 =	vadd.s32 s31, v2;
	v5 =	vmov s14;
	(v2sf) =	vpush v4, $0x0  }
0xb7: {  	v6 =	vadd.s32 s14, v1;
	vm1 =	vlt.u32 v5, $0x200;
	v4 =	vshll.u32 v3, $0xF  }
0xb8: {  	v5 =	vsel vm1, v6, v7;
	v3 =	vshll.u32 v3, $0xA;
	v4 =	vand.u32 $0x3F8000, v4  }
0xb9: {  	v3 =	vand.u32 $0xFFC00000, v3;
	v4 =	vor.u32 v5, v4  }
0xba: {  	v3 =	vor.u32 v3, v4  }
0xbb: {  	s15 =	simm.s32 $0x10;
	[tilespmem:s14+$0x600] =	vst.msk vm0, v3  }
0xbc: {  	v3 =	vld [tilespmem:s15+$0x0];
	_ =	sdelay $0x2  }
0xbd: {  	s16 =	sadd.s32 $0x10, s5  }
0xbe: {  	v62 =	vadd.s32 s16, v2;
	v4 =	vmov s15  }
0xbf: {  	v5 =	vadd.s32 s15, v1;
	vm1 =	vlt.u32 v4, $0x200;
	v60 =	vand.u32 $0xF80, v3  }
0xc0: {  	v61 =	vshll.u32 v3, $0xA;
	v3 =	vshll.u32 v3, $0xF;
	vm0 =	veq.s32 v60, $0x200  }
0xc1: {  	v5 =	vsel vm1, v5, v62;
	v3 =	vand.u32 $0x3F8000, v3;
	v4 =	vmpcnt.ones.xlane vm0  }
0xc2: {  	v63 =	vand.u32 $0xFFC00000, v61;
	v3 =	vor.u32 v5, v3  }
0xc3: {  	s16 =	simm.s32 $0x20;
	v3 =	vor.u32 v63, v3;
	(v2sf) =	vpush v4, $0x0;
	s17 =	spop (v2sf)  }
.LBB2_10:
0xc4: {  	p0 =	sne.s32 s16, $0x3F0  }
0xc5: {  	s14 =	sadd.s32 s14, s17;
	s17 =	smov.u32 s16;
	s16 =	sadd.s32 $0x10, s16  }
0xc6: {  	[tilespmem:s14+$0x600] =	vst.msk vm0, v3  }
0xc7: {  	s15 =	sadd.s32 $0x10, s15  }
0xc8: {  	v3 =	vld [tilespmem:s15+$0x0];
	_ =	sdelay $0x3  }
0xc9: {  	v4 =	vmov s17;
	v5 =	vadd.s32 s17, v1  }
0xca: {  	s17 =	sadd.s32 s5, s17;
	v6 =	vand.u32 $0xF80, v3;
	v7 =	vshll.u32 v3, $0xA;
	v3 =	vshll.u32 v3, $0xF  }
.Ltmp4:
0xcb: {  	vm0 =	veq.s32 v6, $0x200;
	v6 =	vadd.s32 s17, v2;
	v3 =	vand.u32 $0x3F8000, v3;
	(pc) =	sbr.rel @p0 .LBB2_10-.Ltmp4, $4  }
0xcc: {  	vm1 =	vlt.u32 v4, $0x200;
	v4 =	vand.u32 $0xFFC00000, v7;
	v7 =	vmpcnt.ones.xlane vm0  }
0xcd: {  	v5 =	vsel vm1, v5, v6  }
0xce: {  	v3 =	vor.u32 v5, v3;
	(v2sf) =	vpush v7, $0x0  }
0xcf: {  	v3 =	vor.u32 v4, v3;
	s17 =	spop (v2sf)  }
0xd0: {  	_ =	sdelay $0x7  }
0xd1: {  	s14 =	sadd.s32 s14, s17  }
0xd2: {  	[tilespmem:s14+$0x600] =	vst.msk vm0, v3  }
0xd3: {  	v3 =	vld [tilespmem:$0x1400];
	_ =	sdelay $0x2  }
0xd4: {  	s15 =	spop (v2sf)  }
0xd5: {  	vm0 =	veq.s32 v0, $0x4;
	s14 =	sadd.s32 s14, s15  }
0xd6: {  	v3 =	vsel vm0, s14, v3  }
0xd7: {  	s14 =	simm.s32 $0x0;
	[tilespmem:$0x1400] =	vst v3  }
0xd8: {  	v3 =	vld [tilespmem:s14+$0x0];
	_ =	sdelay $0x4  }
0xd9: {  	v4 =	vand.u32 $0xF80, v3  }
0xda: {  	vm0 =	veq.s32 v4, $0x280  }
0xdb: {  	v4 =	vmpcnt.ones.xlane vm0  }
0xdc: {  	s31 =	sadd.s32 $0x0, s5  }
0xdd: {  	v7 =	vadd.s32 s31, v2;
	v5 =	vmov s14;
	(v2sf) =	vpush v4, $0x0  }
0xde: {  	v6 =	vadd.s32 s14, v1;
	vm1 =	vlt.u32 v5, $0x200;
	v4 =	vshll.u32 v3, $0xF  }
0xdf: {  	v5 =	vsel vm1, v6, v7;
	v3 =	vshll.u32 v3, $0xA;
	v4 =	vand.u32 $0x3F8000, v4  }
0xe0: {  	v3 =	vand.u32 $0xFFC00000, v3;
	v4 =	vor.u32 v5, v4  }
0xe1: {  	v3 =	vor.u32 v3, v4  }
0xe2: {  	s15 =	simm.s32 $0x10;
	[tilespmem:s14+$0x680] =	vst.msk vm0, v3  }
0xe3: {  	v3 =	vld [tilespmem:s15+$0x0];
	_ =	sdelay $0x2  }
0xe4: {  	s16 =	sadd.s32 $0x10, s5  }
0xe5: {  	v62 =	vadd.s32 s16, v2;
	v4 =	vmov s15  }
0xe6: {  	v5 =	vadd.s32 s15, v1;
	vm1 =	vlt.u32 v4, $0x200;
	v60 =	vand.u32 $0xF80, v3  }
0xe7: {  	v61 =	vshll.u32 v3, $0xA;
	v3 =	vshll.u32 v3, $0xF;
	vm0 =	veq.s32 v60, $0x280  }
0xe8: {  	v5 =	vsel vm1, v5, v62;
	v3 =	vand.u32 $0x3F8000, v3;
	v4 =	vmpcnt.ones.xlane vm0  }
0xe9: {  	v63 =	vand.u32 $0xFFC00000, v61;
	v3 =	vor.u32 v5, v3  }
0xea: {  	s16 =	simm.s32 $0x20;
	v3 =	vor.u32 v63, v3;
	(v2sf) =	vpush v4, $0x0;
	s17 =	spop (v2sf)  }
.LBB2_12:
0xeb: {  	p0 =	sne.s32 s16, $0x3F0  }
0xec: {  	s14 =	sadd.s32 s14, s17;
	s17 =	smov.u32 s16;
	s16 =	sadd.s32 $0x10, s16  }
0xed: {  	[tilespmem:s14+$0x680] =	vst.msk vm0, v3  }
0xee: {  	s15 =	sadd.s32 $0x10, s15  }
0xef: {  	v3 =	vld [tilespmem:s15+$0x0];
	_ =	sdelay $0x3  }
0xf0: {  	v4 =	vmov s17;
	v5 =	vadd.s32 s17, v1  }
0xf1: {  	s17 =	sadd.s32 s5, s17;
	v6 =	vand.u32 $0xF80, v3;
	v7 =	vshll.u32 v3, $0xA;
	v3 =	vshll.u32 v3, $0xF  }
.Ltmp5:
0xf2: {  	vm0 =	veq.s32 v6, $0x280;
	v6 =	vadd.s32 s17, v2;
	v3 =	vand.u32 $0x3F8000, v3;
	(pc) =	sbr.rel @p0 .LBB2_12-.Ltmp5, $4  }
0xf3: {  	vm1 =	vlt.u32 v4, $0x200;
	v4 =	vand.u32 $0xFFC00000, v7;
	v7 =	vmpcnt.ones.xlane vm0  }
0xf4: {  	v5 =	vsel vm1, v5, v6  }
0xf5: {  	v3 =	vor.u32 v5, v3;
	(v2sf) =	vpush v7, $0x0  }
0xf6: {  	v3 =	vor.u32 v4, v3;
	s17 =	spop (v2sf)  }
0xf7: {  	_ =	sdelay $0x7  }
0xf8: {  	s14 =	sadd.s32 s14, s17  }
0xf9: {  	[tilespmem:s14+$0x680] =	vst.msk vm0, v3  }
0xfa: {  	v3 =	vld [tilespmem:$0x1400];
	_ =	sdelay $0x2  }
0xfb: {  	s15 =	spop (v2sf)  }
0xfc: {  	vm0 =	veq.s32 v0, $0x5;
	s14 =	sadd.s32 s14, s15  }
0xfd: {  	v3 =	vsel vm0, s14, v3  }
0xfe: {  	s14 =	simm.s32 $0x0;
	[tilespmem:$0x1400] =	vst v3  }
0xff: {  	v3 =	vld [tilespmem:s14+$0x0];
	_ =	sdelay $0x4  }
0x100: {  	v4 =	vand.u32 $0xF80, v3  }
0x101: {  	vm0 =	veq.s32 v4, $0x300  }
0x102: {  	v4 =	vmpcnt.ones.xlane vm0  }
0x103: {  	s31 =	sadd.s32 $0x0, s5  }
0x104: {  	v7 =	vadd.s32 s31, v2;
	v5 =	vmov s14;
	(v2sf) =	vpush v4, $0x0  }
0x105: {  	v6 =	vadd.s32 s14, v1;
	vm1 =	vlt.u32 v5, $0x200;
	v4 =	vshll.u32 v3, $0xF  }
0x106: {  	v5 =	vsel vm1, v6, v7;
	v3 =	vshll.u32 v3, $0xA;
	v4 =	vand.u32 $0x3F8000, v4  }
0x107: {  	v3 =	vand.u32 $0xFFC00000, v3;
	v4 =	vor.u32 v5, v4  }
0x108: {  	v3 =	vor.u32 v3, v4  }
0x109: {  	s15 =	simm.s32 $0x10;
	[tilespmem:s14+$0x700] =	vst.msk vm0, v3  }
0x10a: {  	v3 =	vld [tilespmem:s15+$0x0];
	_ =	sdelay $0x2  }
0x10b: {  	s16 =	sadd.s32 $0x10, s5  }
0x10c: {  	v62 =	vadd.s32 s16, v2;
	v4 =	vmov s15  }
0x10d: {  	v5 =	vadd.s32 s15, v1;
	vm1 =	vlt.u32 v4, $0x200;
	v60 =	vand.u32 $0xF80, v3  }
0x10e: {  	v61 =	vshll.u32 v3, $0xA;
	v3 =	vshll.u32 v3, $0xF;
	vm0 =	veq.s32 v60, $0x300  }
0x10f: {  	v5 =	vsel vm1, v5, v62;
	v3 =	vand.u32 $0x3F8000, v3;
	v4 =	vmpcnt.ones.xlane vm0  }
0x110: {  	v63 =	vand.u32 $0xFFC00000, v61;
	v3 =	vor.u32 v5, v3  }
0x111: {  	s16 =	simm.s32 $0x20;
	v3 =	vor.u32 v63, v3;
	(v2sf) =	vpush v4, $0x0;
	s17 =	spop (v2sf)  }
.LBB2_14:
0x112: {  	p0 =	sne.s32 s16, $0x3F0  }
0x113: {  	s14 =	sadd.s32 s14, s17;
	s17 =	smov.u32 s16;
	s16 =	sadd.s32 $0x10, s16  }
0x114: {  	[tilespmem:s14+$0x700] =	vst.msk vm0, v3  }
0x115: {  	s15 =	sadd.s32 $0x10, s15  }
0x116: {  	v3 =	vld [tilespmem:s15+$0x0];
	_ =	sdelay $0x3  }
0x117: {  	v4 =	vmov s17;
	v5 =	vadd.s32 s17, v1  }
0x118: {  	s17 =	sadd.s32 s5, s17;
	v6 =	vand.u32 $0xF80, v3;
	v7 =	vshll.u32 v3, $0xA;
	v3 =	vshll.u32 v3, $0xF  }
.Ltmp6:
0x119: {  	vm0 =	veq.s32 v6, $0x300;
	v6 =	vadd.s32 s17, v2;
	v3 =	vand.u32 $0x3F8000, v3;
	(pc) =	sbr.rel @p0 .LBB2_14-.Ltmp6, $4  }
0x11a: {  	vm1 =	vlt.u32 v4, $0x200;
	v4 =	vand.u32 $0xFFC00000, v7;
	v7 =	vmpcnt.ones.xlane vm0  }
0x11b: {  	v5 =	vsel vm1, v5, v6  }
0x11c: {  	v3 =	vor.u32 v5, v3;
	(v2sf) =	vpush v7, $0x0  }
0x11d: {  	v3 =	vor.u32 v4, v3;
	s17 =	spop (v2sf)  }
0x11e: {  	_ =	sdelay $0x7  }
0x11f: {  	s14 =	sadd.s32 s14, s17  }
0x120: {  	[tilespmem:s14+$0x700] =	vst.msk vm0, v3  }
0x121: {  	v3 =	vld [tilespmem:$0x1400];
	_ =	sdelay $0x2  }
0x122: {  	s15 =	spop (v2sf)  }
0x123: {  	vm0 =	veq.s32 v0, $0x6;
	s14 =	sadd.s32 s14, s15  }
0x124: {  	v3 =	vsel vm0, s14, v3  }
0x125: {  	s14 =	simm.s32 $0x0;
	[tilespmem:$0x1400] =	vst v3  }
0x126: {  	v3 =	vld [tilespmem:s14+$0x0];
	_ =	sdelay $0x4  }
0x127: {  	v4 =	vand.u32 $0xF80, v3  }
0x128: {  	vm0 =	veq.s32 v4, $0x380  }
0x129: {  	v4 =	vmpcnt.ones.xlane vm0  }
0x12a: {  	s31 =	sadd.s32 $0x0, s5  }
0x12b: {  	v7 =	vadd.s32 s31, v2;
	v5 =	vmov s14;
	(v2sf) =	vpush v4, $0x0  }
0x12c: {  	v6 =	vadd.s32 s14, v1;
	vm1 =	vlt.u32 v5, $0x200;
	v4 =	vshll.u32 v3, $0xF  }
0x12d: {  	v5 =	vsel vm1, v6, v7;
	v3 =	vshll.u32 v3, $0xA;
	v4 =	vand.u32 $0x3F8000, v4  }
0x12e: {  	v3 =	vand.u32 $0xFFC00000, v3;
	v4 =	vor.u32 v5, v4  }
0x12f: {  	v3 =	vor.u32 v3, v4  }
0x130: {  	s15 =	simm.s32 $0x10;
	[tilespmem:s14+$0x780] =	vst.msk vm0, v3  }
0x131: {  	v3 =	vld [tilespmem:s15+$0x0];
	_ =	sdelay $0x2  }
0x132: {  	s16 =	sadd.s32 $0x10, s5  }
0x133: {  	v62 =	vadd.s32 s16, v2;
	v4 =	vmov s15  }
0x134: {  	v5 =	vadd.s32 s15, v1;
	vm1 =	vlt.u32 v4, $0x200;
	v60 =	vand.u32 $0xF80, v3  }
0x135: {  	v61 =	vshll.u32 v3, $0xA;
	v3 =	vshll.u32 v3, $0xF;
	vm0 =	veq.s32 v60, $0x380  }
0x136: {  	v5 =	vsel vm1, v5, v62;
	v3 =	vand.u32 $0x3F8000, v3;
	v4 =	vmpcnt.ones.xlane vm0  }
0x137: {  	v63 =	vand.u32 $0xFFC00000, v61;
	v3 =	vor.u32 v5, v3  }
0x138: {  	s16 =	simm.s32 $0x20;
	v3 =	vor.u32 v63, v3;
	(v2sf) =	vpush v4, $0x0;
	s17 =	spop (v2sf)  }
.LBB2_16:
0x139: {  	p0 =	sne.s32 s16, $0x3F0  }
0x13a: {  	s14 =	sadd.s32 s14, s17;
	s17 =	smov.u32 s16;
	s16 =	sadd.s32 $0x10, s16  }
0x13b: {  	[tilespmem:s14+$0x780] =	vst.msk vm0, v3  }
0x13c: {  	s15 =	sadd.s32 $0x10, s15  }
0x13d: {  	v3 =	vld [tilespmem:s15+$0x0];
	_ =	sdelay $0x3  }
0x13e: {  	v4 =	vmov s17;
	v5 =	vadd.s32 s17, v1  }
0x13f: {  	s17 =	sadd.s32 s5, s17;
	v6 =	vand.u32 $0xF80, v3;
	v7 =	vshll.u32 v3, $0xA;
	v3 =	vshll.u32 v3, $0xF  }
.Ltmp7:
0x140: {  	vm0 =	veq.s32 v6, $0x380;
	v6 =	vadd.s32 s17, v2;
	v3 =	vand.u32 $0x3F8000, v3;
	(pc) =	sbr.rel @p0 .LBB2_16-.Ltmp7, $4  }
0x141: {  	vm1 =	vlt.u32 v4, $0x200;
	v4 =	vand.u32 $0xFFC00000, v7;
	v7 =	vmpcnt.ones.xlane vm0  }
0x142: {  	v5 =	vsel vm1, v5, v6  }
0x143: {  	v3 =	vor.u32 v5, v3;
	(v2sf) =	vpush v7, $0x0  }
0x144: {  	v3 =	vor.u32 v4, v3;
	s17 =	spop (v2sf)  }
0x145: {  	_ =	sdelay $0x7  }
0x146: {  	s14 =	sadd.s32 s14, s17  }
0x147: {  	[tilespmem:s14+$0x780] =	vst.msk vm0, v3  }
0x148: {  	v3 =	vld [tilespmem:$0x1400];
	_ =	sdelay $0x2  }
0x149: {  	s15 =	spop (v2sf)  }
0x14a: {  	vm0 =	veq.s32 v0, $0x7;
	s14 =	sadd.s32 s14, s15  }
0x14b: {  	v3 =	vsel vm0, s14, v3  }
0x14c: {  	s14 =	simm.s32 $0x0;
	[tilespmem:$0x1400] =	vst v3  }
0x14d: {  	v3 =	vld [tilespmem:s14+$0x0];
	_ =	sdelay $0x4  }
0x14e: {  	v4 =	vand.u32 $0xF80, v3  }
0x14f: {  	vm0 =	veq.s32 v4, $0x400  }
0x150: {  	v4 =	vmpcnt.ones.xlane vm0  }
0x151: {  	s31 =	sadd.s32 $0x0, s5  }
0x152: {  	v7 =	vadd.s32 s31, v2;
	v5 =	vmov s14;
	(v2sf) =	vpush v4, $0x0  }
0x153: {  	v6 =	vadd.s32 s14, v1;
	vm1 =	vlt.u32 v5, $0x200;
	v4 =	vshll.u32 v3, $0xF  }
0x154: {  	v5 =	vsel vm1, v6, v7;
	v3 =	vshll.u32 v3, $0xA;
	v4 =	vand.u32 $0x3F8000, v4  }
0x155: {  	v3 =	vand.u32 $0xFFC00000, v3;
	v4 =	vor.u32 v5, v4  }
0x156: {  	v3 =	vor.u32 v3, v4  }
0x157: {  	s15 =	simm.s32 $0x10;
	[tilespmem:s14+$0x800] =	vst.msk vm0, v3  }
0x158: {  	v3 =	vld [tilespmem:s15+$0x0];
	_ =	sdelay $0x2  }
0x159: {  	s16 =	sadd.s32 $0x10, s5  }
0x15a: {  	v62 =	vadd.s32 s16, v2;
	v4 =	vmov s15  }
0x15b: {  	v5 =	vadd.s32 s15, v1;
	vm1 =	vlt.u32 v4, $0x200;
	v60 =	vand.u32 $0xF80, v3  }
0x15c: {  	v61 =	vshll.u32 v3, $0xA;
	v3 =	vshll.u32 v3, $0xF;
	vm0 =	veq.s32 v60, $0x400  }
0x15d: {  	v5 =	vsel vm1, v5, v62;
	v3 =	vand.u32 $0x3F8000, v3;
	v4 =	vmpcnt.ones.xlane vm0  }
0x15e: {  	v63 =	vand.u32 $0xFFC00000, v61;
	v3 =	vor.u32 v5, v3  }
0x15f: {  	s16 =	simm.s32 $0x20;
	v3 =	vor.u32 v63, v3;
	(v2sf) =	vpush v4, $0x0;
	s17 =	spop (v2sf)  }
.LBB2_18:
0x160: {  	p0 =	sne.s32 s16, $0x3F0  }
0x161: {  	s14 =	sadd.s32 s14, s17;
	s17 =	smov.u32 s16;
	s16 =	sadd.s32 $0x10, s16  }
0x162: {  	[tilespmem:s14+$0x800] =	vst.msk vm0, v3  }
0x163: {  	s15 =	sadd.s32 $0x10, s15  }
0x164: {  	v3 =	vld [tilespmem:s15+$0x0];
	_ =	sdelay $0x3  }
0x165: {  	v4 =	vmov s17;
	v5 =	vadd.s32 s17, v1  }
0x166: {  	s17 =	sadd.s32 s5, s17;
	v6 =	vand.u32 $0xF80, v3;
	v7 =	vshll.u32 v3, $0xA;
	v3 =	vshll.u32 v3, $0xF  }
.Ltmp8:
0x167: {  	vm0 =	veq.s32 v6, $0x400;
	v6 =	vadd.s32 s17, v2;
	v3 =	vand.u32 $0x3F8000, v3;
	(pc) =	sbr.rel @p0 .LBB2_18-.Ltmp8, $4  }
0x168: {  	vm1 =	vlt.u32 v4, $0x200;
	v4 =	vand.u32 $0xFFC00000, v7;
	v7 =	vmpcnt.ones.xlane vm0  }
0x169: {  	v5 =	vsel vm1, v5, v6  }
0x16a: {  	v3 =	vor.u32 v5, v3;
	(v2sf) =	vpush v7, $0x0  }
0x16b: {  	v3 =	vor.u32 v4, v3;
	s17 =	spop (v2sf)  }
0x16c: {  	_ =	sdelay $0x7  }
0x16d: {  	s14 =	sadd.s32 s14, s17  }
0x16e: {  	[tilespmem:s14+$0x800] =	vst.msk vm0, v3  }
0x16f: {  	v3 =	vld [tilespmem:$0x1400];
	_ =	sdelay $0x2  }
0x170: {  	s15 =	spop (v2sf)  }
0x171: {  	vm0 =	veq.s32 v0, $0x8;
	s14 =	sadd.s32 s14, s15  }
0x172: {  	v3 =	vsel vm0, s14, v3  }
0x173: {  	s14 =	simm.s32 $0x0;
	[tilespmem:$0x1400] =	vst v3  }
0x174: {  	v3 =	vld [tilespmem:s14+$0x0];
	_ =	sdelay $0x4  }
0x175: {  	v4 =	vand.u32 $0xF80, v3  }
0x176: {  	vm0 =	veq.s32 v4, $0x480  }
0x177: {  	v4 =	vmpcnt.ones.xlane vm0  }
0x178: {  	s31 =	sadd.s32 $0x0, s5  }
0x179: {  	v7 =	vadd.s32 s31, v2;
	v5 =	vmov s14;
	(v2sf) =	vpush v4, $0x0  }
0x17a: {  	v6 =	vadd.s32 s14, v1;
	vm1 =	vlt.u32 v5, $0x200;
	v4 =	vshll.u32 v3, $0xF  }
0x17b: {  	v5 =	vsel vm1, v6, v7;
	v3 =	vshll.u32 v3, $0xA;
	v4 =	vand.u32 $0x3F8000, v4  }
0x17c: {  	v3 =	vand.u32 $0xFFC00000, v3;
	v4 =	vor.u32 v5, v4  }
0x17d: {  	v3 =	vor.u32 v3, v4  }
0x17e: {  	s15 =	simm.s32 $0x10;
	[tilespmem:s14+$0x880] =	vst.msk vm0, v3  }
0x17f: {  	v3 =	vld [tilespmem:s15+$0x0];
	_ =	sdelay $0x2  }
0x180: {  	s16 =	sadd.s32 $0x10, s5  }
0x181: {  	v62 =	vadd.s32 s16, v2;
	v4 =	vmov s15  }
0x182: {  	v5 =	vadd.s32 s15, v1;
	vm1 =	vlt.u32 v4, $0x200;
	v60 =	vand.u32 $0xF80, v3  }
0x183: {  	v61 =	vshll.u32 v3, $0xA;
	v3 =	vshll.u32 v3, $0xF;
	vm0 =	veq.s32 v60, $0x480  }
0x184: {  	v5 =	vsel vm1, v5, v62;
	v3 =	vand.u32 $0x3F8000, v3;
	v4 =	vmpcnt.ones.xlane vm0  }
0x185: {  	v63 =	vand.u32 $0xFFC00000, v61;
	v3 =	vor.u32 v5, v3  }
0x186: {  	s16 =	simm.s32 $0x20;
	v3 =	vor.u32 v63, v3;
	(v2sf) =	vpush v4, $0x0;
	s17 =	spop (v2sf)  }
.LBB2_20:
0x187: {  	p0 =	sne.s32 s16, $0x3F0  }
0x188: {  	s14 =	sadd.s32 s14, s17;
	s17 =	smov.u32 s16;
	s16 =	sadd.s32 $0x10, s16  }
0x189: {  	[tilespmem:s14+$0x880] =	vst.msk vm0, v3  }
0x18a: {  	s15 =	sadd.s32 $0x10, s15  }
0x18b: {  	v3 =	vld [tilespmem:s15+$0x0];
	_ =	sdelay $0x3  }
0x18c: {  	v4 =	vmov s17;
	v5 =	vadd.s32 s17, v1  }
0x18d: {  	s17 =	sadd.s32 s5, s17;
	v6 =	vand.u32 $0xF80, v3;
	v7 =	vshll.u32 v3, $0xA;
	v3 =	vshll.u32 v3, $0xF  }
.Ltmp9:
0x18e: {  	vm0 =	veq.s32 v6, $0x480;
	v6 =	vadd.s32 s17, v2;
	v3 =	vand.u32 $0x3F8000, v3;
	(pc) =	sbr.rel @p0 .LBB2_20-.Ltmp9, $4  }
0x18f: {  	vm1 =	vlt.u32 v4, $0x200;
	v4 =	vand.u32 $0xFFC00000, v7;
	v7 =	vmpcnt.ones.xlane vm0  }
0x190: {  	v5 =	vsel vm1, v5, v6  }
0x191: {  	v3 =	vor.u32 v5, v3;
	(v2sf) =	vpush v7, $0x0  }
0x192: {  	v3 =	vor.u32 v4, v3;
	s17 =	spop (v2sf)  }
0x193: {  	_ =	sdelay $0x7  }
0x194: {  	s14 =	sadd.s32 s14, s17  }
0x195: {  	[tilespmem:s14+$0x880] =	vst.msk vm0, v3  }
0x196: {  	v3 =	vld [tilespmem:$0x1400];
	_ =	sdelay $0x2  }
0x197: {  	s15 =	spop (v2sf)  }
0x198: {  	vm0 =	veq.s32 v0, $0x9;
	s14 =	sadd.s32 s14, s15  }
0x199: {  	v3 =	vsel vm0, s14, v3  }
0x19a: {  	s14 =	simm.s32 $0x0;
	[tilespmem:$0x1400] =	vst v3  }
0x19b: {  	v3 =	vld [tilespmem:s14+$0x0];
	_ =	sdelay $0x4  }
0x19c: {  	v4 =	vand.u32 $0xF80, v3  }
0x19d: {  	vm0 =	veq.s32 v4, $0x500  }
0x19e: {  	v4 =	vmpcnt.ones.xlane vm0  }
0x19f: {  	s31 =	sadd.s32 $0x0, s5  }
0x1a0: {  	v7 =	vadd.s32 s31, v2;
	v5 =	vmov s14;
	(v2sf) =	vpush v4, $0x0  }
0x1a1: {  	v6 =	vadd.s32 s14, v1;
	vm1 =	vlt.u32 v5, $0x200;
	v4 =	vshll.u32 v3, $0xF  }
0x1a2: {  	v5 =	vsel vm1, v6, v7;
	v3 =	vshll.u32 v3, $0xA;
	v4 =	vand.u32 $0x3F8000, v4  }
0x1a3: {  	v3 =	vand.u32 $0xFFC00000, v3;
	v4 =	vor.u32 v5, v4  }
0x1a4: {  	v3 =	vor.u32 v3, v4  }
0x1a5: {  	s15 =	simm.s32 $0x10;
	[tilespmem:s14+$0x900] =	vst.msk vm0, v3  }
0x1a6: {  	v3 =	vld [tilespmem:s15+$0x0];
	_ =	sdelay $0x2  }
0x1a7: {  	s16 =	sadd.s32 $0x10, s5  }
0x1a8: {  	v62 =	vadd.s32 s16, v2;
	v4 =	vmov s15  }
0x1a9: {  	v5 =	vadd.s32 s15, v1;
	vm1 =	vlt.u32 v4, $0x200;
	v60 =	vand.u32 $0xF80, v3  }
0x1aa: {  	v61 =	vshll.u32 v3, $0xA;
	v3 =	vshll.u32 v3, $0xF;
	vm0 =	veq.s32 v60, $0x500  }
0x1ab: {  	v5 =	vsel vm1, v5, v62;
	v3 =	vand.u32 $0x3F8000, v3;
	v4 =	vmpcnt.ones.xlane vm0  }
0x1ac: {  	v63 =	vand.u32 $0xFFC00000, v61;
	v3 =	vor.u32 v5, v3  }
0x1ad: {  	s16 =	simm.s32 $0x20;
	v3 =	vor.u32 v63, v3;
	(v2sf) =	vpush v4, $0x0;
	s17 =	spop (v2sf)  }
.LBB2_22:
0x1ae: {  	p0 =	sne.s32 s16, $0x3F0  }
0x1af: {  	s14 =	sadd.s32 s14, s17;
	s17 =	smov.u32 s16;
	s16 =	sadd.s32 $0x10, s16  }
0x1b0: {  	[tilespmem:s14+$0x900] =	vst.msk vm0, v3  }
0x1b1: {  	s15 =	sadd.s32 $0x10, s15  }
0x1b2: {  	v3 =	vld [tilespmem:s15+$0x0];
	_ =	sdelay $0x3  }
0x1b3: {  	v4 =	vmov s17;
	v5 =	vadd.s32 s17, v1  }
0x1b4: {  	s17 =	sadd.s32 s5, s17;
	v6 =	vand.u32 $0xF80, v3;
	v7 =	vshll.u32 v3, $0xA;
	v3 =	vshll.u32 v3, $0xF  }
.Ltmp10:
0x1b5: {  	vm0 =	veq.s32 v6, $0x500;
	v6 =	vadd.s32 s17, v2;
	v3 =	vand.u32 $0x3F8000, v3;
	(pc) =	sbr.rel @p0 .LBB2_22-.Ltmp10, $4  }
0x1b6: {  	vm1 =	vlt.u32 v4, $0x200;
	v4 =	vand.u32 $0xFFC00000, v7;
	v7 =	vmpcnt.ones.xlane vm0  }
0x1b7: {  	v5 =	vsel vm1, v5, v6  }
0x1b8: {  	v3 =	vor.u32 v5, v3;
	(v2sf) =	vpush v7, $0x0  }
0x1b9: {  	v3 =	vor.u32 v4, v3;
	s17 =	spop (v2sf)  }
0x1ba: {  	_ =	sdelay $0x7  }
0x1bb: {  	s14 =	sadd.s32 s14, s17  }
0x1bc: {  	[tilespmem:s14+$0x900] =	vst.msk vm0, v3  }
0x1bd: {  	v3 =	vld [tilespmem:$0x1400];
	_ =	sdelay $0x2  }
0x1be: {  	s15 =	spop (v2sf)  }
0x1bf: {  	vm0 =	veq.s32 v0, $0xA;
	s14 =	sadd.s32 s14, s15  }
0x1c0: {  	v3 =	vsel vm0, s14, v3  }
0x1c1: {  	s14 =	simm.s32 $0x0;
	[tilespmem:$0x1400] =	vst v3  }
0x1c2: {  	v3 =	vld [tilespmem:s14+$0x0];
	_ =	sdelay $0x4  }
0x1c3: {  	v4 =	vand.u32 $0xF80, v3  }
0x1c4: {  	vm0 =	veq.s32 v4, $0x580  }
0x1c5: {  	v4 =	vmpcnt.ones.xlane vm0  }
0x1c6: {  	s31 =	sadd.s32 $0x0, s5  }
0x1c7: {  	v7 =	vadd.s32 s31, v2;
	v5 =	vmov s14;
	(v2sf) =	vpush v4, $0x0  }
0x1c8: {  	v6 =	vadd.s32 s14, v1;
	vm1 =	vlt.u32 v5, $0x200;
	v4 =	vshll.u32 v3, $0xF  }
0x1c9: {  	v5 =	vsel vm1, v6, v7;
	v3 =	vshll.u32 v3, $0xA;
	v4 =	vand.u32 $0x3F8000, v4  }
0x1ca: {  	v3 =	vand.u32 $0xFFC00000, v3;
	v4 =	vor.u32 v5, v4  }
0x1cb: {  	v3 =	vor.u32 v3, v4  }
0x1cc: {  	s15 =	simm.s32 $0x10;
	[tilespmem:s14+$0x980] =	vst.msk vm0, v3  }
0x1cd: {  	v3 =	vld [tilespmem:s15+$0x0];
	_ =	sdelay $0x2  }
0x1ce: {  	s16 =	sadd.s32 $0x10, s5  }
0x1cf: {  	v62 =	vadd.s32 s16, v2;
	v4 =	vmov s15  }
0x1d0: {  	v5 =	vadd.s32 s15, v1;
	vm1 =	vlt.u32 v4, $0x200;
	v60 =	vand.u32 $0xF80, v3  }
0x1d1: {  	v61 =	vshll.u32 v3, $0xA;
	v3 =	vshll.u32 v3, $0xF;
	vm0 =	veq.s32 v60, $0x580  }
0x1d2: {  	v5 =	vsel vm1, v5, v62;
	v3 =	vand.u32 $0x3F8000, v3;
	v4 =	vmpcnt.ones.xlane vm0  }
0x1d3: {  	v63 =	vand.u32 $0xFFC00000, v61;
	v3 =	vor.u32 v5, v3  }
0x1d4: {  	s16 =	simm.s32 $0x20;
	v3 =	vor.u32 v63, v3;
	(v2sf) =	vpush v4, $0x0;
	s17 =	spop (v2sf)  }
.LBB2_24:
0x1d5: {  	p0 =	sne.s32 s16, $0x3F0  }
0x1d6: {  	s14 =	sadd.s32 s14, s17;
	s17 =	smov.u32 s16;
	s16 =	sadd.s32 $0x10, s16  }
0x1d7: {  	[tilespmem:s14+$0x980] =	vst.msk vm0, v3  }
0x1d8: {  	s15 =	sadd.s32 $0x10, s15  }
0x1d9: {  	v3 =	vld [tilespmem:s15+$0x0];
	_ =	sdelay $0x3  }
0x1da: {  	v4 =	vmov s17;
	v5 =	vadd.s32 s17, v1  }
0x1db: {  	s17 =	sadd.s32 s5, s17;
	v6 =	vand.u32 $0xF80, v3;
	v7 =	vshll.u32 v3, $0xA;
	v3 =	vshll.u32 v3, $0xF  }
.Ltmp11:
0x1dc: {  	vm0 =	veq.s32 v6, $0x580;
	v6 =	vadd.s32 s17, v2;
	v3 =	vand.u32 $0x3F8000, v3;
	(pc) =	sbr.rel @p0 .LBB2_24-.Ltmp11, $4  }
0x1dd: {  	vm1 =	vlt.u32 v4, $0x200;
	v4 =	vand.u32 $0xFFC00000, v7;
	v7 =	vmpcnt.ones.xlane vm0  }
0x1de: {  	v5 =	vsel vm1, v5, v6  }
0x1df: {  	v3 =	vor.u32 v5, v3;
	(v2sf) =	vpush v7, $0x0  }
0x1e0: {  	v3 =	vor.u32 v4, v3;
	s17 =	spop (v2sf)  }
0x1e1: {  	_ =	sdelay $0x7  }
0x1e2: {  	s14 =	sadd.s32 s14, s17  }
0x1e3: {  	[tilespmem:s14+$0x980] =	vst.msk vm0, v3  }
0x1e4: {  	v3 =	vld [tilespmem:$0x1400];
	_ =	sdelay $0x2  }
0x1e5: {  	s15 =	spop (v2sf)  }
0x1e6: {  	vm0 =	veq.s32 v0, $0xB;
	s14 =	sadd.s32 s14, s15  }
0x1e7: {  	v3 =	vsel vm0, s14, v3  }
0x1e8: {  	s14 =	simm.s32 $0x0;
	[tilespmem:$0x1400] =	vst v3  }
0x1e9: {  	v3 =	vld [tilespmem:s14+$0x0];
	_ =	sdelay $0x4  }
0x1ea: {  	v4 =	vand.u32 $0xF80, v3  }
0x1eb: {  	vm0 =	veq.s32 v4, $0x600  }
0x1ec: {  	v4 =	vmpcnt.ones.xlane vm0  }
0x1ed: {  	s31 =	sadd.s32 $0x0, s5  }
0x1ee: {  	v7 =	vadd.s32 s31, v2;
	v5 =	vmov s14;
	(v2sf) =	vpush v4, $0x0  }
0x1ef: {  	v6 =	vadd.s32 s14, v1;
	vm1 =	vlt.u32 v5, $0x200;
	v4 =	vshll.u32 v3, $0xF  }
0x1f0: {  	v5 =	vsel vm1, v6, v7;
	v3 =	vshll.u32 v3, $0xA;
	v4 =	vand.u32 $0x3F8000, v4  }
0x1f1: {  	v3 =	vand.u32 $0xFFC00000, v3;
	v4 =	vor.u32 v5, v4  }
0x1f2: {  	v3 =	vor.u32 v3, v4  }
0x1f3: {  	s15 =	simm.s32 $0x10;
	[tilespmem:s14+$0xA00] =	vst.msk vm0, v3  }
0x1f4: {  	v3 =	vld [tilespmem:s15+$0x0];
	_ =	sdelay $0x2  }
0x1f5: {  	s16 =	sadd.s32 $0x10, s5  }
0x1f6: {  	v62 =	vadd.s32 s16, v2;
	v4 =	vmov s15  }
0x1f7: {  	v5 =	vadd.s32 s15, v1;
	vm1 =	vlt.u32 v4, $0x200;
	v60 =	vand.u32 $0xF80, v3  }
0x1f8: {  	v61 =	vshll.u32 v3, $0xA;
	v3 =	vshll.u32 v3, $0xF;
	vm0 =	veq.s32 v60, $0x600  }
0x1f9: {  	v5 =	vsel vm1, v5, v62;
	v3 =	vand.u32 $0x3F8000, v3;
	v4 =	vmpcnt.ones.xlane vm0  }
0x1fa: {  	v63 =	vand.u32 $0xFFC00000, v61;
	v3 =	vor.u32 v5, v3  }
0x1fb: {  	s16 =	simm.s32 $0x20;
	v3 =	vor.u32 v63, v3;
	(v2sf) =	vpush v4, $0x0;
	s17 =	spop (v2sf)  }
.LBB2_26:
0x1fc: {  	p0 =	sne.s32 s16, $0x3F0  }
0x1fd: {  	s14 =	sadd.s32 s14, s17;
	s17 =	smov.u32 s16;
	s16 =	sadd.s32 $0x10, s16  }
0x1fe: {  	[tilespmem:s14+$0xA00] =	vst.msk vm0, v3  }
0x1ff: {  	s15 =	sadd.s32 $0x10, s15  }
0x200: {  	v3 =	vld [tilespmem:s15+$0x0];
	_ =	sdelay $0x3  }
0x201: {  	v4 =	vmov s17;
	v5 =	vadd.s32 s17, v1  }
0x202: {  	s17 =	sadd.s32 s5, s17;
	v6 =	vand.u32 $0xF80, v3;
	v7 =	vshll.u32 v3, $0xA;
	v3 =	vshll.u32 v3, $0xF  }
.Ltmp12:
0x203: {  	vm0 =	veq.s32 v6, $0x600;
	v6 =	vadd.s32 s17, v2;
	v3 =	vand.u32 $0x3F8000, v3;
	(pc) =	sbr.rel @p0 .LBB2_26-.Ltmp12, $4  }
0x204: {  	vm1 =	vlt.u32 v4, $0x200;
	v4 =	vand.u32 $0xFFC00000, v7;
	v7 =	vmpcnt.ones.xlane vm0  }
0x205: {  	v5 =	vsel vm1, v5, v6  }
0x206: {  	v3 =	vor.u32 v5, v3;
	(v2sf) =	vpush v7, $0x0  }
0x207: {  	v3 =	vor.u32 v4, v3;
	s17 =	spop (v2sf)  }
0x208: {  	_ =	sdelay $0x7  }
0x209: {  	s14 =	sadd.s32 s14, s17  }
0x20a: {  	[tilespmem:s14+$0xA00] =	vst.msk vm0, v3  }
0x20b: {  	v3 =	vld [tilespmem:$0x1400];
	_ =	sdelay $0x2  }
0x20c: {  	s15 =	spop (v2sf)  }
0x20d: {  	vm0 =	veq.s32 v0, $0xC;
	s14 =	sadd.s32 s14, s15  }
0x20e: {  	v3 =	vsel vm0, s14, v3  }
0x20f: {  	s14 =	simm.s32 $0x0;
	[tilespmem:$0x1400] =	vst v3  }
0x210: {  	v3 =	vld [tilespmem:s14+$0x0];
	_ =	sdelay $0x4  }
0x211: {  	v4 =	vand.u32 $0xF80, v3  }
0x212: {  	vm0 =	veq.s32 v4, $0x680  }
0x213: {  	v4 =	vmpcnt.ones.xlane vm0  }
0x214: {  	s31 =	sadd.s32 $0x0, s5  }
0x215: {  	v7 =	vadd.s32 s31, v2;
	v5 =	vmov s14;
	(v2sf) =	vpush v4, $0x0  }
0x216: {  	v6 =	vadd.s32 s14, v1;
	vm1 =	vlt.u32 v5, $0x200;
	v4 =	vshll.u32 v3, $0xF  }
0x217: {  	v5 =	vsel vm1, v6, v7;
	v3 =	vshll.u32 v3, $0xA;
	v4 =	vand.u32 $0x3F8000, v4  }
0x218: {  	v3 =	vand.u32 $0xFFC00000, v3;
	v4 =	vor.u32 v5, v4  }
0x219: {  	v3 =	vor.u32 v3, v4  }
0x21a: {  	s15 =	simm.s32 $0x10;
	[tilespmem:s14+$0xA80] =	vst.msk vm0, v3  }
0x21b: {  	v3 =	vld [tilespmem:s15+$0x0];
	_ =	sdelay $0x2  }
0x21c: {  	s16 =	sadd.s32 $0x10, s5  }
0x21d: {  	v62 =	vadd.s32 s16, v2;
	v4 =	vmov s15  }
0x21e: {  	v5 =	vadd.s32 s15, v1;
	vm1 =	vlt.u32 v4, $0x200;
	v60 =	vand.u32 $0xF80, v3  }
0x21f: {  	v61 =	vshll.u32 v3, $0xA;
	v3 =	vshll.u32 v3, $0xF;
	vm0 =	veq.s32 v60, $0x680  }
0x220: {  	v5 =	vsel vm1, v5, v62;
	v3 =	vand.u32 $0x3F8000, v3;
	v4 =	vmpcnt.ones.xlane vm0  }
0x221: {  	v63 =	vand.u32 $0xFFC00000, v61;
	v3 =	vor.u32 v5, v3  }
0x222: {  	s16 =	simm.s32 $0x20;
	v3 =	vor.u32 v63, v3;
	(v2sf) =	vpush v4, $0x0;
	s17 =	spop (v2sf)  }
.LBB2_28:
0x223: {  	p0 =	sne.s32 s16, $0x3F0  }
0x224: {  	s14 =	sadd.s32 s14, s17;
	s17 =	smov.u32 s16;
	s16 =	sadd.s32 $0x10, s16  }
0x225: {  	[tilespmem:s14+$0xA80] =	vst.msk vm0, v3  }
0x226: {  	s15 =	sadd.s32 $0x10, s15  }
0x227: {  	v3 =	vld [tilespmem:s15+$0x0];
	_ =	sdelay $0x3  }
0x228: {  	v4 =	vmov s17;
	v5 =	vadd.s32 s17, v1  }
0x229: {  	s17 =	sadd.s32 s5, s17;
	v6 =	vand.u32 $0xF80, v3;
	v7 =	vshll.u32 v3, $0xA;
	v3 =	vshll.u32 v3, $0xF  }
.Ltmp13:
0x22a: {  	vm0 =	veq.s32 v6, $0x680;
	v6 =	vadd.s32 s17, v2;
	v3 =	vand.u32 $0x3F8000, v3;
	(pc) =	sbr.rel @p0 .LBB2_28-.Ltmp13, $4  }
0x22b: {  	vm1 =	vlt.u32 v4, $0x200;
	v4 =	vand.u32 $0xFFC00000, v7;
	v7 =	vmpcnt.ones.xlane vm0  }
0x22c: {  	v5 =	vsel vm1, v5, v6  }
0x22d: {  	v3 =	vor.u32 v5, v3;
	(v2sf) =	vpush v7, $0x0  }
0x22e: {  	v3 =	vor.u32 v4, v3;
	s17 =	spop (v2sf)  }
0x22f: {  	_ =	sdelay $0x7  }
0x230: {  	s14 =	sadd.s32 s14, s17  }
0x231: {  	[tilespmem:s14+$0xA80] =	vst.msk vm0, v3  }
0x232: {  	v3 =	vld [tilespmem:$0x1400];
	_ =	sdelay $0x2  }
0x233: {  	s15 =	spop (v2sf)  }
0x234: {  	vm0 =	veq.s32 v0, $0xD;
	s14 =	sadd.s32 s14, s15  }
0x235: {  	v3 =	vsel vm0, s14, v3  }
0x236: {  	s14 =	simm.s32 $0x0;
	[tilespmem:$0x1400] =	vst v3  }
0x237: {  	v3 =	vld [tilespmem:s14+$0x0];
	_ =	sdelay $0x4  }
0x238: {  	v4 =	vand.u32 $0xF80, v3  }
0x239: {  	vm0 =	veq.s32 v4, $0x700  }
0x23a: {  	v4 =	vmpcnt.ones.xlane vm0  }
0x23b: {  	s31 =	sadd.s32 $0x0, s5  }
0x23c: {  	v7 =	vadd.s32 s31, v2;
	v5 =	vmov s14;
	(v2sf) =	vpush v4, $0x0  }
0x23d: {  	v6 =	vadd.s32 s14, v1;
	vm1 =	vlt.u32 v5, $0x200;
	v4 =	vshll.u32 v3, $0xF  }
0x23e: {  	v5 =	vsel vm1, v6, v7;
	v3 =	vshll.u32 v3, $0xA;
	v4 =	vand.u32 $0x3F8000, v4  }
0x23f: {  	v3 =	vand.u32 $0xFFC00000, v3;
	v4 =	vor.u32 v5, v4  }
0x240: {  	v3 =	vor.u32 v3, v4  }
0x241: {  	s15 =	simm.s32 $0x10;
	[tilespmem:s14+$0xB00] =	vst.msk vm0, v3  }
0x242: {  	v3 =	vld [tilespmem:s15+$0x0];
	_ =	sdelay $0x2  }
0x243: {  	s16 =	sadd.s32 $0x10, s5  }
0x244: {  	v62 =	vadd.s32 s16, v2;
	v4 =	vmov s15  }
0x245: {  	v5 =	vadd.s32 s15, v1;
	vm1 =	vlt.u32 v4, $0x200;
	v60 =	vand.u32 $0xF80, v3  }
0x246: {  	v61 =	vshll.u32 v3, $0xA;
	v3 =	vshll.u32 v3, $0xF;
	vm0 =	veq.s32 v60, $0x700  }
0x247: {  	v5 =	vsel vm1, v5, v62;
	v3 =	vand.u32 $0x3F8000, v3;
	v4 =	vmpcnt.ones.xlane vm0  }
0x248: {  	v63 =	vand.u32 $0xFFC00000, v61;
	v3 =	vor.u32 v5, v3  }
0x249: {  	s16 =	simm.s32 $0x20;
	v3 =	vor.u32 v63, v3;
	(v2sf) =	vpush v4, $0x0;
	s17 =	spop (v2sf)  }
.LBB2_30:
0x24a: {  	p0 =	sne.s32 s16, $0x3F0  }
0x24b: {  	s14 =	sadd.s32 s14, s17;
	s17 =	smov.u32 s16;
	s16 =	sadd.s32 $0x10, s16  }
0x24c: {  	[tilespmem:s14+$0xB00] =	vst.msk vm0, v3  }
0x24d: {  	s15 =	sadd.s32 $0x10, s15  }
0x24e: {  	v3 =	vld [tilespmem:s15+$0x0];
	_ =	sdelay $0x3  }
0x24f: {  	v4 =	vmov s17;
	v5 =	vadd.s32 s17, v1  }
0x250: {  	s17 =	sadd.s32 s5, s17;
	v6 =	vand.u32 $0xF80, v3;
	v7 =	vshll.u32 v3, $0xA;
	v3 =	vshll.u32 v3, $0xF  }
.Ltmp14:
0x251: {  	vm0 =	veq.s32 v6, $0x700;
	v6 =	vadd.s32 s17, v2;
	v3 =	vand.u32 $0x3F8000, v3;
	(pc) =	sbr.rel @p0 .LBB2_30-.Ltmp14, $4  }
0x252: {  	vm1 =	vlt.u32 v4, $0x200;
	v4 =	vand.u32 $0xFFC00000, v7;
	v7 =	vmpcnt.ones.xlane vm0  }
0x253: {  	v5 =	vsel vm1, v5, v6  }
0x254: {  	v3 =	vor.u32 v5, v3;
	(v2sf) =	vpush v7, $0x0  }
0x255: {  	v3 =	vor.u32 v4, v3;
	s17 =	spop (v2sf)  }
0x256: {  	_ =	sdelay $0x7  }
0x257: {  	s14 =	sadd.s32 s14, s17  }
0x258: {  	[tilespmem:s14+$0xB00] =	vst.msk vm0, v3  }
0x259: {  	v3 =	vld [tilespmem:$0x1400];
	_ =	sdelay $0x2  }
0x25a: {  	s15 =	spop (v2sf)  }
0x25b: {  	vm0 =	veq.s32 v0, $0xE;
	s14 =	sadd.s32 s14, s15  }
0x25c: {  	v3 =	vsel vm0, s14, v3  }
0x25d: {  	s14 =	simm.s32 $0x0;
	[tilespmem:$0x1400] =	vst v3  }
0x25e: {  	v3 =	vld [tilespmem:s14+$0x0];
	_ =	sdelay $0x4  }
0x25f: {  	v4 =	vand.u32 $0xF80, v3  }
0x260: {  	vm0 =	veq.s32 v4, $0x780  }
0x261: {  	v4 =	vmpcnt.ones.xlane vm0  }
0x262: {  	s31 =	sadd.s32 $0x0, s5  }
0x263: {  	v7 =	vadd.s32 s31, v2;
	v5 =	vmov s14;
	(v2sf) =	vpush v4, $0x0  }
0x264: {  	v6 =	vadd.s32 s14, v1;
	vm1 =	vlt.u32 v5, $0x200;
	v4 =	vshll.u32 v3, $0xF  }
0x265: {  	v5 =	vsel vm1, v6, v7;
	v3 =	vshll.u32 v3, $0xA;
	v4 =	vand.u32 $0x3F8000, v4  }
0x266: {  	v3 =	vand.u32 $0xFFC00000, v3;
	v4 =	vor.u32 v5, v4  }
0x267: {  	v3 =	vor.u32 v3, v4  }
0x268: {  	s15 =	simm.s32 $0x10;
	[tilespmem:s14+$0xB80] =	vst.msk vm0, v3  }
0x269: {  	v3 =	vld [tilespmem:s15+$0x0];
	_ =	sdelay $0x2  }
0x26a: {  	s16 =	sadd.s32 $0x10, s5  }
0x26b: {  	v62 =	vadd.s32 s16, v2;
	v4 =	vmov s15  }
0x26c: {  	v5 =	vadd.s32 s15, v1;
	vm1 =	vlt.u32 v4, $0x200;
	v60 =	vand.u32 $0xF80, v3  }
0x26d: {  	v61 =	vshll.u32 v3, $0xA;
	v3 =	vshll.u32 v3, $0xF;
	vm0 =	veq.s32 v60, $0x780  }
0x26e: {  	v5 =	vsel vm1, v5, v62;
	v3 =	vand.u32 $0x3F8000, v3;
	v4 =	vmpcnt.ones.xlane vm0  }
0x26f: {  	v63 =	vand.u32 $0xFFC00000, v61;
	v3 =	vor.u32 v5, v3  }
0x270: {  	s16 =	simm.s32 $0x20;
	v3 =	vor.u32 v63, v3;
	(v2sf) =	vpush v4, $0x0;
	s17 =	spop (v2sf)  }
.LBB2_32:
0x271: {  	p0 =	sne.s32 s16, $0x3F0  }
0x272: {  	s14 =	sadd.s32 s14, s17;
	s17 =	smov.u32 s16;
	s16 =	sadd.s32 $0x10, s16  }
0x273: {  	[tilespmem:s14+$0xB80] =	vst.msk vm0, v3  }
0x274: {  	s15 =	sadd.s32 $0x10, s15  }
0x275: {  	v3 =	vld [tilespmem:s15+$0x0];
	_ =	sdelay $0x3  }
0x276: {  	v4 =	vmov s17;
	v5 =	vadd.s32 s17, v1  }
0x277: {  	s17 =	sadd.s32 s5, s17;
	v6 =	vand.u32 $0xF80, v3;
	v7 =	vshll.u32 v3, $0xA;
	v3 =	vshll.u32 v3, $0xF  }
.Ltmp15:
0x278: {  	vm0 =	veq.s32 v6, $0x780;
	v6 =	vadd.s32 s17, v2;
	v3 =	vand.u32 $0x3F8000, v3;
	(pc) =	sbr.rel @p0 .LBB2_32-.Ltmp15, $4  }
0x279: {  	vm1 =	vlt.u32 v4, $0x200;
	v4 =	vand.u32 $0xFFC00000, v7;
	v7 =	vmpcnt.ones.xlane vm0  }
0x27a: {  	v5 =	vsel vm1, v5, v6  }
0x27b: {  	v3 =	vor.u32 v5, v3;
	(v2sf) =	vpush v7, $0x0  }
0x27c: {  	v3 =	vor.u32 v4, v3;
	s17 =	spop (v2sf)  }
0x27d: {  	_ =	sdelay $0x7  }
0x27e: {  	s14 =	sadd.s32 s14, s17  }
0x27f: {  	[tilespmem:s14+$0xB80] =	vst.msk vm0, v3  }
0x280: {  	v3 =	vld [tilespmem:$0x1400];
	_ =	sdelay $0x2  }
0x281: {  	s15 =	spop (v2sf)  }
0x282: {  	vm0 =	veq.s32 v0, $0xF;
	s14 =	sadd.s32 s14, s15  }
0x283: {  	v3 =	vsel vm0, s14, v3  }
0x284: {  	s14 =	simm.s32 $0x0;
	[tilespmem:$0x1400] =	vst v3  }
0x285: {  	v3 =	vld [tilespmem:s14+$0x0];
	_ =	sdelay $0x4  }
0x286: {  	v4 =	vand.u32 $0xF80, v3  }
0x287: {  	vm0 =	veq.s32 v4, $0x800  }
0x288: {  	v4 =	vmpcnt.ones.xlane vm0  }
0x289: {  	s31 =	sadd.s32 $0x0, s5  }
0x28a: {  	v7 =	vadd.s32 s31, v2;
	v5 =	vmov s14;
	(v2sf) =	vpush v4, $0x0  }
0x28b: {  	v6 =	vadd.s32 s14, v1;
	vm1 =	vlt.u32 v5, $0x200;
	v4 =	vshll.u32 v3, $0xF  }
0x28c: {  	v5 =	vsel vm1, v6, v7;
	v3 =	vshll.u32 v3, $0xA;
	v4 =	vand.u32 $0x3F8000, v4  }
0x28d: {  	v3 =	vand.u32 $0xFFC00000, v3;
	v4 =	vor.u32 v5, v4  }
0x28e: {  	v3 =	vor.u32 v3, v4  }
0x28f: {  	s15 =	simm.s32 $0x10;
	[tilespmem:s14+$0xC00] =	vst.msk vm0, v3  }
0x290: {  	v3 =	vld [tilespmem:s15+$0x0];
	_ =	sdelay $0x2  }
0x291: {  	s16 =	sadd.s32 $0x10, s5  }
0x292: {  	v62 =	vadd.s32 s16, v2;
	v4 =	vmov s15  }
0x293: {  	v5 =	vadd.s32 s15, v1;
	vm1 =	vlt.u32 v4, $0x200;
	v60 =	vand.u32 $0xF80, v3  }
0x294: {  	v61 =	vshll.u32 v3, $0xA;
	v3 =	vshll.u32 v3, $0xF;
	vm0 =	veq.s32 v60, $0x800  }
0x295: {  	v5 =	vsel vm1, v5, v62;
	v3 =	vand.u32 $0x3F8000, v3;
	v4 =	vmpcnt.ones.xlane vm0  }
0x296: {  	v63 =	vand.u32 $0xFFC00000, v61;
	v3 =	vor.u32 v5, v3  }
0x297: {  	s16 =	simm.s32 $0x20;
	v3 =	vor.u32 v63, v3;
	(v2sf) =	vpush v4, $0x0;
	s17 =	spop (v2sf)  }
.LBB2_34:
0x298: {  	p0 =	sne.s32 s16, $0x3F0  }
0x299: {  	s14 =	sadd.s32 s14, s17;
	s17 =	smov.u32 s16;
	s16 =	sadd.s32 $0x10, s16  }
0x29a: {  	[tilespmem:s14+$0xC00] =	vst.msk vm0, v3  }
0x29b: {  	s15 =	sadd.s32 $0x10, s15  }
0x29c: {  	v3 =	vld [tilespmem:s15+$0x0];
	_ =	sdelay $0x3  }
0x29d: {  	v4 =	vmov s17;
	v5 =	vadd.s32 s17, v1  }
0x29e: {  	s17 =	sadd.s32 s5, s17;
	v6 =	vand.u32 $0xF80, v3;
	v7 =	vshll.u32 v3, $0xA;
	v3 =	vshll.u32 v3, $0xF  }
.Ltmp16:
0x29f: {  	vm0 =	veq.s32 v6, $0x800;
	v6 =	vadd.s32 s17, v2;
	v3 =	vand.u32 $0x3F8000, v3;
	(pc) =	sbr.rel @p0 .LBB2_34-.Ltmp16, $4  }
0x2a0: {  	vm1 =	vlt.u32 v4, $0x200;
	v4 =	vand.u32 $0xFFC00000, v7;
	v7 =	vmpcnt.ones.xlane vm0  }
0x2a1: {  	v5 =	vsel vm1, v5, v6  }
0x2a2: {  	v3 =	vor.u32 v5, v3;
	(v2sf) =	vpush v7, $0x0  }
0x2a3: {  	v3 =	vor.u32 v4, v3;
	s17 =	spop (v2sf)  }
0x2a4: {  	_ =	sdelay $0x7  }
0x2a5: {  	s14 =	sadd.s32 s14, s17  }
0x2a6: {  	[tilespmem:s14+$0xC00] =	vst.msk vm0, v3  }
0x2a7: {  	v3 =	vld [tilespmem:$0x1410];
	_ =	sdelay $0x2  }
0x2a8: {  	s15 =	spop (v2sf)  }
0x2a9: {  	vm0 =	veq.s32 v0, $0x0;
	s14 =	sadd.s32 s14, s15  }
0x2aa: {  	v3 =	vsel vm0, s14, v3  }
0x2ab: {  	s14 =	simm.s32 $0x0;
	[tilespmem:$0x1410] =	vst v3  }
0x2ac: {  	v3 =	vld [tilespmem:s14+$0x0];
	_ =	sdelay $0x4  }
0x2ad: {  	v4 =	vand.u32 $0xF80, v3  }
0x2ae: {  	vm0 =	veq.s32 v4, $0x880  }
0x2af: {  	v4 =	vmpcnt.ones.xlane vm0  }
0x2b0: {  	s31 =	sadd.s32 $0x0, s5  }
0x2b1: {  	v7 =	vadd.s32 s31, v2;
	v5 =	vmov s14;
	(v2sf) =	vpush v4, $0x0  }
0x2b2: {  	v6 =	vadd.s32 s14, v1;
	vm1 =	vlt.u32 v5, $0x200;
	v4 =	vshll.u32 v3, $0xF  }
0x2b3: {  	v5 =	vsel vm1, v6, v7;
	v3 =	vshll.u32 v3, $0xA;
	v4 =	vand.u32 $0x3F8000, v4  }
0x2b4: {  	v3 =	vand.u32 $0xFFC00000, v3;
	v4 =	vor.u32 v5, v4  }
0x2b5: {  	v3 =	vor.u32 v3, v4  }
0x2b6: {  	s15 =	simm.s32 $0x10;
	[tilespmem:s14+$0xC80] =	vst.msk vm0, v3  }
0x2b7: {  	v3 =	vld [tilespmem:s15+$0x0];
	_ =	sdelay $0x2  }
0x2b8: {  	s16 =	sadd.s32 $0x10, s5  }
0x2b9: {  	v62 =	vadd.s32 s16, v2;
	v4 =	vmov s15  }
0x2ba: {  	v5 =	vadd.s32 s15, v1;
	vm1 =	vlt.u32 v4, $0x200;
	v60 =	vand.u32 $0xF80, v3  }
0x2bb: {  	v61 =	vshll.u32 v3, $0xA;
	v3 =	vshll.u32 v3, $0xF;
	vm0 =	veq.s32 v60, $0x880  }
0x2bc: {  	v5 =	vsel vm1, v5, v62;
	v3 =	vand.u32 $0x3F8000, v3;
	v4 =	vmpcnt.ones.xlane vm0  }
0x2bd: {  	v63 =	vand.u32 $0xFFC00000, v61;
	v3 =	vor.u32 v5, v3  }
0x2be: {  	s16 =	simm.s32 $0x20;
	v3 =	vor.u32 v63, v3;
	(v2sf) =	vpush v4, $0x0;
	s17 =	spop (v2sf)  }
.LBB2_36:
0x2bf: {  	p0 =	sne.s32 s16, $0x3F0  }
0x2c0: {  	s14 =	sadd.s32 s14, s17;
	s17 =	smov.u32 s16;
	s16 =	sadd.s32 $0x10, s16  }
0x2c1: {  	[tilespmem:s14+$0xC80] =	vst.msk vm0, v3  }
0x2c2: {  	s15 =	sadd.s32 $0x10, s15  }
0x2c3: {  	v3 =	vld [tilespmem:s15+$0x0];
	_ =	sdelay $0x3  }
0x2c4: {  	v4 =	vmov s17;
	v5 =	vadd.s32 s17, v1  }
0x2c5: {  	s17 =	sadd.s32 s5, s17;
	v6 =	vand.u32 $0xF80, v3;
	v7 =	vshll.u32 v3, $0xA;
	v3 =	vshll.u32 v3, $0xF  }
.Ltmp17:
0x2c6: {  	vm0 =	veq.s32 v6, $0x880;
	v6 =	vadd.s32 s17, v2;
	v3 =	vand.u32 $0x3F8000, v3;
	(pc) =	sbr.rel @p0 .LBB2_36-.Ltmp17, $4  }
0x2c7: {  	vm1 =	vlt.u32 v4, $0x200;
	v4 =	vand.u32 $0xFFC00000, v7;
	v7 =	vmpcnt.ones.xlane vm0  }
0x2c8: {  	v5 =	vsel vm1, v5, v6  }
0x2c9: {  	v3 =	vor.u32 v5, v3;
	(v2sf) =	vpush v7, $0x0  }
0x2ca: {  	v3 =	vor.u32 v4, v3;
	s17 =	spop (v2sf)  }
0x2cb: {  	_ =	sdelay $0x7  }
0x2cc: {  	s14 =	sadd.s32 s14, s17  }
0x2cd: {  	[tilespmem:s14+$0xC80] =	vst.msk vm0, v3  }
0x2ce: {  	v3 =	vld [tilespmem:$0x1410];
	_ =	sdelay $0x2  }
0x2cf: {  	s15 =	spop (v2sf)  }
0x2d0: {  	vm0 =	veq.s32 v0, $0x1;
	s14 =	sadd.s32 s14, s15  }
0x2d1: {  	v3 =	vsel vm0, s14, v3  }
0x2d2: {  	s14 =	simm.s32 $0x0;
	[tilespmem:$0x1410] =	vst v3  }
0x2d3: {  	v3 =	vld [tilespmem:s14+$0x0];
	_ =	sdelay $0x4  }
0x2d4: {  	v4 =	vand.u32 $0xF80, v3  }
0x2d5: {  	vm0 =	veq.s32 v4, $0x900  }
0x2d6: {  	v4 =	vmpcnt.ones.xlane vm0  }
0x2d7: {  	s31 =	sadd.s32 $0x0, s5  }
0x2d8: {  	v7 =	vadd.s32 s31, v2;
	v5 =	vmov s14;
	(v2sf) =	vpush v4, $0x0  }
0x2d9: {  	v6 =	vadd.s32 s14, v1;
	vm1 =	vlt.u32 v5, $0x200;
	v4 =	vshll.u32 v3, $0xF  }
0x2da: {  	v5 =	vsel vm1, v6, v7;
	v3 =	vshll.u32 v3, $0xA;
	v4 =	vand.u32 $0x3F8000, v4  }
0x2db: {  	v3 =	vand.u32 $0xFFC00000, v3;
	v4 =	vor.u32 v5, v4  }
0x2dc: {  	v3 =	vor.u32 v3, v4  }
0x2dd: {  	s15 =	simm.s32 $0x10;
	[tilespmem:s14+$0xD00] =	vst.msk vm0, v3  }
0x2de: {  	v3 =	vld [tilespmem:s15+$0x0];
	_ =	sdelay $0x2  }
0x2df: {  	s16 =	sadd.s32 $0x10, s5  }
0x2e0: {  	v62 =	vadd.s32 s16, v2;
	v4 =	vmov s15  }
0x2e1: {  	v5 =	vadd.s32 s15, v1;
	vm1 =	vlt.u32 v4, $0x200;
	v60 =	vand.u32 $0xF80, v3  }
0x2e2: {  	v61 =	vshll.u32 v3, $0xA;
	v3 =	vshll.u32 v3, $0xF;
	vm0 =	veq.s32 v60, $0x900  }
0x2e3: {  	v5 =	vsel vm1, v5, v62;
	v3 =	vand.u32 $0x3F8000, v3;
	v4 =	vmpcnt.ones.xlane vm0  }
0x2e4: {  	v63 =	vand.u32 $0xFFC00000, v61;
	v3 =	vor.u32 v5, v3  }
0x2e5: {  	s16 =	simm.s32 $0x20;
	v3 =	vor.u32 v63, v3;
	(v2sf) =	vpush v4, $0x0;
	s17 =	spop (v2sf)  }
.LBB2_38:
0x2e6: {  	p0 =	sne.s32 s16, $0x3F0  }
0x2e7: {  	s14 =	sadd.s32 s14, s17;
	s17 =	smov.u32 s16;
	s16 =	sadd.s32 $0x10, s16  }
0x2e8: {  	[tilespmem:s14+$0xD00] =	vst.msk vm0, v3  }
0x2e9: {  	s15 =	sadd.s32 $0x10, s15  }
0x2ea: {  	v3 =	vld [tilespmem:s15+$0x0];
	_ =	sdelay $0x3  }
0x2eb: {  	v4 =	vmov s17;
	v5 =	vadd.s32 s17, v1  }
0x2ec: {  	s17 =	sadd.s32 s5, s17;
	v6 =	vand.u32 $0xF80, v3;
	v7 =	vshll.u32 v3, $0xA;
	v3 =	vshll.u32 v3, $0xF  }
.Ltmp18:
0x2ed: {  	vm0 =	veq.s32 v6, $0x900;
	v6 =	vadd.s32 s17, v2;
	v3 =	vand.u32 $0x3F8000, v3;
	(pc) =	sbr.rel @p0 .LBB2_38-.Ltmp18, $4  }
0x2ee: {  	vm1 =	vlt.u32 v4, $0x200;
	v4 =	vand.u32 $0xFFC00000, v7;
	v7 =	vmpcnt.ones.xlane vm0  }
0x2ef: {  	v5 =	vsel vm1, v5, v6  }
0x2f0: {  	v3 =	vor.u32 v5, v3;
	(v2sf) =	vpush v7, $0x0  }
0x2f1: {  	v3 =	vor.u32 v4, v3;
	s17 =	spop (v2sf)  }
0x2f2: {  	_ =	sdelay $0x7  }
0x2f3: {  	s14 =	sadd.s32 s14, s17  }
0x2f4: {  	[tilespmem:s14+$0xD00] =	vst.msk vm0, v3  }
0x2f5: {  	v3 =	vld [tilespmem:$0x1410];
	_ =	sdelay $0x2  }
0x2f6: {  	s15 =	spop (v2sf)  }
0x2f7: {  	vm0 =	veq.s32 v0, $0x2;
	s14 =	sadd.s32 s14, s15  }
0x2f8: {  	v3 =	vsel vm0, s14, v3  }
0x2f9: {  	s14 =	simm.s32 $0x0;
	[tilespmem:$0x1410] =	vst v3  }
0x2fa: {  	v3 =	vld [tilespmem:s14+$0x0];
	_ =	sdelay $0x4  }
0x2fb: {  	v4 =	vand.u32 $0xF80, v3  }
0x2fc: {  	vm0 =	veq.s32 v4, $0x980  }
0x2fd: {  	v4 =	vmpcnt.ones.xlane vm0  }
0x2fe: {  	s31 =	sadd.s32 $0x0, s5  }
0x2ff: {  	v7 =	vadd.s32 s31, v2;
	v5 =	vmov s14;
	(v2sf) =	vpush v4, $0x0  }
0x300: {  	v6 =	vadd.s32 s14, v1;
	vm1 =	vlt.u32 v5, $0x200;
	v4 =	vshll.u32 v3, $0xF  }
0x301: {  	v5 =	vsel vm1, v6, v7;
	v3 =	vshll.u32 v3, $0xA;
	v4 =	vand.u32 $0x3F8000, v4  }
0x302: {  	v3 =	vand.u32 $0xFFC00000, v3;
	v4 =	vor.u32 v5, v4  }
0x303: {  	v3 =	vor.u32 v3, v4  }
0x304: {  	s15 =	simm.s32 $0x10;
	[tilespmem:s14+$0xD80] =	vst.msk vm0, v3  }
0x305: {  	v3 =	vld [tilespmem:s15+$0x0];
	_ =	sdelay $0x2  }
0x306: {  	s16 =	sadd.s32 $0x10, s5  }
0x307: {  	v62 =	vadd.s32 s16, v2;
	v4 =	vmov s15  }
0x308: {  	v5 =	vadd.s32 s15, v1;
	vm1 =	vlt.u32 v4, $0x200;
	v60 =	vand.u32 $0xF80, v3  }
0x309: {  	v61 =	vshll.u32 v3, $0xA;
	v3 =	vshll.u32 v3, $0xF;
	vm0 =	veq.s32 v60, $0x980  }
0x30a: {  	v5 =	vsel vm1, v5, v62;
	v3 =	vand.u32 $0x3F8000, v3;
	v4 =	vmpcnt.ones.xlane vm0  }
0x30b: {  	v63 =	vand.u32 $0xFFC00000, v61;
	v3 =	vor.u32 v5, v3  }
0x30c: {  	s16 =	simm.s32 $0x20;
	v3 =	vor.u32 v63, v3;
	(v2sf) =	vpush v4, $0x0;
	s17 =	spop (v2sf)  }
.LBB2_40:
0x30d: {  	p0 =	sne.s32 s16, $0x3F0  }
0x30e: {  	s14 =	sadd.s32 s14, s17;
	s17 =	smov.u32 s16;
	s16 =	sadd.s32 $0x10, s16  }
0x30f: {  	[tilespmem:s14+$0xD80] =	vst.msk vm0, v3  }
0x310: {  	s15 =	sadd.s32 $0x10, s15  }
0x311: {  	v3 =	vld [tilespmem:s15+$0x0];
	_ =	sdelay $0x3  }
0x312: {  	v4 =	vmov s17;
	v5 =	vadd.s32 s17, v1  }
0x313: {  	s17 =	sadd.s32 s5, s17;
	v6 =	vand.u32 $0xF80, v3;
	v7 =	vshll.u32 v3, $0xA;
	v3 =	vshll.u32 v3, $0xF  }
.Ltmp19:
0x314: {  	vm0 =	veq.s32 v6, $0x980;
	v6 =	vadd.s32 s17, v2;
	v3 =	vand.u32 $0x3F8000, v3;
	(pc) =	sbr.rel @p0 .LBB2_40-.Ltmp19, $4  }
0x315: {  	vm1 =	vlt.u32 v4, $0x200;
	v4 =	vand.u32 $0xFFC00000, v7;
	v7 =	vmpcnt.ones.xlane vm0  }
0x316: {  	v5 =	vsel vm1, v5, v6  }
0x317: {  	v3 =	vor.u32 v5, v3;
	(v2sf) =	vpush v7, $0x0  }
0x318: {  	v3 =	vor.u32 v4, v3;
	s17 =	spop (v2sf)  }
0x319: {  	_ =	sdelay $0x7  }
0x31a: {  	s14 =	sadd.s32 s14, s17  }
0x31b: {  	[tilespmem:s14+$0xD80] =	vst.msk vm0, v3  }
0x31c: {  	v3 =	vld [tilespmem:$0x1410];
	_ =	sdelay $0x2  }
0x31d: {  	s15 =	spop (v2sf)  }
0x31e: {  	vm0 =	veq.s32 v0, $0x3;
	s14 =	sadd.s32 s14, s15  }
0x31f: {  	v3 =	vsel vm0, s14, v3  }
0x320: {  	s14 =	simm.s32 $0x0;
	[tilespmem:$0x1410] =	vst v3  }
0x321: {  	v3 =	vld [tilespmem:s14+$0x0];
	_ =	sdelay $0x4  }
0x322: {  	v4 =	vand.u32 $0xF80, v3  }
0x323: {  	vm0 =	veq.s32 v4, $0xA00  }
0x324: {  	v4 =	vmpcnt.ones.xlane vm0  }
0x325: {  	s31 =	sadd.s32 $0x0, s5  }
0x326: {  	v7 =	vadd.s32 s31, v2;
	v5 =	vmov s14;
	(v2sf) =	vpush v4, $0x0  }
0x327: {  	v6 =	vadd.s32 s14, v1;
	vm1 =	vlt.u32 v5, $0x200;
	v4 =	vshll.u32 v3, $0xF  }
0x328: {  	v5 =	vsel vm1, v6, v7;
	v3 =	vshll.u32 v3, $0xA;
	v4 =	vand.u32 $0x3F8000, v4  }
0x329: {  	v3 =	vand.u32 $0xFFC00000, v3;
	v4 =	vor.u32 v5, v4  }
0x32a: {  	v3 =	vor.u32 v3, v4  }
0x32b: {  	s15 =	simm.s32 $0x10;
	[tilespmem:s14+$0xE00] =	vst.msk vm0, v3  }
0x32c: {  	v3 =	vld [tilespmem:s15+$0x0];
	_ =	sdelay $0x2  }
0x32d: {  	s16 =	sadd.s32 $0x10, s5  }
0x32e: {  	v62 =	vadd.s32 s16, v2;
	v4 =	vmov s15  }
0x32f: {  	v5 =	vadd.s32 s15, v1;
	vm1 =	vlt.u32 v4, $0x200;
	v60 =	vand.u32 $0xF80, v3  }
0x330: {  	v61 =	vshll.u32 v3, $0xA;
	v3 =	vshll.u32 v3, $0xF;
	vm0 =	veq.s32 v60, $0xA00  }
0x331: {  	v5 =	vsel vm1, v5, v62;
	v3 =	vand.u32 $0x3F8000, v3;
	v4 =	vmpcnt.ones.xlane vm0  }
0x332: {  	v63 =	vand.u32 $0xFFC00000, v61;
	v3 =	vor.u32 v5, v3  }
0x333: {  	s16 =	simm.s32 $0x20;
	v3 =	vor.u32 v63, v3;
	(v2sf) =	vpush v4, $0x0;
	s17 =	spop (v2sf)  }
.LBB2_42:
0x334: {  	p0 =	sne.s32 s16, $0x3F0  }
0x335: {  	s14 =	sadd.s32 s14, s17;
	s17 =	smov.u32 s16;
	s16 =	sadd.s32 $0x10, s16  }
0x336: {  	[tilespmem:s14+$0xE00] =	vst.msk vm0, v3  }
0x337: {  	s15 =	sadd.s32 $0x10, s15  }
0x338: {  	v3 =	vld [tilespmem:s15+$0x0];
	_ =	sdelay $0x3  }
0x339: {  	v4 =	vmov s17;
	v5 =	vadd.s32 s17, v1  }
0x33a: {  	s17 =	sadd.s32 s5, s17;
	v6 =	vand.u32 $0xF80, v3;
	v7 =	vshll.u32 v3, $0xA;
	v3 =	vshll.u32 v3, $0xF  }
.Ltmp20:
0x33b: {  	vm0 =	veq.s32 v6, $0xA00;
	v6 =	vadd.s32 s17, v2;
	v3 =	vand.u32 $0x3F8000, v3;
	(pc) =	sbr.rel @p0 .LBB2_42-.Ltmp20, $4  }
0x33c: {  	vm1 =	vlt.u32 v4, $0x200;
	v4 =	vand.u32 $0xFFC00000, v7;
	v7 =	vmpcnt.ones.xlane vm0  }
0x33d: {  	v5 =	vsel vm1, v5, v6  }
0x33e: {  	v3 =	vor.u32 v5, v3;
	(v2sf) =	vpush v7, $0x0  }
0x33f: {  	v3 =	vor.u32 v4, v3;
	s17 =	spop (v2sf)  }
0x340: {  	_ =	sdelay $0x7  }
0x341: {  	s14 =	sadd.s32 s14, s17  }
0x342: {  	[tilespmem:s14+$0xE00] =	vst.msk vm0, v3  }
0x343: {  	v3 =	vld [tilespmem:$0x1410];
	_ =	sdelay $0x2  }
0x344: {  	s15 =	spop (v2sf)  }
0x345: {  	vm0 =	veq.s32 v0, $0x4;
	s14 =	sadd.s32 s14, s15  }
0x346: {  	v3 =	vsel vm0, s14, v3  }
0x347: {  	s14 =	simm.s32 $0x0;
	[tilespmem:$0x1410] =	vst v3  }
0x348: {  	v3 =	vld [tilespmem:s14+$0x0];
	_ =	sdelay $0x4  }
0x349: {  	v4 =	vand.u32 $0xF80, v3  }
0x34a: {  	vm0 =	veq.s32 v4, $0xA80  }
0x34b: {  	v4 =	vmpcnt.ones.xlane vm0  }
0x34c: {  	s31 =	sadd.s32 $0x0, s5  }
0x34d: {  	v7 =	vadd.s32 s31, v2;
	v5 =	vmov s14;
	(v2sf) =	vpush v4, $0x0  }
0x34e: {  	v6 =	vadd.s32 s14, v1;
	vm1 =	vlt.u32 v5, $0x200;
	v4 =	vshll.u32 v3, $0xF  }
0x34f: {  	v5 =	vsel vm1, v6, v7;
	v3 =	vshll.u32 v3, $0xA;
	v4 =	vand.u32 $0x3F8000, v4  }
0x350: {  	v3 =	vand.u32 $0xFFC00000, v3;
	v4 =	vor.u32 v5, v4  }
0x351: {  	v3 =	vor.u32 v3, v4  }
0x352: {  	s15 =	simm.s32 $0x10;
	[tilespmem:s14+$0xE80] =	vst.msk vm0, v3  }
0x353: {  	v3 =	vld [tilespmem:s15+$0x0];
	_ =	sdelay $0x2  }
0x354: {  	s16 =	sadd.s32 $0x10, s5  }
0x355: {  	v62 =	vadd.s32 s16, v2;
	v4 =	vmov s15  }
0x356: {  	v5 =	vadd.s32 s15, v1;
	vm1 =	vlt.u32 v4, $0x200;
	v60 =	vand.u32 $0xF80, v3  }
0x357: {  	v61 =	vshll.u32 v3, $0xA;
	v3 =	vshll.u32 v3, $0xF;
	vm0 =	veq.s32 v60, $0xA80  }
0x358: {  	v5 =	vsel vm1, v5, v62;
	v3 =	vand.u32 $0x3F8000, v3;
	v4 =	vmpcnt.ones.xlane vm0  }
0x359: {  	v63 =	vand.u32 $0xFFC00000, v61;
	v3 =	vor.u32 v5, v3  }
0x35a: {  	s16 =	simm.s32 $0x20;
	v3 =	vor.u32 v63, v3;
	(v2sf) =	vpush v4, $0x0;
	s17 =	spop (v2sf)  }
.LBB2_44:
0x35b: {  	p0 =	sne.s32 s16, $0x3F0  }
0x35c: {  	s14 =	sadd.s32 s14, s17;
	s17 =	smov.u32 s16;
	s16 =	sadd.s32 $0x10, s16  }
0x35d: {  	[tilespmem:s14+$0xE80] =	vst.msk vm0, v3  }
0x35e: {  	s15 =	sadd.s32 $0x10, s15  }
0x35f: {  	v3 =	vld [tilespmem:s15+$0x0];
	_ =	sdelay $0x3  }
0x360: {  	v4 =	vmov s17;
	v5 =	vadd.s32 s17, v1  }
0x361: {  	s17 =	sadd.s32 s5, s17;
	v6 =	vand.u32 $0xF80, v3;
	v7 =	vshll.u32 v3, $0xA;
	v3 =	vshll.u32 v3, $0xF  }
.Ltmp21:
0x362: {  	vm0 =	veq.s32 v6, $0xA80;
	v6 =	vadd.s32 s17, v2;
	v3 =	vand.u32 $0x3F8000, v3;
	(pc) =	sbr.rel @p0 .LBB2_44-.Ltmp21, $4  }
0x363: {  	vm1 =	vlt.u32 v4, $0x200;
	v4 =	vand.u32 $0xFFC00000, v7;
	v7 =	vmpcnt.ones.xlane vm0  }
0x364: {  	v5 =	vsel vm1, v5, v6  }
0x365: {  	v3 =	vor.u32 v5, v3;
	(v2sf) =	vpush v7, $0x0  }
0x366: {  	v3 =	vor.u32 v4, v3;
	s17 =	spop (v2sf)  }
0x367: {  	_ =	sdelay $0x7  }
0x368: {  	s14 =	sadd.s32 s14, s17  }
0x369: {  	[tilespmem:s14+$0xE80] =	vst.msk vm0, v3  }
0x36a: {  	v3 =	vld [tilespmem:$0x1410];
	_ =	sdelay $0x2  }
0x36b: {  	s15 =	spop (v2sf)  }
0x36c: {  	vm0 =	veq.s32 v0, $0x5;
	s14 =	sadd.s32 s14, s15  }
0x36d: {  	v3 =	vsel vm0, s14, v3  }
0x36e: {  	s14 =	simm.s32 $0x0;
	[tilespmem:$0x1410] =	vst v3  }
0x36f: {  	v3 =	vld [tilespmem:s14+$0x0];
	_ =	sdelay $0x4  }
0x370: {  	v4 =	vand.u32 $0xF80, v3  }
0x371: {  	vm0 =	veq.s32 v4, $0xB00  }
0x372: {  	v4 =	vmpcnt.ones.xlane vm0  }
0x373: {  	s31 =	sadd.s32 $0x0, s5  }
0x374: {  	v7 =	vadd.s32 s31, v2;
	v5 =	vmov s14;
	(v2sf) =	vpush v4, $0x0  }
0x375: {  	v6 =	vadd.s32 s14, v1;
	vm1 =	vlt.u32 v5, $0x200;
	v4 =	vshll.u32 v3, $0xF  }
0x376: {  	v5 =	vsel vm1, v6, v7;
	v3 =	vshll.u32 v3, $0xA;
	v4 =	vand.u32 $0x3F8000, v4  }
0x377: {  	v3 =	vand.u32 $0xFFC00000, v3;
	v4 =	vor.u32 v5, v4  }
0x378: {  	v3 =	vor.u32 v3, v4  }
0x379: {  	s15 =	simm.s32 $0x10;
	[tilespmem:s14+$0xF00] =	vst.msk vm0, v3  }
0x37a: {  	v3 =	vld [tilespmem:s15+$0x0];
	_ =	sdelay $0x2  }
0x37b: {  	s16 =	sadd.s32 $0x10, s5  }
0x37c: {  	v62 =	vadd.s32 s16, v2;
	v4 =	vmov s15  }
0x37d: {  	v5 =	vadd.s32 s15, v1;
	vm1 =	vlt.u32 v4, $0x200;
	v60 =	vand.u32 $0xF80, v3  }
0x37e: {  	v61 =	vshll.u32 v3, $0xA;
	v3 =	vshll.u32 v3, $0xF;
	vm0 =	veq.s32 v60, $0xB00  }
0x37f: {  	v5 =	vsel vm1, v5, v62;
	v3 =	vand.u32 $0x3F8000, v3;
	v4 =	vmpcnt.ones.xlane vm0  }
0x380: {  	v63 =	vand.u32 $0xFFC00000, v61;
	v3 =	vor.u32 v5, v3  }
0x381: {  	s16 =	simm.s32 $0x20;
	v3 =	vor.u32 v63, v3;
	(v2sf) =	vpush v4, $0x0;
	s17 =	spop (v2sf)  }
.LBB2_46:
0x382: {  	p0 =	sne.s32 s16, $0x3F0  }
0x383: {  	s14 =	sadd.s32 s14, s17;
	s17 =	smov.u32 s16;
	s16 =	sadd.s32 $0x10, s16  }
0x384: {  	[tilespmem:s14+$0xF00] =	vst.msk vm0, v3  }
0x385: {  	s15 =	sadd.s32 $0x10, s15  }
0x386: {  	v3 =	vld [tilespmem:s15+$0x0];
	_ =	sdelay $0x3  }
0x387: {  	v4 =	vmov s17;
	v5 =	vadd.s32 s17, v1  }
0x388: {  	s17 =	sadd.s32 s5, s17;
	v6 =	vand.u32 $0xF80, v3;
	v7 =	vshll.u32 v3, $0xA;
	v3 =	vshll.u32 v3, $0xF  }
.Ltmp22:
0x389: {  	vm0 =	veq.s32 v6, $0xB00;
	v6 =	vadd.s32 s17, v2;
	v3 =	vand.u32 $0x3F8000, v3;
	(pc) =	sbr.rel @p0 .LBB2_46-.Ltmp22, $4  }
0x38a: {  	vm1 =	vlt.u32 v4, $0x200;
	v4 =	vand.u32 $0xFFC00000, v7;
	v7 =	vmpcnt.ones.xlane vm0  }
0x38b: {  	v5 =	vsel vm1, v5, v6  }
0x38c: {  	v3 =	vor.u32 v5, v3;
	(v2sf) =	vpush v7, $0x0  }
0x38d: {  	v3 =	vor.u32 v4, v3;
	s17 =	spop (v2sf)  }
0x38e: {  	_ =	sdelay $0x7  }
0x38f: {  	s14 =	sadd.s32 s14, s17  }
0x390: {  	[tilespmem:s14+$0xF00] =	vst.msk vm0, v3  }
0x391: {  	v3 =	vld [tilespmem:$0x1410];
	_ =	sdelay $0x2  }
0x392: {  	s15 =	spop (v2sf)  }
0x393: {  	vm0 =	veq.s32 v0, $0x6;
	s14 =	sadd.s32 s14, s15  }
0x394: {  	v3 =	vsel vm0, s14, v3  }
0x395: {  	s14 =	simm.s32 $0x0;
	[tilespmem:$0x1410] =	vst v3  }
0x396: {  	v3 =	vld [tilespmem:s14+$0x0];
	_ =	sdelay $0x4  }
0x397: {  	v4 =	vand.u32 $0xF80, v3  }
0x398: {  	vm0 =	veq.s32 v4, $0xB80  }
0x399: {  	v4 =	vmpcnt.ones.xlane vm0  }
0x39a: {  	s31 =	sadd.s32 $0x0, s5  }
0x39b: {  	v7 =	vadd.s32 s31, v2;
	v5 =	vmov s14;
	(v2sf) =	vpush v4, $0x0  }
0x39c: {  	v6 =	vadd.s32 s14, v1;
	vm1 =	vlt.u32 v5, $0x200;
	v4 =	vshll.u32 v3, $0xF  }
0x39d: {  	v5 =	vsel vm1, v6, v7;
	v3 =	vshll.u32 v3, $0xA;
	v4 =	vand.u32 $0x3F8000, v4  }
0x39e: {  	v3 =	vand.u32 $0xFFC00000, v3;
	v4 =	vor.u32 v5, v4  }
0x39f: {  	v3 =	vor.u32 v3, v4  }
0x3a0: {  	s15 =	simm.s32 $0x10;
	[tilespmem:s14+$0xF80] =	vst.msk vm0, v3  }
0x3a1: {  	v3 =	vld [tilespmem:s15+$0x0];
	_ =	sdelay $0x2  }
0x3a2: {  	s16 =	sadd.s32 $0x10, s5  }
0x3a3: {  	v62 =	vadd.s32 s16, v2;
	v4 =	vmov s15  }
0x3a4: {  	v5 =	vadd.s32 s15, v1;
	vm1 =	vlt.u32 v4, $0x200;
	v60 =	vand.u32 $0xF80, v3  }
0x3a5: {  	v61 =	vshll.u32 v3, $0xA;
	v3 =	vshll.u32 v3, $0xF;
	vm0 =	veq.s32 v60, $0xB80  }
0x3a6: {  	v5 =	vsel vm1, v5, v62;
	v3 =	vand.u32 $0x3F8000, v3;
	v4 =	vmpcnt.ones.xlane vm0  }
0x3a7: {  	v63 =	vand.u32 $0xFFC00000, v61;
	v3 =	vor.u32 v5, v3  }
0x3a8: {  	s16 =	simm.s32 $0x20;
	v3 =	vor.u32 v63, v3;
	(v2sf) =	vpush v4, $0x0;
	s17 =	spop (v2sf)  }
.LBB2_48:
0x3a9: {  	p0 =	sne.s32 s16, $0x3F0  }
0x3aa: {  	s14 =	sadd.s32 s14, s17;
	s17 =	smov.u32 s16;
	s16 =	sadd.s32 $0x10, s16  }
0x3ab: {  	[tilespmem:s14+$0xF80] =	vst.msk vm0, v3  }
0x3ac: {  	s15 =	sadd.s32 $0x10, s15  }
0x3ad: {  	v3 =	vld [tilespmem:s15+$0x0];
	_ =	sdelay $0x3  }
0x3ae: {  	v4 =	vmov s17;
	v5 =	vadd.s32 s17, v1  }
0x3af: {  	s17 =	sadd.s32 s5, s17;
	v6 =	vand.u32 $0xF80, v3;
	v7 =	vshll.u32 v3, $0xA;
	v3 =	vshll.u32 v3, $0xF  }
.Ltmp23:
0x3b0: {  	vm0 =	veq.s32 v6, $0xB80;
	v6 =	vadd.s32 s17, v2;
	v3 =	vand.u32 $0x3F8000, v3;
	(pc) =	sbr.rel @p0 .LBB2_48-.Ltmp23, $4  }
0x3b1: {  	vm1 =	vlt.u32 v4, $0x200;
	v4 =	vand.u32 $0xFFC00000, v7;
	v7 =	vmpcnt.ones.xlane vm0  }
0x3b2: {  	v5 =	vsel vm1, v5, v6  }
0x3b3: {  	v3 =	vor.u32 v5, v3;
	(v2sf) =	vpush v7, $0x0  }
0x3b4: {  	v3 =	vor.u32 v4, v3;
	s17 =	spop (v2sf)  }
0x3b5: {  	_ =	sdelay $0x7  }
0x3b6: {  	s14 =	sadd.s32 s14, s17  }
0x3b7: {  	[tilespmem:s14+$0xF80] =	vst.msk vm0, v3  }
0x3b8: {  	v3 =	vld [tilespmem:$0x1410];
	_ =	sdelay $0x2  }
0x3b9: {  	s15 =	spop (v2sf)  }
0x3ba: {  	vm0 =	veq.s32 v0, $0x7;
	s14 =	sadd.s32 s14, s15  }
0x3bb: {  	v3 =	vsel vm0, s14, v3  }
0x3bc: {  	s14 =	simm.s32 $0x0;
	[tilespmem:$0x1410] =	vst v3  }
0x3bd: {  	v3 =	vld [tilespmem:s14+$0x0];
	_ =	sdelay $0x4  }
0x3be: {  	v4 =	vand.u32 $0xF80, v3  }
0x3bf: {  	vm0 =	veq.s32 v4, $0xC00  }
0x3c0: {  	v4 =	vmpcnt.ones.xlane vm0  }
0x3c1: {  	s31 =	sadd.s32 $0x0, s5  }
0x3c2: {  	v7 =	vadd.s32 s31, v2;
	v5 =	vmov s14;
	(v2sf) =	vpush v4, $0x0  }
0x3c3: {  	v6 =	vadd.s32 s14, v1;
	vm1 =	vlt.u32 v5, $0x200;
	v4 =	vshll.u32 v3, $0xF  }
0x3c4: {  	v5 =	vsel vm1, v6, v7;
	v3 =	vshll.u32 v3, $0xA;
	v4 =	vand.u32 $0x3F8000, v4  }
0x3c5: {  	v3 =	vand.u32 $0xFFC00000, v3;
	v4 =	vor.u32 v5, v4  }
0x3c6: {  	v3 =	vor.u32 v3, v4  }
0x3c7: {  	s15 =	simm.s32 $0x10;
	[tilespmem:s14+$0x1000] =	vst.msk vm0, v3  }
0x3c8: {  	v3 =	vld [tilespmem:s15+$0x0];
	_ =	sdelay $0x2  }
0x3c9: {  	s16 =	sadd.s32 $0x10, s5  }
0x3ca: {  	v62 =	vadd.s32 s16, v2;
	v4 =	vmov s15  }
0x3cb: {  	v5 =	vadd.s32 s15, v1;
	vm1 =	vlt.u32 v4, $0x200;
	v60 =	vand.u32 $0xF80, v3  }
0x3cc: {  	v61 =	vshll.u32 v3, $0xA;
	v3 =	vshll.u32 v3, $0xF;
	vm0 =	veq.s32 v60, $0xC00  }
0x3cd: {  	v5 =	vsel vm1, v5, v62;
	v3 =	vand.u32 $0x3F8000, v3;
	v4 =	vmpcnt.ones.xlane vm0  }
0x3ce: {  	v63 =	vand.u32 $0xFFC00000, v61;
	v3 =	vor.u32 v5, v3  }
0x3cf: {  	s16 =	simm.s32 $0x20;
	v3 =	vor.u32 v63, v3;
	(v2sf) =	vpush v4, $0x0;
	s17 =	spop (v2sf)  }
.LBB2_50:
0x3d0: {  	p0 =	sne.s32 s16, $0x3F0  }
0x3d1: {  	s14 =	sadd.s32 s14, s17;
	s17 =	smov.u32 s16;
	s16 =	sadd.s32 $0x10, s16  }
0x3d2: {  	[tilespmem:s14+$0x1000] =	vst.msk vm0, v3  }
0x3d3: {  	s15 =	sadd.s32 $0x10, s15  }
0x3d4: {  	v3 =	vld [tilespmem:s15+$0x0];
	_ =	sdelay $0x3  }
0x3d5: {  	v4 =	vmov s17;
	v5 =	vadd.s32 s17, v1  }
0x3d6: {  	s17 =	sadd.s32 s5, s17;
	v6 =	vand.u32 $0xF80, v3;
	v7 =	vshll.u32 v3, $0xA;
	v3 =	vshll.u32 v3, $0xF  }
.Ltmp24:
0x3d7: {  	vm0 =	veq.s32 v6, $0xC00;
	v6 =	vadd.s32 s17, v2;
	v3 =	vand.u32 $0x3F8000, v3;
	(pc) =	sbr.rel @p0 .LBB2_50-.Ltmp24, $4  }
0x3d8: {  	vm1 =	vlt.u32 v4, $0x200;
	v4 =	vand.u32 $0xFFC00000, v7;
	v7 =	vmpcnt.ones.xlane vm0  }
0x3d9: {  	v5 =	vsel vm1, v5, v6  }
0x3da: {  	v3 =	vor.u32 v5, v3;
	(v2sf) =	vpush v7, $0x0  }
0x3db: {  	v3 =	vor.u32 v4, v3;
	s17 =	spop (v2sf)  }
0x3dc: {  	_ =	sdelay $0x7  }
0x3dd: {  	s14 =	sadd.s32 s14, s17  }
0x3de: {  	[tilespmem:s14+$0x1000] =	vst.msk vm0, v3  }
0x3df: {  	v3 =	vld [tilespmem:$0x1410];
	_ =	sdelay $0x2  }
0x3e0: {  	s15 =	spop (v2sf)  }
0x3e1: {  	vm0 =	veq.s32 v0, $0x8;
	s14 =	sadd.s32 s14, s15  }
0x3e2: {  	v3 =	vsel vm0, s14, v3  }
0x3e3: {  	s14 =	simm.s32 $0x0;
	[tilespmem:$0x1410] =	vst v3  }
0x3e4: {  	v3 =	vld [tilespmem:s14+$0x0];
	_ =	sdelay $0x4  }
0x3e5: {  	v4 =	vand.u32 $0xF80, v3  }
0x3e6: {  	vm0 =	veq.s32 v4, $0xC80  }
0x3e7: {  	v4 =	vmpcnt.ones.xlane vm0  }
0x3e8: {  	s31 =	sadd.s32 $0x0, s5  }
0x3e9: {  	v7 =	vadd.s32 s31, v2;
	v5 =	vmov s14;
	(v2sf) =	vpush v4, $0x0  }
0x3ea: {  	v6 =	vadd.s32 s14, v1;
	vm1 =	vlt.u32 v5, $0x200;
	v4 =	vshll.u32 v3, $0xF  }
0x3eb: {  	v5 =	vsel vm1, v6, v7;
	v3 =	vshll.u32 v3, $0xA;
	v4 =	vand.u32 $0x3F8000, v4  }
0x3ec: {  	v3 =	vand.u32 $0xFFC00000, v3;
	v4 =	vor.u32 v5, v4  }
0x3ed: {  	v3 =	vor.u32 v3, v4  }
0x3ee: {  	s15 =	simm.s32 $0x10;
	[tilespmem:s14+$0x1080] =	vst.msk vm0, v3  }
0x3ef: {  	v3 =	vld [tilespmem:s15+$0x0];
	_ =	sdelay $0x2  }
0x3f0: {  	s16 =	sadd.s32 $0x10, s5  }
0x3f1: {  	v62 =	vadd.s32 s16, v2;
	v4 =	vmov s15  }
0x3f2: {  	v5 =	vadd.s32 s15, v1;
	vm1 =	vlt.u32 v4, $0x200;
	v60 =	vand.u32 $0xF80, v3  }
0x3f3: {  	v61 =	vshll.u32 v3, $0xA;
	v3 =	vshll.u32 v3, $0xF;
	vm0 =	veq.s32 v60, $0xC80  }
0x3f4: {  	v5 =	vsel vm1, v5, v62;
	v3 =	vand.u32 $0x3F8000, v3;
	v4 =	vmpcnt.ones.xlane vm0  }
0x3f5: {  	v63 =	vand.u32 $0xFFC00000, v61;
	v3 =	vor.u32 v5, v3  }
0x3f6: {  	s16 =	simm.s32 $0x20;
	v3 =	vor.u32 v63, v3;
	(v2sf) =	vpush v4, $0x0;
	s17 =	spop (v2sf)  }
.LBB2_52:
0x3f7: {  	p0 =	sne.s32 s16, $0x3F0  }
0x3f8: {  	s14 =	sadd.s32 s14, s17;
	s17 =	smov.u32 s16;
	s16 =	sadd.s32 $0x10, s16  }
0x3f9: {  	[tilespmem:s14+$0x1080] =	vst.msk vm0, v3  }
0x3fa: {  	s15 =	sadd.s32 $0x10, s15  }
0x3fb: {  	v3 =	vld [tilespmem:s15+$0x0];
	_ =	sdelay $0x3  }
0x3fc: {  	v4 =	vmov s17;
	v5 =	vadd.s32 s17, v1  }
0x3fd: {  	s17 =	sadd.s32 s5, s17;
	v6 =	vand.u32 $0xF80, v3;
	v7 =	vshll.u32 v3, $0xA;
	v3 =	vshll.u32 v3, $0xF  }
.Ltmp25:
0x3fe: {  	vm0 =	veq.s32 v6, $0xC80;
	v6 =	vadd.s32 s17, v2;
	v3 =	vand.u32 $0x3F8000, v3;
	(pc) =	sbr.rel @p0 .LBB2_52-.Ltmp25, $4  }
0x3ff: {  	vm1 =	vlt.u32 v4, $0x200;
	v4 =	vand.u32 $0xFFC00000, v7;
	v7 =	vmpcnt.ones.xlane vm0  }
0x400: {  	v5 =	vsel vm1, v5, v6  }
0x401: {  	v3 =	vor.u32 v5, v3;
	(v2sf) =	vpush v7, $0x0  }
0x402: {  	v3 =	vor.u32 v4, v3;
	s17 =	spop (v2sf)  }
0x403: {  	_ =	sdelay $0x7  }
0x404: {  	s14 =	sadd.s32 s14, s17  }
0x405: {  	[tilespmem:s14+$0x1080] =	vst.msk vm0, v3  }
0x406: {  	v3 =	vld [tilespmem:$0x1410];
	_ =	sdelay $0x2  }
0x407: {  	s15 =	spop (v2sf)  }
0x408: {  	vm0 =	veq.s32 v0, $0x9;
	s14 =	sadd.s32 s14, s15  }
0x409: {  	v3 =	vsel vm0, s14, v3  }
0x40a: {  	s14 =	simm.s32 $0x0;
	[tilespmem:$0x1410] =	vst v3  }
0x40b: {  	v3 =	vld [tilespmem:s14+$0x0];
	_ =	sdelay $0x4  }
0x40c: {  	v4 =	vand.u32 $0xF80, v3  }
0x40d: {  	vm0 =	veq.s32 v4, $0xD00  }
0x40e: {  	v4 =	vmpcnt.ones.xlane vm0  }
0x40f: {  	s31 =	sadd.s32 $0x0, s5  }
0x410: {  	v7 =	vadd.s32 s31, v2;
	v5 =	vmov s14;
	(v2sf) =	vpush v4, $0x0  }
0x411: {  	v6 =	vadd.s32 s14, v1;
	vm1 =	vlt.u32 v5, $0x200;
	v4 =	vshll.u32 v3, $0xF  }
0x412: {  	v5 =	vsel vm1, v6, v7;
	v3 =	vshll.u32 v3, $0xA;
	v4 =	vand.u32 $0x3F8000, v4  }
0x413: {  	v3 =	vand.u32 $0xFFC00000, v3;
	v4 =	vor.u32 v5, v4  }
0x414: {  	v3 =	vor.u32 v3, v4  }
0x415: {  	s15 =	simm.s32 $0x10;
	[tilespmem:s14+$0x1100] =	vst.msk vm0, v3  }
0x416: {  	v3 =	vld [tilespmem:s15+$0x0];
	_ =	sdelay $0x2  }
0x417: {  	s16 =	sadd.s32 $0x10, s5  }
0x418: {  	v62 =	vadd.s32 s16, v2;
	v4 =	vmov s15  }
0x419: {  	v5 =	vadd.s32 s15, v1;
	vm1 =	vlt.u32 v4, $0x200;
	v60 =	vand.u32 $0xF80, v3  }
0x41a: {  	v61 =	vshll.u32 v3, $0xA;
	v3 =	vshll.u32 v3, $0xF;
	vm0 =	veq.s32 v60, $0xD00  }
0x41b: {  	v5 =	vsel vm1, v5, v62;
	v3 =	vand.u32 $0x3F8000, v3;
	v4 =	vmpcnt.ones.xlane vm0  }
0x41c: {  	v63 =	vand.u32 $0xFFC00000, v61;
	v3 =	vor.u32 v5, v3  }
0x41d: {  	s16 =	simm.s32 $0x20;
	v3 =	vor.u32 v63, v3;
	(v2sf) =	vpush v4, $0x0;
	s17 =	spop (v2sf)  }
.LBB2_54:
0x41e: {  	p0 =	sne.s32 s16, $0x3F0  }
0x41f: {  	s14 =	sadd.s32 s14, s17;
	s17 =	smov.u32 s16;
	s16 =	sadd.s32 $0x10, s16  }
0x420: {  	[tilespmem:s14+$0x1100] =	vst.msk vm0, v3  }
0x421: {  	s15 =	sadd.s32 $0x10, s15  }
0x422: {  	v3 =	vld [tilespmem:s15+$0x0];
	_ =	sdelay $0x3  }
0x423: {  	v4 =	vmov s17;
	v5 =	vadd.s32 s17, v1  }
0x424: {  	s17 =	sadd.s32 s5, s17;
	v6 =	vand.u32 $0xF80, v3;
	v7 =	vshll.u32 v3, $0xA;
	v3 =	vshll.u32 v3, $0xF  }
.Ltmp26:
0x425: {  	vm0 =	veq.s32 v6, $0xD00;
	v6 =	vadd.s32 s17, v2;
	v3 =	vand.u32 $0x3F8000, v3;
	(pc) =	sbr.rel @p0 .LBB2_54-.Ltmp26, $4  }
0x426: {  	vm1 =	vlt.u32 v4, $0x200;
	v4 =	vand.u32 $0xFFC00000, v7;
	v7 =	vmpcnt.ones.xlane vm0  }
0x427: {  	v5 =	vsel vm1, v5, v6  }
0x428: {  	v3 =	vor.u32 v5, v3;
	(v2sf) =	vpush v7, $0x0  }
0x429: {  	v3 =	vor.u32 v4, v3;
	s17 =	spop (v2sf)  }
0x42a: {  	_ =	sdelay $0x7  }
0x42b: {  	s14 =	sadd.s32 s14, s17  }
0x42c: {  	[tilespmem:s14+$0x1100] =	vst.msk vm0, v3  }
0x42d: {  	v3 =	vld [tilespmem:$0x1410];
	_ =	sdelay $0x2  }
0x42e: {  	s15 =	spop (v2sf)  }
0x42f: {  	vm0 =	veq.s32 v0, $0xA;
	s14 =	sadd.s32 s14, s15  }
0x430: {  	v3 =	vsel vm0, s14, v3  }
0x431: {  	s14 =	simm.s32 $0x0;
	[tilespmem:$0x1410] =	vst v3  }
0x432: {  	v3 =	vld [tilespmem:s14+$0x0];
	_ =	sdelay $0x4  }
0x433: {  	v4 =	vand.u32 $0xF80, v3  }
0x434: {  	vm0 =	veq.s32 v4, $0xD80  }
0x435: {  	v4 =	vmpcnt.ones.xlane vm0  }
0x436: {  	s31 =	sadd.s32 $0x0, s5  }
0x437: {  	v7 =	vadd.s32 s31, v2;
	v5 =	vmov s14;
	(v2sf) =	vpush v4, $0x0  }
0x438: {  	v6 =	vadd.s32 s14, v1;
	vm1 =	vlt.u32 v5, $0x200;
	v4 =	vshll.u32 v3, $0xF  }
0x439: {  	v5 =	vsel vm1, v6, v7;
	v3 =	vshll.u32 v3, $0xA;
	v4 =	vand.u32 $0x3F8000, v4  }
0x43a: {  	v3 =	vand.u32 $0xFFC00000, v3;
	v4 =	vor.u32 v5, v4  }
0x43b: {  	v3 =	vor.u32 v3, v4  }
0x43c: {  	s15 =	simm.s32 $0x10;
	[tilespmem:s14+$0x1180] =	vst.msk vm0, v3  }
0x43d: {  	v3 =	vld [tilespmem:s15+$0x0];
	_ =	sdelay $0x2  }
0x43e: {  	s16 =	sadd.s32 $0x10, s5  }
0x43f: {  	v62 =	vadd.s32 s16, v2;
	v4 =	vmov s15  }
0x440: {  	v5 =	vadd.s32 s15, v1;
	vm1 =	vlt.u32 v4, $0x200;
	v60 =	vand.u32 $0xF80, v3  }
0x441: {  	v61 =	vshll.u32 v3, $0xA;
	v3 =	vshll.u32 v3, $0xF;
	vm0 =	veq.s32 v60, $0xD80  }
0x442: {  	v5 =	vsel vm1, v5, v62;
	v3 =	vand.u32 $0x3F8000, v3;
	v4 =	vmpcnt.ones.xlane vm0  }
0x443: {  	v63 =	vand.u32 $0xFFC00000, v61;
	v3 =	vor.u32 v5, v3  }
0x444: {  	s16 =	simm.s32 $0x20;
	v3 =	vor.u32 v63, v3;
	(v2sf) =	vpush v4, $0x0;
	s17 =	spop (v2sf)  }
.LBB2_56:
0x445: {  	p0 =	sne.s32 s16, $0x3F0  }
0x446: {  	s14 =	sadd.s32 s14, s17;
	s17 =	smov.u32 s16;
	s16 =	sadd.s32 $0x10, s16  }
0x447: {  	[tilespmem:s14+$0x1180] =	vst.msk vm0, v3  }
0x448: {  	s15 =	sadd.s32 $0x10, s15  }
0x449: {  	v3 =	vld [tilespmem:s15+$0x0];
	_ =	sdelay $0x3  }
0x44a: {  	v4 =	vmov s17;
	v5 =	vadd.s32 s17, v1  }
0x44b: {  	s17 =	sadd.s32 s5, s17;
	v6 =	vand.u32 $0xF80, v3;
	v7 =	vshll.u32 v3, $0xA;
	v3 =	vshll.u32 v3, $0xF  }
.Ltmp27:
0x44c: {  	vm0 =	veq.s32 v6, $0xD80;
	v6 =	vadd.s32 s17, v2;
	v3 =	vand.u32 $0x3F8000, v3;
	(pc) =	sbr.rel @p0 .LBB2_56-.Ltmp27, $4  }
0x44d: {  	vm1 =	vlt.u32 v4, $0x200;
	v4 =	vand.u32 $0xFFC00000, v7;
	v7 =	vmpcnt.ones.xlane vm0  }
0x44e: {  	v5 =	vsel vm1, v5, v6  }
0x44f: {  	v3 =	vor.u32 v5, v3;
	(v2sf) =	vpush v7, $0x0  }
0x450: {  	v3 =	vor.u32 v4, v3;
	s17 =	spop (v2sf)  }
0x451: {  	_ =	sdelay $0x7  }
0x452: {  	s14 =	sadd.s32 s14, s17  }
0x453: {  	[tilespmem:s14+$0x1180] =	vst.msk vm0, v3  }
0x454: {  	v3 =	vld [tilespmem:$0x1410];
	_ =	sdelay $0x2  }
0x455: {  	s15 =	spop (v2sf)  }
0x456: {  	vm0 =	veq.s32 v0, $0xB;
	s14 =	sadd.s32 s14, s15  }
0x457: {  	v3 =	vsel vm0, s14, v3  }
0x458: {  	s14 =	simm.s32 $0x0;
	[tilespmem:$0x1410] =	vst v3  }
0x459: {  	v3 =	vld [tilespmem:s14+$0x0];
	_ =	sdelay $0x4  }
0x45a: {  	v4 =	vand.u32 $0xF80, v3  }
0x45b: {  	vm0 =	veq.s32 v4, $0xE00  }
0x45c: {  	v4 =	vmpcnt.ones.xlane vm0  }
0x45d: {  	s31 =	sadd.s32 $0x0, s5  }
0x45e: {  	v7 =	vadd.s32 s31, v2;
	v5 =	vmov s14;
	(v2sf) =	vpush v4, $0x0  }
0x45f: {  	v6 =	vadd.s32 s14, v1;
	vm1 =	vlt.u32 v5, $0x200;
	v4 =	vshll.u32 v3, $0xF  }
0x460: {  	v5 =	vsel vm1, v6, v7;
	v3 =	vshll.u32 v3, $0xA;
	v4 =	vand.u32 $0x3F8000, v4  }
0x461: {  	v3 =	vand.u32 $0xFFC00000, v3;
	v4 =	vor.u32 v5, v4  }
0x462: {  	v3 =	vor.u32 v3, v4  }
0x463: {  	s15 =	simm.s32 $0x10;
	[tilespmem:s14+$0x1200] =	vst.msk vm0, v3  }
0x464: {  	v3 =	vld [tilespmem:s15+$0x0];
	_ =	sdelay $0x2  }
0x465: {  	s16 =	sadd.s32 $0x10, s5  }
0x466: {  	v62 =	vadd.s32 s16, v2;
	v4 =	vmov s15  }
0x467: {  	v5 =	vadd.s32 s15, v1;
	vm1 =	vlt.u32 v4, $0x200;
	v60 =	vand.u32 $0xF80, v3  }
0x468: {  	v61 =	vshll.u32 v3, $0xA;
	v3 =	vshll.u32 v3, $0xF;
	vm0 =	veq.s32 v60, $0xE00  }
0x469: {  	v5 =	vsel vm1, v5, v62;
	v3 =	vand.u32 $0x3F8000, v3;
	v4 =	vmpcnt.ones.xlane vm0  }
0x46a: {  	v63 =	vand.u32 $0xFFC00000, v61;
	v3 =	vor.u32 v5, v3  }
0x46b: {  	s16 =	simm.s32 $0x20;
	v3 =	vor.u32 v63, v3;
	(v2sf) =	vpush v4, $0x0;
	s17 =	spop (v2sf)  }
.LBB2_58:
0x46c: {  	p0 =	sne.s32 s16, $0x3F0  }
0x46d: {  	s14 =	sadd.s32 s14, s17;
	s17 =	smov.u32 s16;
	s16 =	sadd.s32 $0x10, s16  }
0x46e: {  	[tilespmem:s14+$0x1200] =	vst.msk vm0, v3  }
0x46f: {  	s15 =	sadd.s32 $0x10, s15  }
0x470: {  	v3 =	vld [tilespmem:s15+$0x0];
	_ =	sdelay $0x3  }
0x471: {  	v4 =	vmov s17;
	v5 =	vadd.s32 s17, v1  }
0x472: {  	s17 =	sadd.s32 s5, s17;
	v6 =	vand.u32 $0xF80, v3;
	v7 =	vshll.u32 v3, $0xA;
	v3 =	vshll.u32 v3, $0xF  }
.Ltmp28:
0x473: {  	vm0 =	veq.s32 v6, $0xE00;
	v6 =	vadd.s32 s17, v2;
	v3 =	vand.u32 $0x3F8000, v3;
	(pc) =	sbr.rel @p0 .LBB2_58-.Ltmp28, $4  }
0x474: {  	vm1 =	vlt.u32 v4, $0x200;
	v4 =	vand.u32 $0xFFC00000, v7;
	v7 =	vmpcnt.ones.xlane vm0  }
0x475: {  	v5 =	vsel vm1, v5, v6  }
0x476: {  	v3 =	vor.u32 v5, v3;
	(v2sf) =	vpush v7, $0x0  }
0x477: {  	v3 =	vor.u32 v4, v3;
	s17 =	spop (v2sf)  }
0x478: {  	_ =	sdelay $0x7  }
0x479: {  	s14 =	sadd.s32 s14, s17  }
0x47a: {  	[tilespmem:s14+$0x1200] =	vst.msk vm0, v3  }
0x47b: {  	v3 =	vld [tilespmem:$0x1410];
	_ =	sdelay $0x2  }
0x47c: {  	s15 =	spop (v2sf)  }
0x47d: {  	vm0 =	veq.s32 v0, $0xC;
	s14 =	sadd.s32 s14, s15  }
0x47e: {  	v3 =	vsel vm0, s14, v3  }
0x47f: {  	s14 =	simm.s32 $0x0;
	[tilespmem:$0x1410] =	vst v3  }
0x480: {  	v3 =	vld [tilespmem:s14+$0x0];
	_ =	sdelay $0x4  }
0x481: {  	v4 =	vand.u32 $0xF80, v3  }
0x482: {  	vm0 =	veq.s32 v4, $0xE80  }
0x483: {  	v4 =	vmpcnt.ones.xlane vm0  }
0x484: {  	s31 =	sadd.s32 $0x0, s5  }
0x485: {  	v7 =	vadd.s32 s31, v2;
	v5 =	vmov s14;
	(v2sf) =	vpush v4, $0x0  }
0x486: {  	v6 =	vadd.s32 s14, v1;
	vm1 =	vlt.u32 v5, $0x200;
	v4 =	vshll.u32 v3, $0xF  }
0x487: {  	v5 =	vsel vm1, v6, v7;
	v3 =	vshll.u32 v3, $0xA;
	v4 =	vand.u32 $0x3F8000, v4  }
0x488: {  	v3 =	vand.u32 $0xFFC00000, v3;
	v4 =	vor.u32 v5, v4  }
0x489: {  	v3 =	vor.u32 v3, v4  }
0x48a: {  	s15 =	simm.s32 $0x10;
	[tilespmem:s14+$0x1280] =	vst.msk vm0, v3  }
0x48b: {  	v3 =	vld [tilespmem:s15+$0x0];
	_ =	sdelay $0x2  }
0x48c: {  	s16 =	sadd.s32 $0x10, s5  }
0x48d: {  	v62 =	vadd.s32 s16, v2;
	v4 =	vmov s15  }
0x48e: {  	v5 =	vadd.s32 s15, v1;
	vm1 =	vlt.u32 v4, $0x200;
	v60 =	vand.u32 $0xF80, v3  }
0x48f: {  	v61 =	vshll.u32 v3, $0xA;
	v3 =	vshll.u32 v3, $0xF;
	vm0 =	veq.s32 v60, $0xE80  }
0x490: {  	v5 =	vsel vm1, v5, v62;
	v3 =	vand.u32 $0x3F8000, v3;
	v4 =	vmpcnt.ones.xlane vm0  }
0x491: {  	v63 =	vand.u32 $0xFFC00000, v61;
	v3 =	vor.u32 v5, v3  }
0x492: {  	s16 =	simm.s32 $0x20;
	v3 =	vor.u32 v63, v3;
	(v2sf) =	vpush v4, $0x0;
	s17 =	spop (v2sf)  }
.LBB2_60:
0x493: {  	p0 =	sne.s32 s16, $0x3F0  }
0x494: {  	s14 =	sadd.s32 s14, s17;
	s17 =	smov.u32 s16;
	s16 =	sadd.s32 $0x10, s16  }
0x495: {  	[tilespmem:s14+$0x1280] =	vst.msk vm0, v3  }
0x496: {  	s15 =	sadd.s32 $0x10, s15  }
0x497: {  	v3 =	vld [tilespmem:s15+$0x0];
	_ =	sdelay $0x3  }
0x498: {  	v4 =	vmov s17;
	v5 =	vadd.s32 s17, v1  }
0x499: {  	s17 =	sadd.s32 s5, s17;
	v6 =	vand.u32 $0xF80, v3;
	v7 =	vshll.u32 v3, $0xA;
	v3 =	vshll.u32 v3, $0xF  }
.Ltmp29:
0x49a: {  	vm0 =	veq.s32 v6, $0xE80;
	v6 =	vadd.s32 s17, v2;
	v3 =	vand.u32 $0x3F8000, v3;
	(pc) =	sbr.rel @p0 .LBB2_60-.Ltmp29, $4  }
0x49b: {  	vm1 =	vlt.u32 v4, $0x200;
	v4 =	vand.u32 $0xFFC00000, v7;
	v7 =	vmpcnt.ones.xlane vm0  }
0x49c: {  	v5 =	vsel vm1, v5, v6  }
0x49d: {  	v3 =	vor.u32 v5, v3;
	(v2sf) =	vpush v7, $0x0  }
0x49e: {  	v3 =	vor.u32 v4, v3;
	s17 =	spop (v2sf)  }
0x49f: {  	_ =	sdelay $0x7  }
0x4a0: {  	s14 =	sadd.s32 s14, s17  }
0x4a1: {  	[tilespmem:s14+$0x1280] =	vst.msk vm0, v3  }
0x4a2: {  	v3 =	vld [tilespmem:$0x1410];
	_ =	sdelay $0x2  }
0x4a3: {  	s15 =	spop (v2sf)  }
0x4a4: {  	vm0 =	veq.s32 v0, $0xD;
	s14 =	sadd.s32 s14, s15  }
0x4a5: {  	v3 =	vsel vm0, s14, v3  }
0x4a6: {  	s14 =	simm.s32 $0x0;
	[tilespmem:$0x1410] =	vst v3  }
0x4a7: {  	v3 =	vld [tilespmem:s14+$0x0];
	_ =	sdelay $0x4  }
0x4a8: {  	v4 =	vand.u32 $0xF80, v3  }
0x4a9: {  	vm0 =	veq.s32 v4, $0xF00  }
0x4aa: {  	v4 =	vmpcnt.ones.xlane vm0  }
0x4ab: {  	s31 =	sadd.s32 $0x0, s5  }
0x4ac: {  	v7 =	vadd.s32 s31, v2;
	v5 =	vmov s14;
	(v2sf) =	vpush v4, $0x0  }
0x4ad: {  	v6 =	vadd.s32 s14, v1;
	vm1 =	vlt.u32 v5, $0x200;
	v4 =	vshll.u32 v3, $0xF  }
0x4ae: {  	v5 =	vsel vm1, v6, v7;
	v3 =	vshll.u32 v3, $0xA;
	v4 =	vand.u32 $0x3F8000, v4  }
0x4af: {  	v3 =	vand.u32 $0xFFC00000, v3;
	v4 =	vor.u32 v5, v4  }
0x4b0: {  	v3 =	vor.u32 v3, v4  }
0x4b1: {  	s15 =	simm.s32 $0x10;
	[tilespmem:s14+$0x1300] =	vst.msk vm0, v3  }
0x4b2: {  	v3 =	vld [tilespmem:s15+$0x0];
	_ =	sdelay $0x2  }
0x4b3: {  	s16 =	sadd.s32 $0x10, s5  }
0x4b4: {  	v62 =	vadd.s32 s16, v2;
	v4 =	vmov s15  }
0x4b5: {  	v5 =	vadd.s32 s15, v1;
	vm1 =	vlt.u32 v4, $0x200;
	v60 =	vand.u32 $0xF80, v3  }
0x4b6: {  	v61 =	vshll.u32 v3, $0xA;
	v3 =	vshll.u32 v3, $0xF;
	vm0 =	veq.s32 v60, $0xF00  }
0x4b7: {  	v5 =	vsel vm1, v5, v62;
	v3 =	vand.u32 $0x3F8000, v3;
	v4 =	vmpcnt.ones.xlane vm0  }
0x4b8: {  	v63 =	vand.u32 $0xFFC00000, v61;
	v3 =	vor.u32 v5, v3  }
0x4b9: {  	s16 =	simm.s32 $0x20;
	v3 =	vor.u32 v63, v3;
	(v2sf) =	vpush v4, $0x0;
	s17 =	spop (v2sf)  }
.LBB2_62:
0x4ba: {  	p0 =	sne.s32 s16, $0x3F0  }
0x4bb: {  	s14 =	sadd.s32 s14, s17;
	s17 =	smov.u32 s16;
	s16 =	sadd.s32 $0x10, s16  }
0x4bc: {  	[tilespmem:s14+$0x1300] =	vst.msk vm0, v3  }
0x4bd: {  	s15 =	sadd.s32 $0x10, s15  }
0x4be: {  	v3 =	vld [tilespmem:s15+$0x0];
	_ =	sdelay $0x3  }
0x4bf: {  	v4 =	vmov s17;
	v5 =	vadd.s32 s17, v1  }
0x4c0: {  	s17 =	sadd.s32 s5, s17;
	v6 =	vand.u32 $0xF80, v3;
	v7 =	vshll.u32 v3, $0xA;
	v3 =	vshll.u32 v3, $0xF  }
.Ltmp30:
0x4c1: {  	vm0 =	veq.s32 v6, $0xF00;
	v6 =	vadd.s32 s17, v2;
	v3 =	vand.u32 $0x3F8000, v3;
	(pc) =	sbr.rel @p0 .LBB2_62-.Ltmp30, $4  }
0x4c2: {  	vm1 =	vlt.u32 v4, $0x200;
	v4 =	vand.u32 $0xFFC00000, v7;
	v7 =	vmpcnt.ones.xlane vm0  }
0x4c3: {  	v5 =	vsel vm1, v5, v6  }
0x4c4: {  	v3 =	vor.u32 v5, v3;
	(v2sf) =	vpush v7, $0x0  }
0x4c5: {  	v3 =	vor.u32 v4, v3;
	s17 =	spop (v2sf)  }
0x4c6: {  	_ =	sdelay $0x7  }
0x4c7: {  	s14 =	sadd.s32 s14, s17  }
0x4c8: {  	[tilespmem:s14+$0x1300] =	vst.msk vm0, v3  }
0x4c9: {  	v3 =	vld [tilespmem:$0x1410];
	_ =	sdelay $0x2  }
0x4ca: {  	s15 =	spop (v2sf)  }
0x4cb: {  	vm0 =	veq.s32 v0, $0xE;
	s14 =	sadd.s32 s14, s15  }
0x4cc: {  	v3 =	vsel vm0, s14, v3  }
0x4cd: {  	s14 =	simm.s32 $0x0;
	[tilespmem:$0x1410] =	vst v3  }
0x4ce: {  	v3 =	vld [tilespmem:s14+$0x0];
	_ =	sdelay $0x4  }
0x4cf: {  	v4 =	vand.u32 $0xF80, v3  }
0x4d0: {  	vm0 =	veq.s32 v4, $0xF80  }
0x4d1: {  	v4 =	vmpcnt.ones.xlane vm0  }
0x4d2: {  	s31 =	sadd.s32 $0x0, s5  }
0x4d3: {  	v7 =	vadd.s32 s31, v2;
	v5 =	vmov s14;
	(v2sf) =	vpush v4, $0x0  }
0x4d4: {  	v6 =	vadd.s32 s14, v1;
	vm1 =	vlt.u32 v5, $0x200;
	v4 =	vshll.u32 v3, $0xF  }
0x4d5: {  	v5 =	vsel vm1, v6, v7;
	v3 =	vshll.u32 v3, $0xA;
	v4 =	vand.u32 $0x3F8000, v4  }
0x4d6: {  	v3 =	vand.u32 $0xFFC00000, v3;
	v4 =	vor.u32 v5, v4  }
0x4d7: {  	v3 =	vor.u32 v3, v4  }
0x4d8: {  	s15 =	simm.s32 $0x10;
	[tilespmem:s14+$0x1380] =	vst.msk vm0, v3  }
0x4d9: {  	v3 =	vld [tilespmem:s15+$0x0];
	_ =	sdelay $0x2  }
0x4da: {  	s16 =	sadd.s32 $0x10, s5  }
0x4db: {  	v62 =	vadd.s32 s16, v2;
	v4 =	vmov s15  }
0x4dc: {  	v5 =	vadd.s32 s15, v1;
	vm1 =	vlt.u32 v4, $0x200;
	v60 =	vand.u32 $0xF80, v3  }
0x4dd: {  	v61 =	vshll.u32 v3, $0xA;
	v3 =	vshll.u32 v3, $0xF;
	vm0 =	veq.s32 v60, $0xF80  }
0x4de: {  	v5 =	vsel vm1, v5, v62;
	v3 =	vand.u32 $0x3F8000, v3;
	v4 =	vmpcnt.ones.xlane vm0  }
0x4df: {  	v63 =	vand.u32 $0xFFC00000, v61;
	v3 =	vor.u32 v5, v3  }
0x4e0: {  	s16 =	simm.s32 $0x20;
	v3 =	vor.u32 v63, v3;
	(v2sf) =	vpush v4, $0x0;
	s17 =	spop (v2sf)  }
.LBB2_64:
0x4e1: {  	p0 =	sne.s32 s16, $0x3F0  }
0x4e2: {  	s14 =	sadd.s32 s14, s17;
	s17 =	smov.u32 s16;
	s16 =	sadd.s32 $0x10, s16  }
0x4e3: {  	[tilespmem:s14+$0x1380] =	vst.msk vm0, v3  }
0x4e4: {  	s15 =	sadd.s32 $0x10, s15  }
0x4e5: {  	v3 =	vld [tilespmem:s15+$0x0];
	_ =	sdelay $0x3  }
0x4e6: {  	v4 =	vmov s17;
	v5 =	vadd.s32 s17, v1  }
0x4e7: {  	s17 =	sadd.s32 s5, s17;
	v6 =	vand.u32 $0xF80, v3;
	v7 =	vshll.u32 v3, $0xA;
	v3 =	vshll.u32 v3, $0xF  }
.Ltmp31:
0x4e8: {  	vm0 =	veq.s32 v6, $0xF80;
	v6 =	vadd.s32 s17, v2;
	v3 =	vand.u32 $0x3F8000, v3;
	(pc) =	sbr.rel @p0 .LBB2_64-.Ltmp31, $4  }
0x4e9: {  	vm1 =	vlt.u32 v4, $0x200;
	v4 =	vand.u32 $0xFFC00000, v7;
	v7 =	vmpcnt.ones.xlane vm0  }
0x4ea: {  	v5 =	vsel vm1, v5, v6  }
0x4eb: {  	v3 =	vor.u32 v5, v3;
	(v2sf) =	vpush v7, $0x0  }
0x4ec: {  	v3 =	vor.u32 v4, v3;
	s17 =	spop (v2sf)  }
0x4ed: {  	_ =	sdelay $0x7  }
0x4ee: {  	s14 =	sadd.s32 s14, s17  }
0x4ef: {  	[tilespmem:s14+$0x1380] =	vst.msk vm0, v3  }
0x4f0: {  	v3 =	vld [tilespmem:$0x1410];
	_ =	sdelay $0x2  }
0x4f1: {  	s15 =	spop (v2sf)  }
0x4f2: {  	vm15 =	veq.s32 v0, $0xF;
	s14 =	sadd.s32 s14, s15  }
0x4f3: {  	v3 =	vsel vm15, s14, v3  }
0x4f4: {  	[tilespmem:$0x1410] =	vst v3  }
0x4f5: {  	[hbm4b:s6+s2] =	stream.linear.scatter [tilespmem:s11], [sflag:$0x1], $0x1000, $0x38;
	[tilespmem:$0x1480] =	vst v63  }
0x4f6: {  	s13 =	sadd.s32 $0x1, s13;
	_ =	swait.ge [sflag:s9], $0x1000  }
0x4f7: {  	p0 =	sne.s32 s13, s8;
	[sflag:s9] =	ssyncset.done $0x0  }
.Ltmp32:
0x4f8: {  	[sflag:s9] =	ssyncadd.s32 $0xFFFFF000;
	(pc) =	sbr.rel @p0 .LBB2_1-.Ltmp32, $4  }
0x4f9: {  	[hbm4b:s7+s2] =	stream.linear.scatter [tilespmem:s12], [sflag:$0x1], $0x20, $0x38;
	[tilespmem:$0x1480] =	vst v63  }
0x4fa: {  	_ =	swait.ge [sflag:s9], $0x20  }
0x4fb: {  	[sflag:s9] =	ssyncset.done $0x0  }
0x4fc: {  	[sflag:s9] =	ssyncadd.s32 $0xFFFFFFE0  }
0x4fd: {  	_ =	sfence.sel $0x180000  }
0x4fe: {  	[bflag:$0x0] =	sbarrier.arrive $0xFFFF  }
0x4ff: {  	p0 =	sne.s32 s1, $0x0;
	_ =	strace $0x90000047  }
0x500: {  	s0 =	sadd.s32 @!p0 $0x100000, s0;
	[bflag:$0x2] =	sbarrier.arrive $0xFFFF  }
0x501: {  	[sflag:s0] =	ssyncadd.tile.s32 @!p0 $0x1;
	_ =	shalt  }
.Lfunc_end2:
_tile_overlayer_lowered:
.L_overlay_start_2:
0x502: {  	(tag) =	ssettag $0x2  }
0x503: {  	s0 =	rddreg [dreg:$0x0];
	s2 =	stileid.u32  }
0x504: {  	s1 =	rddreg [dreg:$0x1];
	p0 =	sne.s32 s2, $0x0  }
0x505: {  	s3 =	rddreg [dreg:$0x2];
	[bflag:$0x3] =	sbarrier.arrive $0xFFFF;
	s2 =	simm.s32 @!p0 $0x1C01  }
0x506: {  	[timem:s3], [sflag:s2] =	dma.local @!p0 [hbm:s0], s1  }
0x507: {  	s0 =	simm.s32 @!p0 $0x1  }
0x508: {  	_ =	swait.ge @!p0 [sflag:s0], s1  }
0x509: {  	s1 =	ssub.s32 @!p0 $0x0, s1;
	[sflag:s0] =	ssyncset.done @!p0 $0x0  }
0x50a: {  	[sflag:s0] =	ssyncadd.s32 @!p0 s1  }
0x50b: {  	[bflag:$0x3] =	sbarrier.arrive $0xFFFF  }
0x50c: {  	_ =	shalt  }

</sc_bundles>
